<compile_context>
chip_gen: v7x
topology: tpu7x:2x2x1
jax: 0.10.2.dev20260603
libtpu: 0.0.44.dev20260713+nightly
codegen_flags: <defaults>
</compile_context>

<pallas_src>
import functools

import jax
import jax.numpy as jnp
from jax import lax
from jax.experimental import pallas as pl
from jax.experimental.pallas import tpu as pltpu
from jax.experimental.pallas import tpu_sc as plsc

N_HIST = 100000
HB = 768
H1 = 256
D = 128
A = 4
B = 4096
T = 524288
BIN = 801
NSEG = B * A

NW = 32
SEGW = NSEG // NW
TB = 128
NPOS = T // 8
MROW = 1024
HROW = 512


def _mlp_body(a_ref, w1_ref, b1_ref, w2_ref, b2_ref, q_ref, h_ref, lg_ref):
    z = jnp.dot(a_ref[...], w1_ref[...], preferred_element_type=jnp.float32)
    z = jnp.maximum(z + b1_ref[...], 0.0)
    h = jnp.dot(z, w2_ref[...], preferred_element_type=jnp.float32)
    h = h + b2_ref[...]
    h_ref[...] = h
    lg_ref[...] = lax.dot_general(q_ref[...], h, (((1,), (1,)), ((), ())),
                                  preferred_element_type=jnp.float32)


def _hist_mlp(hist_bert, W1, b1, W2, b2, q):
    grid = (N_HIST + MROW - 1) // MROW
    return pl.pallas_call(
        _mlp_body,
        grid=(grid,),
        in_specs=[
            pl.BlockSpec((MROW, HB), lambda i: (i, 0)),
            pl.BlockSpec((HB, H1), lambda i: (0, 0)),
            pl.BlockSpec((1, H1), lambda i: (0, 0)),
            pl.BlockSpec((H1, D), lambda i: (0, 0)),
            pl.BlockSpec((1, D), lambda i: (0, 0)),
            pl.BlockSpec((A, D), lambda i: (0, 0)),
        ],
        out_specs=[
            pl.BlockSpec((MROW, D), lambda i: (i, 0)),
            pl.BlockSpec((A, MROW), lambda i: (0, i)),
        ],
        out_shape=[
            jax.ShapeDtypeStruct((N_HIST, D), jnp.float32),
            jax.ShapeDtypeStruct((A, N_HIST), jnp.float32),
        ],
    )(hist_bert, W1, b1, W2, b2, q)


def _sc_pool_body(tab_hbm, tabf_hbm, fi_hbm, sg_hbm, out_hbm,
                  fi0_v, ci0_v, sg0_v, sc0_v, rows0_v,
                  fi1_v, ci1_v, sg1_v, sc1_v, rows1_v,
                  acc_v, den_v, bs_v, sem0, sem1):
    wid = lax.axis_index("c") * 16 + lax.axis_index("s")
    seg0 = wid * SEGW

    def _lb8(target):
        def _step(_, lh):
            lo, hi = lh
            mid = jnp.minimum(lax.div(lo + hi, 2), NPOS - 1)
            pltpu.sync_copy(sg_hbm.at[pl.ds(mid * 8, 8)],
                            bs_v.at[pl.ds(0, 8)])
            v = bs_v[...][0]
            pred = v < target
            nlo = jnp.where(pred, mid + 1, lo)
            nhi = jnp.where(pred, hi, mid)
            done = lo >= hi
            return (jnp.where(done, lo, nlo), jnp.where(done, hi, nhi))

        lo, _ = lax.fori_loop(0, 17, _step, (jnp.int32(0), jnp.int32(NPOS)))
        return lo

    t0 = 8 * jnp.maximum(_lb8(seg0) - 1, 0)
    t1 = 8 * _lb8(seg0 + SEGW)

    zf = jnp.zeros((16,), jnp.float32)

    def _zero(r, _):
        for c in range(8):
            acc_v[r, pl.ds(c * 16, 16)] = zf
        den_v[r, :] = zf
        return _

    lax.fori_loop(0, SEGW + 1, _zero, None)

    kb0 = lax.div(t0, TB)
    nb = lax.div(t1 - kb0 * TB + (TB - 1), TB)

    def _prefetch(i, fi_b, ci_b, sg_b, sc_b, rows_b, sem):
        kb = jnp.minimum(kb0 + i, (T // TB) - 1)
        tb = kb * TB
        pltpu.sync_copy(fi_hbm.at[pl.ds(tb, TB)], fi_b)
        pltpu.sync_copy(sg_hbm.at[pl.ds(tb, TB)], sg_b)
        for c in range(TB // 16):
            sl = pl.ds(c * 16, 16)
            ci_b[sl] = (jnp.bitwise_and(sg_b[sl], A - 1) * N_HIST
                        + fi_b[sl])
        pltpu.async_copy(tab_hbm.at[fi_b], rows_b, sem)
        pltpu.async_copy(tabf_hbm.at[ci_b], sc_b, sem)

    def _process(fi_b, ci_b, sg_b, sc_b, rows_b, sem):
        pltpu.make_async_copy(tab_hbm.at[fi_b], rows_b, sem).wait()
        pltpu.make_async_copy(tabf_hbm.at[ci_b], sc_b, sem).wait()
        for c in range(TB // 16):
            sl = pl.ds(c * 16, 16)
            sc_b[sl] = jnp.exp(sc_b[sl])

        @plsc.parallel_loop(0, TB, unroll=4)
        def _tok(j):
            idxj = jnp.full((16,), j, jnp.int32)
            sgb = plsc.load_gather(sg_b, [idxj])
            eb = plsc.load_gather(sc_b, [idxj])
            r = sgb[0] - seg0
            rc = jnp.where((r >= 0) & (r < SEGW), r, SEGW)
            for c in range(8):
                sl = pl.ds(c * 16, 16)
                plsc.addupdate(acc_v.at[rc, sl], rows_b[j, sl] * eb)
            plsc.addupdate(den_v.at[rc, :], eb)

    bufs = ((fi0_v, ci0_v, sg0_v, sc0_v, rows0_v, sem0),
            (fi1_v, ci1_v, sg1_v, sc1_v, rows1_v, sem1))

    @pl.when(nb > 0)
    def _():
        _prefetch(0, *bufs[0])

    def _pair(i, _):
        even = jnp.bitwise_and(i, 1) == 0

        @pl.when(even)
        def _():
            @pl.when(i + 1 < nb)
            def _():
                _prefetch(i + 1, *bufs[1])
            _process(*bufs[0])

        @pl.when(jnp.logical_not(even))
        def _():
            @pl.when(i + 1 < nb)
            def _():
                _prefetch(i + 1, *bufs[0])
            _process(*bufs[1])

        return _

    lax.fori_loop(0, nb, _pair, None)

    def _scale(r, _):
        dv = den_v[r, :]
        rb = jnp.where(dv > 0.0, 1.0 / dv, 0.0)
        for c in range(8):
            sl = pl.ds(c * 16, 16)
            acc_v[r, sl] = acc_v[r, sl] * rb
        return _

    lax.fori_loop(0, SEGW, _scale, None)
    pltpu.sync_copy(acc_v.at[pl.ds(0, SEGW)], out_hbm.at[pl.ds(seg0, SEGW)])


def _sc_pool(row_tab, row_tab_flat, flat_idx, segment_ids):
    mesh = plsc.VectorSubcoreMesh(core_axis_name="c", subcore_axis_name="s")
    buf = [
        pltpu.VMEM((TB,), jnp.int32),
        pltpu.VMEM((TB,), jnp.int32),
        pltpu.VMEM((TB,), jnp.int32),
        pltpu.VMEM((TB,), jnp.float32),
        pltpu.VMEM((TB, D), jnp.float32),
    ]
    f = pl.kernel(
        _sc_pool_body,
        out_type=jax.ShapeDtypeStruct((NSEG, D), jnp.float32),
        mesh=mesh,
        scratch_types=buf + buf + [
            pltpu.VMEM((SEGW + 1, D), jnp.float32),
            pltpu.VMEM((SEGW + 1, 16), jnp.float32),
            pltpu.VMEM((16,), jnp.int32),
            pltpu.SemaphoreType.DMA,
            pltpu.SemaphoreType.DMA,
        ],
        compiler_params=pltpu.CompilerParams(use_tc_tiling_on_sc=False,
                                             needs_layout_passes=False),
    )
    return f(row_tab, row_tab_flat, flat_idx, segment_ids)


def _head_body(t2_ref, x_ref, w_ref, d_ref, e1w_ref, e1b_ref, e2w_ref,
               e2b_ref, m1a_ref, m1b_ref, m1bias_ref, m2_ref, m2b_ref,
               out_ref):
    z = jnp.dot(x_ref[...], e1w_ref[...], preferred_element_type=jnp.float32)
    z = jnp.maximum(z + e1b_ref[...], 0.0)
    bv = jnp.dot(z, e2w_ref[...], preferred_element_type=jnp.float32)
    bv = bv + e2b_ref[...]
    t2 = t2_ref[...]
    wb = w_ref[...]
    wt = (t2[:, 0 * D:1 * D] * wb[:, 0:1] + t2[:, 1 * D:2 * D] * wb[:, 1:2]
          + t2[:, 2 * D:3 * D] * wb[:, 2:3] + t2[:, 3 * D:4 * D] * wb[:, 3:4])
    m = wt * bv
    h1 = jnp.dot(m, m1a_ref[...], preferred_element_type=jnp.float32)
    h1 = jnp.maximum(h1 + d_ref[...] * m1b_ref[...] + m1bias_ref[...], 0.0)
    out_ref[...] = (
        jnp.dot(h1, m2_ref[...], preferred_element_type=jnp.float32)
        + m2b_ref[...]
    )


def _head(taste2, x801, w, dist, E1, e1, E2, e2, M1a, M1b, m1, M2, m2):
    grid = B // HROW
    return pl.pallas_call(
        _head_body,
        grid=(grid,),
        in_specs=[
            pl.BlockSpec((HROW, A * D), lambda i: (i, 0)),
            pl.BlockSpec((HROW, BIN), lambda i: (i, 0)),
            pl.BlockSpec((HROW, A), lambda i: (i, 0)),
            pl.BlockSpec((HROW, 1), lambda i: (i, 0)),
            pl.BlockSpec((BIN, H1), lambda i: (0, 0)),
            pl.BlockSpec((1, H1), lambda i: (0, 0)),
            pl.BlockSpec((H1, D), lambda i: (0, 0)),
            pl.BlockSpec((1, D), lambda i: (0, 0)),
            pl.BlockSpec((D, 64), lambda i: (0, 0)),
            pl.BlockSpec((1, 64), lambda i: (0, 0)),
            pl.BlockSpec((1, 64), lambda i: (0, 0)),
            pl.BlockSpec((64, 1), lambda i: (0, 0)),
            pl.BlockSpec((1, 1), lambda i: (0, 0)),
        ],
        out_specs=pl.BlockSpec((HROW, 1), lambda i: (i, 0)),
        out_shape=jax.ShapeDtypeStruct((B, 1), jnp.float32),
    )(taste2, x801, w, dist, E1, e1, E2, e2, M1a, M1b, m1, M2, m2)


def kernel(hist_bert, flat_idx, segment_ids, x801, w, distance_feat,
           W1, b1, W2, b2, q, E1, e1, E2, e2, M1, m1, M2, m2):
    h_tab, lgT = _hist_mlp(hist_bert, W1, b1.reshape(1, H1), W2,
                           b2.reshape(1, D), q)
    taste = _sc_pool(h_tab, lgT.reshape(A * N_HIST), flat_idx, segment_ids)

    out = _head(taste.reshape(B, A * D), x801, w, distance_feat.reshape(B, 1),
                E1, e1.reshape(1, H1), E2, e2.reshape(1, D),
                M1[:D], M1[D:D + 1], m1.reshape(1, 64), M2, m2.reshape(1, 1))
    return out.reshape(B)

# --- scband reference (transcript-rebuilt; emitter-appended) ---
"""Pipeline reference for scband-full-model-39659728011493 (READ-ONLY COPY).

The authoritative reference and input builder live on the scoring server;
editing this copy changes nothing except your own understanding.
"""

import jax, jax.numpy as jnp
import numpy as np


def setup_inputs(seed: int = 0) -> dict:
    key = jax.random.key(seed)
    ks = jax.random.split(key, 24)
    N_hist, B, A, D, T = 100000, 4096, 4, 128, 524288
    HB, BIN = 768, 801
    inp = {}
    inp['hist_bert'] = jax.random.normal(ks[0], (N_hist, HB), jnp.float32)
    inp['flat_idx'] = jax.random.randint(ks[1], (T,), 0, N_hist, jnp.int32)
    inp['segment_ids'] = jnp.sort(jax.random.randint(ks[2], (T,), 0, B * A, jnp.int32))
    inp['x801'] = jax.random.normal(ks[3], (B, BIN), jnp.float32)
    inp['w'] = jax.random.uniform(ks[4], (B, A), jnp.float32)
    inp['distance_feat'] = jax.random.normal(ks[5], (B,), jnp.float32)
    s = 0.02
    inp['W1'] = jax.random.normal(ks[6], (HB, 256), jnp.float32) * s
    inp['b1'] = jnp.zeros((256,), jnp.float32)
    inp['W2'] = jax.random.normal(ks[7], (256, D), jnp.float32) * s
    inp['b2'] = jnp.zeros((D,), jnp.float32)
    inp['q'] = jax.random.normal(ks[8], (A, D), jnp.float32) * s
    inp['E1'] = jax.random.normal(ks[9], (BIN, 256), jnp.float32) * s
    inp['e1'] = jnp.zeros((256,), jnp.float32)
    inp['E2'] = jax.random.normal(ks[10], (256, D), jnp.float32) * s
    inp['e2'] = jnp.zeros((D,), jnp.float32)
    inp['M1'] = jax.random.normal(ks[11], (D + 1, 64), jnp.float32) * s
    inp['m1'] = jnp.zeros((64,), jnp.float32)
    inp['M2'] = jax.random.normal(ks[12], (64, 1), jnp.float32) * s
    inp['m2'] = jnp.zeros((1,), jnp.float32)
    return inp


def reference(hist_bert, flat_idx, segment_ids, x801, w, distance_feat,
              W1, b1, W2, b2, q, E1, e1, E2, e2, M1, m1, M2, m2):
    A, D = q.shape
    B = x801.shape[0]
    num_seg = B * A
    # business_hist_proj (dropout is identity in eval)
    h = jax.nn.relu(hist_bert @ W1 + b1) @ W2 + b2  # [N_hist, D]
    # ragged gather of history embeddings
    v = jnp.take(h, flat_idx, axis=0)  # [T, D]
    aspect = segment_ids % A
    qt = jnp.take(q, aspect, axis=0)  # [T, D]
    scores = jnp.sum(v * qt, axis=1)  # [T]
    # segment softmax (numerically stable)
    smax = jax.ops.segment_max(scores, segment_ids, num_segments=num_seg)
    smax = jnp.where(jnp.isfinite(smax), smax, 0.0)
    e = jnp.exp(scores - smax[segment_ids])
    denom = jax.ops.segment_sum(e, segment_ids, num_segments=num_seg)
    alpha = e / denom[segment_ids]
    taste = jax.ops.segment_sum(alpha[:, None] * v, segment_ids, num_segments=num_seg)
    taste = taste.reshape(B, A, D)  # empty segments stay zero, matching torch
    # business encoder
    bv = jax.nn.relu(x801 @ E1 + e1) @ E2 + e2  # [B, D]
    # score
    m_k = taste * bv[:, None, :]
    m = jnp.sum(m_k * w[:, :, None], axis=1)  # [B, D]
    x = jnp.concatenate([m, distance_feat[:, None]], axis=1)  # [B, D+1]
    out = (jax.nn.relu(x @ M1 + m1) @ M2 + m2)[:, 0]  # [B]
    return out

if __name__ == "__main__":
    import jax
    _d = setup_inputs()
    print(jax.jit(kernel)(*tuple(_d.values())))

</pallas_src>

<mosaic_0001>
#map = affine_map<(d0, d1) -> (0, 0)>
#map1 = affine_map<(d0, d1) -> (0)>
module attributes {stable_mosaic.version = 14 : i64} {
  func.func @_sc_pool_body(%arg0: i32, %arg1: i32, %arg2: memref<100000x128xf32, #tpu.memory_space<hbm>>, %arg3: memref<400000xf32, #tpu.memory_space<hbm>>, %arg4: memref<524288xi32, #tpu.memory_space<hbm>>, %arg5: memref<524288xi32, #tpu.memory_space<hbm>>, %arg6: memref<16384x128xf32, #tpu.memory_space<hbm>>, %arg7: memref<128xi32, #tpu.memory_space<vmem>>, %arg8: memref<128xi32, #tpu.memory_space<vmem>>, %arg9: memref<128xi32, #tpu.memory_space<vmem>>, %arg10: memref<128xf32, #tpu.memory_space<vmem>>, %arg11: memref<128x128xf32, #tpu.memory_space<vmem>>, %arg12: memref<128xi32, #tpu.memory_space<vmem>>, %arg13: memref<128xi32, #tpu.memory_space<vmem>>, %arg14: memref<128xi32, #tpu.memory_space<vmem>>, %arg15: memref<128xf32, #tpu.memory_space<vmem>>, %arg16: memref<128x128xf32, #tpu.memory_space<vmem>>, %arg17: memref<513x128xf32, #tpu.memory_space<vmem>>, %arg18: memref<513x16xf32, #tpu.memory_space<vmem>>, %arg19: memref<16xi32, #tpu.memory_space<vmem>>, %arg20: memref<!tpu.dma_semaphore, #tpu.memory_space<semaphore_mem>>, %arg21: memref<!tpu.dma_semaphore, #tpu.memory_space<semaphore_mem>>) attributes {dimension_semantics = [#tpu.dimension_semantics<core_parallel>, #tpu.dimension_semantics<subcore_parallel>], iteration_bounds = array<i64: 2, 16>, scalar_prefetch = 0 : i64, scratch_operands = 15 : i64, tpu.core_type = #tpu.core_type<sc_vector_subcore>, window_params = [{transform_indices = #map}, {transform_indices = #map1}, {transform_indices = #map1}, {transform_indices = #map1}, {transform_indices = #map}]} {
    %mul3A = arith.constant 16 : i32
    %mul3A_0 = arith.muli %arg0, %mul3A : i32
    %add3A = arith.addi %mul3A_0, %arg1 : i32
    %mul3A_1 = arith.constant 512 : i32
    %mul3A_2 = arith.muli %add3A, %mul3A_1 : i32
    %scan3A = arith.constant 0 : i32
    %scan3A_3 = arith.constant 65536 : i32
    %scan3A_4 = arith.constant 0 : i32
    %scan3A_5 = arith.constant 17 : i32
    %scan3A_6 = arith.addi %scan3A_4, %scan3A_5 : i32
    %scan3A_7 = arith.constant 1 : i32
    %scan3A_8:2 = scf.for %scan3A_55 = %scan3A_4 to %scan3A_6 step %scan3A_7 iter_args(%scan3A_56 = %scan3A, %scan3A_57 = %scan3A_3) -> (i32, i32)  : i32 {
      %add3A_58 = arith.addi %scan3A_56, %scan3A_57 : i32
      %div3A_59 = arith.constant 2 : i32
      %div3A_60 = arith.divsi %add3A_58, %div3A_59 : i32
      %min3A = arith.constant 65535 : i32
      %min3A_61 = arith.minsi %div3A_60, %min3A : i32
      %mul3A_62 = arith.constant 8 : i32
      %mul3A_63 = arith.muli %min3A_61, %mul3A_62 : i32
      "tpu.region"() ({
        %run_scoped3A = tpu.sem_alloc : memref<!tpu.dma_semaphore, #tpu.memory_space<semaphore_mem>>
        %dma_start3A = arith.constant 0 : i32
        %dma_start3A_70 = tpu.memref_slice %arg19[%dma_start3A] : memref<16xi32, #tpu.memory_space<vmem>> -> memref<8xi32, #tpu.memory_space<vmem>>
        %dma_start3A_71 = tpu.memref_slice %arg5[%mul3A_63] : memref<524288xi32, #tpu.memory_space<hbm>> -> memref<8xi32, #tpu.memory_space<hbm>>
        %dma_start3A_72 = arith.constant 0 : i32
        %dma_start3A_73 = tpu.memref_slice %arg19[%dma_start3A_72] : memref<16xi32, #tpu.memory_space<vmem>> -> memref<8xi32, #tpu.memory_space<vmem>>
        %dma_start3A_74 = tpu.memref_slice %arg5[%mul3A_63] : memref<524288xi32, #tpu.memory_space<hbm>> -> memref<8xi32, #tpu.memory_space<hbm>>
        tpu.enqueue_dma source(%dma_start3A_74 : memref<8xi32, #tpu.memory_space<hbm>>) target(%dma_start3A_73 : memref<8xi32, #tpu.memory_space<vmem>>) target_semaphore(%run_scoped3A : memref<!tpu.dma_semaphore, #tpu.memory_space<semaphore_mem>>)
        %dma_wait3A = arith.constant 0 : i32
        %dma_wait3A_75 = tpu.memref_slice %arg19[%dma_wait3A] : memref<16xi32, #tpu.memory_space<vmem>> -> memref<8xi32, #tpu.memory_space<vmem>>
        %dma_wait3A_76 = tpu.memref_slice %arg5[%mul3A_63] : memref<524288xi32, #tpu.memory_space<hbm>> -> memref<8xi32, #tpu.memory_space<hbm>>
        %dma_wait3A_77 = arith.constant 0 : i32
        %dma_wait3A_78 = tpu.memref_slice %arg19[%dma_wait3A_77] : memref<16xi32, #tpu.memory_space<vmem>> -> memref<8xi32, #tpu.memory_space<vmem>>
        %dma_wait3A_79 = tpu.memref_slice %arg5[%mul3A_63] : memref<524288xi32, #tpu.memory_space<hbm>> -> memref<8xi32, #tpu.memory_space<hbm>>
        tpu.wait_dma2 semaphore(%run_scoped3A : memref<!tpu.dma_semaphore, #tpu.memory_space<semaphore_mem>>) src(%dma_wait3A_79 : memref<8xi32, #tpu.memory_space<hbm>>) dst(%dma_wait3A_78 : memref<8xi32, #tpu.memory_space<vmem>>)
        tpu.yield
      }) : () -> ()
      %get3A = arith.constant 0 : index
      %get3A_64 = tpu.vector_load %arg19[%get3A] {strides = array<i32>} : memref<16xi32, #tpu.memory_space<vmem>>, vector<16xi32>,
      %slice3A = vector.extract_strided_slice %get3A_64 {offsets = [0], sizes = [1], strides = [1]} : vector<16xi32> to vector<1xi32>
      %squeeze3A = vector.extract %slice3A[0] : i32 from vector<1xi32>
      %lt3A = arith.cmpi slt, %squeeze3A, %mul3A_2 : i32
      %add3A_65 = arith.constant 1 : i32
      %add3A_66 = arith.addi %min3A_61, %add3A_65 : i32
      %select_n3A = arith.select %lt3A, %add3A_66, %scan3A_56 : i32
      %select_n3A_67 = arith.select %lt3A, %scan3A_57, %min3A_61 : i32
      %ge3A = arith.cmpi sge, %scan3A_56, %scan3A_57 : i32
      %select_n3A_68 = arith.select %ge3A, %scan3A_56, %select_n3A : i32
      %select_n3A_69 = arith.select %ge3A, %scan3A_57, %select_n3A_67 : i32
      scf.yield %select_n3A_68, %select_n3A_69 : i32, i32
    }
    %scan3A_9 = arith.constant 17 : i32
    %sub3A = arith.constant 1 : i32
    %sub3A_10 = arith.subi %scan3A_8#0, %sub3A : i32
    %max3A = arith.constant 0 : i32
    %max3A_11 = arith.maxsi %sub3A_10, %max3A : i32
    %mul3A_12 = arith.constant 8 : i32
    %mul3A_13 = arith.muli %mul3A_12, %max3A_11 : i32
    %add3A_14 = arith.constant 512 : i32
    %add3A_15 = arith.addi %mul3A_2, %add3A_14 : i32
    %scan3A_16 = arith.constant 0 : i32
    %scan3A_17 = arith.constant 65536 : i32
    %scan3A_18 = arith.constant 0 : i32
    %scan3A_19 = arith.constant 17 : i32
    %scan3A_20 = arith.addi %scan3A_18, %scan3A_19 : i32
    %scan3A_21 = arith.constant 1 : i32
    %scan3A_22:2 = scf.for %scan3A_55 = %scan3A_18 to %scan3A_20 step %scan3A_21 iter_args(%scan3A_56 = %scan3A_16, %scan3A_57 = %scan3A_17) -> (i32, i32)  : i32 {
      %add3A_58 = arith.addi %scan3A_56, %scan3A_57 : i32
      %div3A_59 = arith.constant 2 : i32
      %div3A_60 = arith.divsi %add3A_58, %div3A_59 : i32
      %min3A = arith.constant 65535 : i32
      %min3A_61 = arith.minsi %div3A_60, %min3A : i32
      %mul3A_62 = arith.constant 8 : i32
      %mul3A_63 = arith.muli %min3A_61, %mul3A_62 : i32
      "tpu.region"() ({
        %run_scoped3A = tpu.sem_alloc : memref<!tpu.dma_semaphore, #tpu.memory_space<semaphore_mem>>
        %dma_start3A = arith.constant 0 : i32
        %dma_start3A_70 = tpu.memref_slice %arg19[%dma_start3A] : memref<16xi32, #tpu.memory_space<vmem>> -> memref<8xi32, #tpu.memory_space<vmem>>
        %dma_start3A_71 = tpu.memref_slice %arg5[%mul3A_63] : memref<524288xi32, #tpu.memory_space<hbm>> -> memref<8xi32, #tpu.memory_space<hbm>>
        %dma_start3A_72 = arith.constant 0 : i32
        %dma_start3A_73 = tpu.memref_slice %arg19[%dma_start3A_72] : memref<16xi32, #tpu.memory_space<vmem>> -> memref<8xi32, #tpu.memory_space<vmem>>
        %dma_start3A_74 = tpu.memref_slice %arg5[%mul3A_63] : memref<524288xi32, #tpu.memory_space<hbm>> -> memref<8xi32, #tpu.memory_space<hbm>>
        tpu.enqueue_dma source(%dma_start3A_74 : memref<8xi32, #tpu.memory_space<hbm>>) target(%dma_start3A_73 : memref<8xi32, #tpu.memory_space<vmem>>) target_semaphore(%run_scoped3A : memref<!tpu.dma_semaphore, #tpu.memory_space<semaphore_mem>>)
        %dma_wait3A = arith.constant 0 : i32
        %dma_wait3A_75 = tpu.memref_slice %arg19[%dma_wait3A] : memref<16xi32, #tpu.memory_space<vmem>> -> memref<8xi32, #tpu.memory_space<vmem>>
        %dma_wait3A_76 = tpu.memref_slice %arg5[%mul3A_63] : memref<524288xi32, #tpu.memory_space<hbm>> -> memref<8xi32, #tpu.memory_space<hbm>>
        %dma_wait3A_77 = arith.constant 0 : i32
        %dma_wait3A_78 = tpu.memref_slice %arg19[%dma_wait3A_77] : memref<16xi32, #tpu.memory_space<vmem>> -> memref<8xi32, #tpu.memory_space<vmem>>
        %dma_wait3A_79 = tpu.memref_slice %arg5[%mul3A_63] : memref<524288xi32, #tpu.memory_space<hbm>> -> memref<8xi32, #tpu.memory_space<hbm>>
        tpu.wait_dma2 semaphore(%run_scoped3A : memref<!tpu.dma_semaphore, #tpu.memory_space<semaphore_mem>>) src(%dma_wait3A_79 : memref<8xi32, #tpu.memory_space<hbm>>) dst(%dma_wait3A_78 : memref<8xi32, #tpu.memory_space<vmem>>)
        tpu.yield
      }) : () -> ()
      %get3A = arith.constant 0 : index
      %get3A_64 = tpu.vector_load %arg19[%get3A] {strides = array<i32>} : memref<16xi32, #tpu.memory_space<vmem>>, vector<16xi32>,
      %slice3A = vector.extract_strided_slice %get3A_64 {offsets = [0], sizes = [1], strides = [1]} : vector<16xi32> to vector<1xi32>
      %squeeze3A = vector.extract %slice3A[0] : i32 from vector<1xi32>
      %lt3A = arith.cmpi slt, %squeeze3A, %add3A_15 : i32
      %add3A_65 = arith.constant 1 : i32
      %add3A_66 = arith.addi %min3A_61, %add3A_65 : i32
      %select_n3A = arith.select %lt3A, %add3A_66, %scan3A_56 : i32
      %select_n3A_67 = arith.select %lt3A, %scan3A_57, %min3A_61 : i32
      %ge3A = arith.cmpi sge, %scan3A_56, %scan3A_57 : i32
      %select_n3A_68 = arith.select %ge3A, %scan3A_56, %select_n3A : i32
      %select_n3A_69 = arith.select %ge3A, %scan3A_57, %select_n3A_67 : i32
      scf.yield %select_n3A_68, %select_n3A_69 : i32, i32
    }
    %scan3A_23 = arith.constant 17 : i32
    %mul3A_24 = arith.constant 8 : i32
    %mul3A_25 = arith.muli %mul3A_24, %scan3A_22#0 : i32
    %broadcast_in_dim3A = arith.constant 0.000000e+00 : f32
    %broadcast_in_dim3A_26 = vector.broadcast %broadcast_in_dim3A : f32 to vector<16xf32>
    %scan3A_27 = arith.constant 0 : i32
    %scan3A_28 = arith.constant 513 : i32
    %scan3A_29 = arith.addi %scan3A_27, %scan3A_28 : i32
    %scan3A_30 = arith.constant 1 : i32
    scf.for %scan3A_55 = %scan3A_27 to %scan3A_29 step %scan3A_30  : i32 {
      %swap3A = arith.index_cast %scan3A_55 : i32 to index
      %swap3A_56 = arith.constant 0 : index
      %swap3A_57 = tpu.vector_load %arg17[%swap3A, %swap3A_56] {strides = array<i32>} : memref<513x128xf32, #tpu.memory_space<vmem>>, vector<16xf32>,
      tpu.vector_store %arg17[%swap3A, %swap3A_56], %broadcast_in_dim3A_26 {strides = array<i32>} : memref<513x128xf32, #tpu.memory_space<vmem>>, vector<16xf32>,
      %swap3A_58 = arith.index_cast %scan3A_55 : i32 to index
      %swap3A_59 = arith.constant 16 : index
      %swap3A_60 = tpu.vector_load %arg17[%swap3A_58, %swap3A_59] {strides = array<i32>} : memref<513x128xf32, #tpu.memory_space<vmem>>, vector<16xf32>,
      tpu.vector_store %arg17[%swap3A_58, %swap3A_59], %broadcast_in_dim3A_26 {strides = array<i32>} : memref<513x128xf32, #tpu.memory_space<vmem>>, vector<16xf32>,
      %swap3A_61 = arith.index_cast %scan3A_55 : i32 to index
      %swap3A_62 = arith.constant 32 : index
      %swap3A_63 = tpu.vector_load %arg17[%swap3A_61, %swap3A_62] {strides = array<i32>} : memref<513x128xf32, #tpu.memory_space<vmem>>, vector<16xf32>,
      tpu.vector_store %arg17[%swap3A_61, %swap3A_62], %broadcast_in_dim3A_26 {strides = array<i32>} : memref<513x128xf32, #tpu.memory_space<vmem>>, vector<16xf32>,
      %swap3A_64 = arith.index_cast %scan3A_55 : i32 to index
      %swap3A_65 = arith.constant 48 : index
      %swap3A_66 = tpu.vector_load %arg17[%swap3A_64, %swap3A_65] {strides = array<i32>} : memref<513x128xf32, #tpu.memory_space<vmem>>, vector<16xf32>,
      tpu.vector_store %arg17[%swap3A_64, %swap3A_65], %broadcast_in_dim3A_26 {strides = array<i32>} : memref<513x128xf32, #tpu.memory_space<vmem>>, vector<16xf32>,
      %swap3A_67 = arith.index_cast %scan3A_55 : i32 to index
      %swap3A_68 = arith.constant 64 : index
      %swap3A_69 = tpu.vector_load %arg17[%swap3A_67, %swap3A_68] {strides = array<i32>} : memref<513x128xf32, #tpu.memory_space<vmem>>, vector<16xf32>,
      tpu.vector_store %arg17[%swap3A_67, %swap3A_68], %broadcast_in_dim3A_26 {strides = array<i32>} : memref<513x128xf32, #tpu.memory_space<vmem>>, vector<16xf32>,
      %swap3A_70 = arith.index_cast %scan3A_55 : i32 to index
      %swap3A_71 = arith.constant 80 : index
      %swap3A_72 = tpu.vector_load %arg17[%swap3A_70, %swap3A_71] {strides = array<i32>} : memref<513x128xf32, #tpu.memory_space<vmem>>, vector<16xf32>,
      tpu.vector_store %arg17[%swap3A_70, %swap3A_71], %broadcast_in_dim3A_26 {strides = array<i32>} : memref<513x128xf32, #tpu.memory_space<vmem>>, vector<16xf32>,
      %swap3A_73 = arith.index_cast %scan3A_55 : i32 to index
      %swap3A_74 = arith.constant 96 : index
      %swap3A_75 = tpu.vector_load %arg17[%swap3A_73, %swap3A_74] {strides = array<i32>} : memref<513x128xf32, #tpu.memory_space<vmem>>, vector<16xf32>,
      tpu.vector_store %arg17[%swap3A_73, %swap3A_74], %broadcast_in_dim3A_26 {strides = array<i32>} : memref<513x128xf32, #tpu.memory_space<vmem>>, vector<16xf32>,
      %swap3A_76 = arith.index_cast %scan3A_55 : i32 to index
      %swap3A_77 = arith.constant 112 : index
      %swap3A_78 = tpu.vector_load %arg17[%swap3A_76, %swap3A_77] {strides = array<i32>} : memref<513x128xf32, #tpu.memory_space<vmem>>, vector<16xf32>,
      tpu.vector_store %arg17[%swap3A_76, %swap3A_77], %broadcast_in_dim3A_26 {strides = array<i32>} : memref<513x128xf32, #tpu.memory_space<vmem>>, vector<16xf32>,
      %swap3A_79 = arith.index_cast %scan3A_55 : i32 to index
      %swap3A_80 = arith.constant 0 : index
      %swap3A_81 = tpu.vector_load %arg18[%swap3A_79, %swap3A_80] {strides = array<i32>} : memref<513x16xf32, #tpu.memory_space<vmem>>, vector<16xf32>,
      tpu.vector_store %arg18[%swap3A_79, %swap3A_80], %broadcast_in_dim3A_26 {strides = array<i32>} : memref<513x16xf32, #tpu.memory_space<vmem>>, vector<16xf32>,
    }
    %scan3A_31 = arith.constant 513 : i32
    %div3A = arith.constant 128 : i32
    %div3A_32 = arith.divsi %mul3A_13, %div3A : i32
    %mul3A_33 = arith.constant 128 : i32
    %mul3A_34 = arith.muli %div3A_32, %mul3A_33 : i32
    %sub3A_35 = arith.subi %mul3A_25, %mul3A_34 : i32
    %add3A_36 = arith.constant 127 : i32
    %add3A_37 = arith.addi %sub3A_35, %add3A_36 : i32
    %div3A_38 = arith.constant 128 : i32
    %div3A_39 = arith.divsi %add3A_37, %div3A_38 : i32
    %gt3A = arith.constant 0 : i32
    %gt3A_40 = arith.cmpi sgt, %div3A_39, %gt3A : i32
    %convert_element_type3A = arith.extui %gt3A_40 : i1 to i32
    %cond3A = arith.constant 0 : i32
    %cond3A_41 = arith.cmpi ne, %convert_element_type3A, %cond3A : i32
    scf.if %cond3A_41 {
      %add3A_55 = arith.constant 0 : i32
      %add3A_56 = arith.addi %div3A_32, %add3A_55 : i32
      %min3A = arith.constant 4095 : i32
      %min3A_57 = arith.minsi %add3A_56, %min3A : i32
      %mul3A_58 = arith.constant 128 : i32
      %mul3A_59 = arith.muli %min3A_57, %mul3A_58 : i32
      "tpu.region"() ({
        %run_scoped3A = tpu.sem_alloc : memref<!tpu.dma_semaphore, #tpu.memory_space<semaphore_mem>>
        %dma_start3A_165 = tpu.memref_slice %arg4[%mul3A_59] : memref<524288xi32, #tpu.memory_space<hbm>> -> memref<128xi32, #tpu.memory_space<hbm>>
        %dma_start3A_166 = tpu.memref_slice %arg4[%mul3A_59] : memref<524288xi32, #tpu.memory_space<hbm>> -> memref<128xi32, #tpu.memory_space<hbm>>
        tpu.enqueue_dma source(%dma_start3A_166 : memref<128xi32, #tpu.memory_space<hbm>>) target(%arg7 : memref<128xi32, #tpu.memory_space<vmem>>) target_semaphore(%run_scoped3A : memref<!tpu.dma_semaphore, #tpu.memory_space<semaphore_mem>>)
        %dma_wait3A = tpu.memref_slice %arg4[%mul3A_59] : memref<524288xi32, #tpu.memory_space<hbm>> -> memref<128xi32, #tpu.memory_space<hbm>>
        %dma_wait3A_167 = tpu.memref_slice %arg4[%mul3A_59] : memref<524288xi32, #tpu.memory_space<hbm>> -> memref<128xi32, #tpu.memory_space<hbm>>
        tpu.wait_dma2 semaphore(%run_scoped3A : memref<!tpu.dma_semaphore, #tpu.memory_space<semaphore_mem>>) src(%dma_wait3A_167 : memref<128xi32, #tpu.memory_space<hbm>>) dst(%arg7 : memref<128xi32, #tpu.memory_space<vmem>>)
        tpu.yield
      }) : () -> ()
      "tpu.region"() ({
        %run_scoped3A = tpu.sem_alloc : memref<!tpu.dma_semaphore, #tpu.memory_space<semaphore_mem>>
        %dma_start3A_165 = tpu.memref_slice %arg5[%mul3A_59] : memref<524288xi32, #tpu.memory_space<hbm>> -> memref<128xi32, #tpu.memory_space<hbm>>
        %dma_start3A_166 = tpu.memref_slice %arg5[%mul3A_59] : memref<524288xi32, #tpu.memory_space<hbm>> -> memref<128xi32, #tpu.memory_space<hbm>>
        tpu.enqueue_dma source(%dma_start3A_166 : memref<128xi32, #tpu.memory_space<hbm>>) target(%arg9 : memref<128xi32, #tpu.memory_space<vmem>>) target_semaphore(%run_scoped3A : memref<!tpu.dma_semaphore, #tpu.memory_space<semaphore_mem>>)
        %dma_wait3A = tpu.memref_slice %arg5[%mul3A_59] : memref<524288xi32, #tpu.memory_space<hbm>> -> memref<128xi32, #tpu.memory_space<hbm>>
        %dma_wait3A_167 = tpu.memref_slice %arg5[%mul3A_59] : memref<524288xi32, #tpu.memory_space<hbm>> -> memref<128xi32, #tpu.memory_space<hbm>>
        tpu.wait_dma2 semaphore(%run_scoped3A : memref<!tpu.dma_semaphore, #tpu.memory_space<semaphore_mem>>) src(%dma_wait3A_167 : memref<128xi32, #tpu.memory_space<hbm>>) dst(%arg9 : memref<128xi32, #tpu.memory_space<vmem>>)
        tpu.yield
      }) : () -> ()
      %get3A = arith.constant 0 : index
      %get3A_60 = tpu.vector_load %arg9[%get3A] {strides = array<i32>} : memref<128xi32, #tpu.memory_space<vmem>>, vector<16xi32>,
      %and3A = arith.constant 3 : i32
      %and3A_61 = vector.broadcast %and3A : i32 to vector<16xi32>
      %and3A_62 = arith.andi %get3A_60, %and3A_61 : vector<16xi32>
      %mul3A_63 = arith.constant 100000 : i32
      %mul3A_64 = vector.broadcast %mul3A_63 : i32 to vector<16xi32>
      %mul3A_65 = arith.muli %and3A_62, %mul3A_64 : vector<16xi32>
      %get3A_66 = arith.constant 0 : index
      %get3A_67 = tpu.vector_load %arg7[%get3A_66] {strides = array<i32>} : memref<128xi32, #tpu.memory_space<vmem>>, vector<16xi32>,
      %add3A_68 = arith.addi %mul3A_65, %get3A_67 : vector<16xi32>
      %swap3A = arith.constant 0 : index
      %swap3A_69 = tpu.vector_load %arg8[%swap3A] {strides = array<i32>} : memref<128xi32, #tpu.memory_space<vmem>>, vector<16xi32>,
      tpu.vector_store %arg8[%swap3A], %add3A_68 {strides = array<i32>} : memref<128xi32, #tpu.memory_space<vmem>>, vector<16xi32>,
      %get3A_70 = arith.constant 16 : index
      %get3A_71 = tpu.vector_load %arg9[%get3A_70] {strides = array<i32>} : memref<128xi32, #tpu.memory_space<vmem>>, vector<16xi32>,
      %and3A_72 = arith.constant 3 : i32
      %and3A_73 = vector.broadcast %and3A_72 : i32 to vector<16xi32>
      %and3A_74 = arith.andi %get3A_71, %and3A_73 : vector<16xi32>
      %mul3A_75 = arith.constant 100000 : i32
      %mul3A_76 = vector.broadcast %mul3A_75 : i32 to vector<16xi32>
      %mul3A_77 = arith.muli %and3A_74, %mul3A_76 : vector<16xi32>
      %get3A_78 = arith.constant 16 : index
      %get3A_79 = tpu.vector_load %arg7[%get3A_78] {strides = array<i32>} : memref<128xi32, #tpu.memory_space<vmem>>, vector<16xi32>,
      %add3A_80 = arith.addi %mul3A_77, %get3A_79 : vector<16xi32>
      %swap3A_81 = arith.constant 16 : index
      %swap3A_82 = tpu.vector_load %arg8[%swap3A_81] {strides = array<i32>} : memref<128xi32, #tpu.memory_space<vmem>>, vector<16xi32>,
      tpu.vector_store %arg8[%swap3A_81], %add3A_80 {strides = array<i32>} : memref<128xi32, #tpu.memory_space<vmem>>, vector<16xi32>,
      %get3A_83 = arith.constant 32 : index
      %get3A_84 = tpu.vector_load %arg9[%get3A_83] {strides = array<i32>} : memref<128xi32, #tpu.memory_space<vmem>>, vector<16xi32>,
      %and3A_85 = arith.constant 3 : i32
      %and3A_86 = vector.broadcast %and3A_85 : i32 to vector<16xi32>
      %and3A_87 = arith.andi %get3A_84, %and3A_86 : vector<16xi32>
      %mul3A_88 = arith.constant 100000 : i32
      %mul3A_89 = vector.broadcast %mul3A_88 : i32 to vector<16xi32>
      %mul3A_90 = arith.muli %and3A_87, %mul3A_89 : vector<16xi32>
      %get3A_91 = arith.constant 32 : index
      %get3A_92 = tpu.vector_load %arg7[%get3A_91] {strides = array<i32>} : memref<128xi32, #tpu.memory_space<vmem>>, vector<16xi32>,
      %add3A_93 = arith.addi %mul3A_90, %get3A_92 : vector<16xi32>
      %swap3A_94 = arith.constant 32 : index
      %swap3A_95 = tpu.vector_load %arg8[%swap3A_94] {strides = array<i32>} : memref<128xi32, #tpu.memory_space<vmem>>, vector<16xi32>,
      tpu.vector_store %arg8[%swap3A_94], %add3A_93 {strides = array<i32>} : memref<128xi32, #tpu.memory_space<vmem>>, vector<16xi32>,
      %get3A_96 = arith.constant 48 : index
      %get3A_97 = tpu.vector_load %arg9[%get3A_96] {strides = array<i32>} : memref<128xi32, #tpu.memory_space<vmem>>, vector<16xi32>,
      %and3A_98 = arith.constant 3 : i32
      %and3A_99 = vector.broadcast %and3A_98 : i32 to vector<16xi32>
      %and3A_100 = arith.andi %get3A_97, %and3A_99 : vector<16xi32>
      %mul3A_101 = arith.constant 100000 : i32
      %mul3A_102 = vector.broadcast %mul3A_101 : i32 to vector<16xi32>
      %mul3A_103 = arith.muli %and3A_100, %mul3A_102 : vector<16xi32>
      %get3A_104 = arith.constant 48 : index
      %get3A_105 = tpu.vector_load %arg7[%get3A_104] {strides = array<i32>} : memref<128xi32, #tpu.memory_space<vmem>>, vector<16xi32>,
      %add3A_106 = arith.addi %mul3A_103, %get3A_105 : vector<16xi32>
      %swap3A_107 = arith.constant 48 : index
      %swap3A_108 = tpu.vector_load %arg8[%swap3A_107] {strides = array<i32>} : memref<128xi32, #tpu.memory_space<vmem>>, vector<16xi32>,
      tpu.vector_store %arg8[%swap3A_107], %add3A_106 {strides = array<i32>} : memref<128xi32, #tpu.memory_space<vmem>>, vector<16xi32>,
      %get3A_109 = arith.constant 64 : index
      %get3A_110 = tpu.vector_load %arg9[%get3A_109] {strides = array<i32>} : memref<128xi32, #tpu.memory_space<vmem>>, vector<16xi32>,
      %and3A_111 = arith.constant 3 : i32
      %and3A_112 = vector.broadcast %and3A_111 : i32 to vector<16xi32>
      %and3A_113 = arith.andi %get3A_110, %and3A_112 : vector<16xi32>
      %mul3A_114 = arith.constant 100000 : i32
      %mul3A_115 = vector.broadcast %mul3A_114 : i32 to vector<16xi32>
      %mul3A_116 = arith.muli %and3A_113, %mul3A_115 : vector<16xi32>
      %get3A_117 = arith.constant 64 : index
      %get3A_118 = tpu.vector_load %arg7[%get3A_117] {strides = array<i32>} : memref<128xi32, #tpu.memory_space<vmem>>, vector<16xi32>,
      %add3A_119 = arith.addi %mul3A_116, %get3A_118 : vector<16xi32>
      %swap3A_120 = arith.constant 64 : index
      %swap3A_121 = tpu.vector_load %arg8[%swap3A_120] {strides = array<i32>} : memref<128xi32, #tpu.memory_space<vmem>>, vector<16xi32>,
      tpu.vector_store %arg8[%swap3A_120], %add3A_119 {strides = array<i32>} : memref<128xi32, #tpu.memory_space<vmem>>, vector<16xi32>,
      %get3A_122 = arith.constant 80 : index
      %get3A_123 = tpu.vector_load %arg9[%get3A_122] {strides = array<i32>} : memref<128xi32, #tpu.memory_space<vmem>>, vector<16xi32>,
      %and3A_124 = arith.constant 3 : i32
      %and3A_125 = vector.broadcast %and3A_124 : i32 to vector<16xi32>
      %and3A_126 = arith.andi %get3A_123, %and3A_125 : vector<16xi32>
      %mul3A_127 = arith.constant 100000 : i32
      %mul3A_128 = vector.broadcast %mul3A_127 : i32 to vector<16xi32>
      %mul3A_129 = arith.muli %and3A_126, %mul3A_128 : vector<16xi32>
      %get3A_130 = arith.constant 80 : index
      %get3A_131 = tpu.vector_load %arg7[%get3A_130] {strides = array<i32>} : memref<128xi32, #tpu.memory_space<vmem>>, vector<16xi32>,
      %add3A_132 = arith.addi %mul3A_129, %get3A_131 : vector<16xi32>
      %swap3A_133 = arith.constant 80 : index
      %swap3A_134 = tpu.vector_load %arg8[%swap3A_133] {strides = array<i32>} : memref<128xi32, #tpu.memory_space<vmem>>, vector<16xi32>,
      tpu.vector_store %arg8[%swap3A_133], %add3A_132 {strides = array<i32>} : memref<128xi32, #tpu.memory_space<vmem>>, vector<16xi32>,
      %get3A_135 = arith.constant 96 : index
      %get3A_136 = tpu.vector_load %arg9[%get3A_135] {strides = array<i32>} : memref<128xi32, #tpu.memory_space<vmem>>, vector<16xi32>,
      %and3A_137 = arith.constant 3 : i32
      %and3A_138 = vector.broadcast %and3A_137 : i32 to vector<16xi32>
      %and3A_139 = arith.andi %get3A_136, %and3A_138 : vector<16xi32>
      %mul3A_140 = arith.constant 100000 : i32
      %mul3A_141 = vector.broadcast %mul3A_140 : i32 to vector<16xi32>
      %mul3A_142 = arith.muli %and3A_139, %mul3A_141 : vector<16xi32>
      %get3A_143 = arith.constant 96 : index
      %get3A_144 = tpu.vector_load %arg7[%get3A_143] {strides = array<i32>} : memref<128xi32, #tpu.memory_space<vmem>>, vector<16xi32>,
      %add3A_145 = arith.addi %mul3A_142, %get3A_144 : vector<16xi32>
      %swap3A_146 = arith.constant 96 : index
      %swap3A_147 = tpu.vector_load %arg8[%swap3A_146] {strides = array<i32>} : memref<128xi32, #tpu.memory_space<vmem>>, vector<16xi32>,
      tpu.vector_store %arg8[%swap3A_146], %add3A_145 {strides = array<i32>} : memref<128xi32, #tpu.memory_space<vmem>>, vector<16xi32>,
      %get3A_148 = arith.constant 112 : index
      %get3A_149 = tpu.vector_load %arg9[%get3A_148] {strides = array<i32>} : memref<128xi32, #tpu.memory_space<vmem>>, vector<16xi32>,
      %and3A_150 = arith.constant 3 : i32
      %and3A_151 = vector.broadcast %and3A_150 : i32 to vector<16xi32>
      %and3A_152 = arith.andi %get3A_149, %and3A_151 : vector<16xi32>
      %mul3A_153 = arith.constant 100000 : i32
      %mul3A_154 = vector.broadcast %mul3A_153 : i32 to vector<16xi32>
      %mul3A_155 = arith.muli %and3A_152, %mul3A_154 : vector<16xi32>
      %get3A_156 = arith.constant 112 : index
      %get3A_157 = tpu.vector_load %arg7[%get3A_156] {strides = array<i32>} : memref<128xi32, #tpu.memory_space<vmem>>, vector<16xi32>,
      %add3A_158 = arith.addi %mul3A_155, %get3A_157 : vector<16xi32>
      %swap3A_159 = arith.constant 112 : index
      %swap3A_160 = tpu.vector_load %arg8[%swap3A_159] {strides = array<i32>} : memref<128xi32, #tpu.memory_space<vmem>>, vector<16xi32>,
      tpu.vector_store %arg8[%swap3A_159], %add3A_158 {strides = array<i32>} : memref<128xi32, #tpu.memory_space<vmem>>, vector<16xi32>,
      %dma_start3A = arith.constant 0 : i32
      %dma_start3A_161 = arith.constant 0 : i32
      %dma_start3A_162 = tpu.memref_slice %arg2[%dma_start3A, %dma_start3A_161] : memref<100000x128xf32, #tpu.memory_space<hbm>> -> memref<100000x128xf32, #tpu.memory_space<hbm>>
      tpu.enqueue_indirect_dma source(%dma_start3A_162 : memref<100000x128xf32, #tpu.memory_space<hbm>>) target(%arg11 : memref<128x128xf32, #tpu.memory_space<vmem>>) offsets(%arg7 : memref<128xi32, #tpu.memory_space<vmem>>) semaphore(%arg20 : memref<!tpu.dma_semaphore, #tpu.memory_space<semaphore_mem>>)
      %dma_start3A_163 = arith.constant 0 : i32
      %dma_start3A_164 = tpu.memref_slice %arg3[%dma_start3A_163] : memref<400000xf32, #tpu.memory_space<hbm>> -> memref<400000xf32, #tpu.memory_space<hbm>>
      tpu.enqueue_indirect_dma source(%dma_start3A_164 : memref<400000xf32, #tpu.memory_space<hbm>>) target(%arg10 : memref<128xf32, #tpu.memory_space<vmem>>) offsets(%arg8 : memref<128xi32, #tpu.memory_space<vmem>>) semaphore(%arg20 : memref<!tpu.dma_semaphore, #tpu.memory_space<semaphore_mem>>)
    } else {
    }
    %while3A = arith.constant 0 : i32
    %while3A_42 = arith.subi %div3A_39, %while3A : i32
    %while3A_43 = arith.addi %while3A, %while3A_42 : i32
    %while3A_44 = arith.constant 1 : i32
    %while3A_45 = arith.divsi %while3A_42, %while3A_44 : i32
    %while3A_46 = arith.muli %while3A_45, %while3A_44 : i32
    %while3A_47 = arith.addi %while3A, %while3A_46 : i32
    %while3A_48 = arith.constant 1 : i32
    scf.for %while3A_55 = %while3A to %while3A_47 step %while3A_48  : i32 {
      %and3A = arith.constant 1 : i32
      %and3A_56 = arith.andi %while3A_55, %and3A : i32
      %eq3A = arith.constant 0 : i32
      %eq3A_57 = arith.cmpi eq, %and3A_56, %eq3A : i32
      %convert_element_type3A_58 = arith.extui %eq3A_57 : i1 to i32
      %cond3A_59 = arith.constant 0 : i32
      %cond3A_60 = arith.cmpi ne, %convert_element_type3A_58, %cond3A_59 : i32
      scf.if %cond3A_60 {
        %add3A_65 = arith.constant 1 : i32
        %add3A_66 = arith.addi %while3A_55, %add3A_65 : i32
        %lt3A = arith.cmpi slt, %add3A_66, %div3A_39 : i32
        %convert_element_type3A_67 = arith.extui %lt3A : i1 to i32
        %cond3A_68 = arith.constant 0 : i32
        %cond3A_69 = arith.cmpi ne, %convert_element_type3A_67, %cond3A_68 : i32
        scf.if %cond3A_69 {
          %add3A_113 = arith.constant 1 : i32
          %add3A_114 = arith.addi %while3A_55, %add3A_113 : i32
          %add3A_115 = arith.addi %div3A_32, %add3A_114 : i32
          %min3A = arith.constant 4095 : i32
          %min3A_116 = arith.minsi %add3A_115, %min3A : i32
          %mul3A_117 = arith.constant 128 : i32
          %mul3A_118 = arith.muli %min3A_116, %mul3A_117 : i32
          "tpu.region"() ({
            %run_scoped3A = tpu.sem_alloc : memref<!tpu.dma_semaphore, #tpu.memory_space<semaphore_mem>>
            %dma_start3A_227 = tpu.memref_slice %arg4[%mul3A_118] : memref<524288xi32, #tpu.memory_space<hbm>> -> memref<128xi32, #tpu.memory_space<hbm>>
            %dma_start3A_228 = tpu.memref_slice %arg4[%mul3A_118] : memref<524288xi32, #tpu.memory_space<hbm>> -> memref<128xi32, #tpu.memory_space<hbm>>
            tpu.enqueue_dma source(%dma_start3A_228 : memref<128xi32, #tpu.memory_space<hbm>>) target(%arg12 : memref<128xi32, #tpu.memory_space<vmem>>) target_semaphore(%run_scoped3A : memref<!tpu.dma_semaphore, #tpu.memory_space<semaphore_mem>>)
            %dma_wait3A_229 = tpu.memref_slice %arg4[%mul3A_118] : memref<524288xi32, #tpu.memory_space<hbm>> -> memref<128xi32, #tpu.memory_space<hbm>>
            %dma_wait3A_230 = tpu.memref_slice %arg4[%mul3A_118] : memref<524288xi32, #tpu.memory_space<hbm>> -> memref<128xi32, #tpu.memory_space<hbm>>
            tpu.wait_dma2 semaphore(%run_scoped3A : memref<!tpu.dma_semaphore, #tpu.memory_space<semaphore_mem>>) src(%dma_wait3A_230 : memref<128xi32, #tpu.memory_space<hbm>>) dst(%arg12 : memref<128xi32, #tpu.memory_space<vmem>>)
            tpu.yield
          }) : () -> ()
          "tpu.region"() ({
            %run_scoped3A = tpu.sem_alloc : memref<!tpu.dma_semaphore, #tpu.memory_space<semaphore_mem>>
            %dma_start3A_227 = tpu.memref_slice %arg5[%mul3A_118] : memref<524288xi32, #tpu.memory_space<hbm>> -> memref<128xi32, #tpu.memory_space<hbm>>
            %dma_start3A_228 = tpu.memref_slice %arg5[%mul3A_118] : memref<524288xi32, #tpu.memory_space<hbm>> -> memref<128xi32, #tpu.memory_space<hbm>>
            tpu.enqueue_dma source(%dma_start3A_228 : memref<128xi32, #tpu.memory_space<hbm>>) target(%arg14 : memref<128xi32, #tpu.memory_space<vmem>>) target_semaphore(%run_scoped3A : memref<!tpu.dma_semaphore, #tpu.memory_space<semaphore_mem>>)
            %dma_wait3A_229 = tpu.memref_slice %arg5[%mul3A_118] : memref<524288xi32, #tpu.memory_space<hbm>> -> memref<128xi32, #tpu.memory_space<hbm>>
            %dma_wait3A_230 = tpu.memref_slice %arg5[%mul3A_118] : memref<524288xi32, #tpu.memory_space<hbm>> -> memref<128xi32, #tpu.memory_space<hbm>>
            tpu.wait_dma2 semaphore(%run_scoped3A : memref<!tpu.dma_semaphore, #tpu.memory_space<semaphore_mem>>) src(%dma_wait3A_230 : memref<128xi32, #tpu.memory_space<hbm>>) dst(%arg14 : memref<128xi32, #tpu.memory_space<vmem>>)
            tpu.yield
          }) : () -> ()
          %get3A_119 = arith.constant 0 : index
          %get3A_120 = tpu.vector_load %arg14[%get3A_119] {strides = array<i32>} : memref<128xi32, #tpu.memory_space<vmem>>, vector<16xi32>,
          %and3A_121 = arith.constant 3 : i32
          %and3A_122 = vector.broadcast %and3A_121 : i32 to vector<16xi32>
          %and3A_123 = arith.andi %get3A_120, %and3A_122 : vector<16xi32>
          %mul3A_124 = arith.constant 100000 : i32
          %mul3A_125 = vector.broadcast %mul3A_124 : i32 to vector<16xi32>
          %mul3A_126 = arith.muli %and3A_123, %mul3A_125 : vector<16xi32>
          %get3A_127 = arith.constant 0 : index
          %get3A_128 = tpu.vector_load %arg12[%get3A_127] {strides = array<i32>} : memref<128xi32, #tpu.memory_space<vmem>>, vector<16xi32>,
          %add3A_129 = arith.addi %mul3A_126, %get3A_128 : vector<16xi32>
          %swap3A_130 = arith.constant 0 : index
          %swap3A_131 = tpu.vector_load %arg13[%swap3A_130] {strides = array<i32>} : memref<128xi32, #tpu.memory_space<vmem>>, vector<16xi32>,
          tpu.vector_store %arg13[%swap3A_130], %add3A_129 {strides = array<i32>} : memref<128xi32, #tpu.memory_space<vmem>>, vector<16xi32>,
          %get3A_132 = arith.constant 16 : index
          %get3A_133 = tpu.vector_load %arg14[%get3A_132] {strides = array<i32>} : memref<128xi32, #tpu.memory_space<vmem>>, vector<16xi32>,
          %and3A_134 = arith.constant 3 : i32
          %and3A_135 = vector.broadcast %and3A_134 : i32 to vector<16xi32>
          %and3A_136 = arith.andi %get3A_133, %and3A_135 : vector<16xi32>
          %mul3A_137 = arith.constant 100000 : i32
          %mul3A_138 = vector.broadcast %mul3A_137 : i32 to vector<16xi32>
          %mul3A_139 = arith.muli %and3A_136, %mul3A_138 : vector<16xi32>
          %get3A_140 = arith.constant 16 : index
          %get3A_141 = tpu.vector_load %arg12[%get3A_140] {strides = array<i32>} : memref<128xi32, #tpu.memory_space<vmem>>, vector<16xi32>,
          %add3A_142 = arith.addi %mul3A_139, %get3A_141 : vector<16xi32>
          %swap3A_143 = arith.constant 16 : index
          %swap3A_144 = tpu.vector_load %arg13[%swap3A_143] {strides = array<i32>} : memref<128xi32, #tpu.memory_space<vmem>>, vector<16xi32>,
          tpu.vector_store %arg13[%swap3A_143], %add3A_142 {strides = array<i32>} : memref<128xi32, #tpu.memory_space<vmem>>, vector<16xi32>,
          %get3A_145 = arith.constant 32 : index
          %get3A_146 = tpu.vector_load %arg14[%get3A_145] {strides = array<i32>} : memref<128xi32, #tpu.memory_space<vmem>>, vector<16xi32>,
          %and3A_147 = arith.constant 3 : i32
          %and3A_148 = vector.broadcast %and3A_147 : i32 to vector<16xi32>
          %and3A_149 = arith.andi %get3A_146, %and3A_148 : vector<16xi32>
          %mul3A_150 = arith.constant 100000 : i32
          %mul3A_151 = vector.broadcast %mul3A_150 : i32 to vector<16xi32>
          %mul3A_152 = arith.muli %and3A_149, %mul3A_151 : vector<16xi32>
          %get3A_153 = arith.constant 32 : index
          %get3A_154 = tpu.vector_load %arg12[%get3A_153] {strides = array<i32>} : memref<128xi32, #tpu.memory_space<vmem>>, vector<16xi32>,
          %add3A_155 = arith.addi %mul3A_152, %get3A_154 : vector<16xi32>
          %swap3A_156 = arith.constant 32 : index
          %swap3A_157 = tpu.vector_load %arg13[%swap3A_156] {strides = array<i32>} : memref<128xi32, #tpu.memory_space<vmem>>, vector<16xi32>,
          tpu.vector_store %arg13[%swap3A_156], %add3A_155 {strides = array<i32>} : memref<128xi32, #tpu.memory_space<vmem>>, vector<16xi32>,
          %get3A_158 = arith.constant 48 : index
          %get3A_159 = tpu.vector_load %arg14[%get3A_158] {strides = array<i32>} : memref<128xi32, #tpu.memory_space<vmem>>, vector<16xi32>,
          %and3A_160 = arith.constant 3 : i32
          %and3A_161 = vector.broadcast %and3A_160 : i32 to vector<16xi32>
          %and3A_162 = arith.andi %get3A_159, %and3A_161 : vector<16xi32>
          %mul3A_163 = arith.constant 100000 : i32
          %mul3A_164 = vector.broadcast %mul3A_163 : i32 to vector<16xi32>
          %mul3A_165 = arith.muli %and3A_162, %mul3A_164 : vector<16xi32>
          %get3A_166 = arith.constant 48 : index
          %get3A_167 = tpu.vector_load %arg12[%get3A_166] {strides = array<i32>} : memref<128xi32, #tpu.memory_space<vmem>>, vector<16xi32>,
          %add3A_168 = arith.addi %mul3A_165, %get3A_167 : vector<16xi32>
          %swap3A_169 = arith.constant 48 : index
          %swap3A_170 = tpu.vector_load %arg13[%swap3A_169] {strides = array<i32>} : memref<128xi32, #tpu.memory_space<vmem>>, vector<16xi32>,
          tpu.vector_store %arg13[%swap3A_169], %add3A_168 {strides = array<i32>} : memref<128xi32, #tpu.memory_space<vmem>>, vector<16xi32>,
          %get3A_171 = arith.constant 64 : index
          %get3A_172 = tpu.vector_load %arg14[%get3A_171] {strides = array<i32>} : memref<128xi32, #tpu.memory_space<vmem>>, vector<16xi32>,
          %and3A_173 = arith.constant 3 : i32
          %and3A_174 = vector.broadcast %and3A_173 : i32 to vector<16xi32>
          %and3A_175 = arith.andi %get3A_172, %and3A_174 : vector<16xi32>
          %mul3A_176 = arith.constant 100000 : i32
          %mul3A_177 = vector.broadcast %mul3A_176 : i32 to vector<16xi32>
          %mul3A_178 = arith.muli %and3A_175, %mul3A_177 : vector<16xi32>
          %get3A_179 = arith.constant 64 : index
          %get3A_180 = tpu.vector_load %arg12[%get3A_179] {strides = array<i32>} : memref<128xi32, #tpu.memory_space<vmem>>, vector<16xi32>,
          %add3A_181 = arith.addi %mul3A_178, %get3A_180 : vector<16xi32>
          %swap3A_182 = arith.constant 64 : index
          %swap3A_183 = tpu.vector_load %arg13[%swap3A_182] {strides = array<i32>} : memref<128xi32, #tpu.memory_space<vmem>>, vector<16xi32>,
          tpu.vector_store %arg13[%swap3A_182], %add3A_181 {strides = array<i32>} : memref<128xi32, #tpu.memory_space<vmem>>, vector<16xi32>,
          %get3A_184 = arith.constant 80 : index
          %get3A_185 = tpu.vector_load %arg14[%get3A_184] {strides = array<i32>} : memref<128xi32, #tpu.memory_space<vmem>>, vector<16xi32>,
          %and3A_186 = arith.constant 3 : i32
          %and3A_187 = vector.broadcast %and3A_186 : i32 to vector<16xi32>
          %and3A_188 = arith.andi %get3A_185, %and3A_187 : vector<16xi32>
          %mul3A_189 = arith.constant 100000 : i32
          %mul3A_190 = vector.broadcast %mul3A_189 : i32 to vector<16xi32>
          %mul3A_191 = arith.muli %and3A_188, %mul3A_190 : vector<16xi32>
          %get3A_192 = arith.constant 80 : index
          %get3A_193 = tpu.vector_load %arg12[%get3A_192] {strides = array<i32>} : memref<128xi32, #tpu.memory_space<vmem>>, vector<16xi32>,
          %add3A_194 = arith.addi %mul3A_191, %get3A_193 : vector<16xi32>
          %swap3A_195 = arith.constant 80 : index
          %swap3A_196 = tpu.vector_load %arg13[%swap3A_195] {strides = array<i32>} : memref<128xi32, #tpu.memory_space<vmem>>, vector<16xi32>,
          tpu.vector_store %arg13[%swap3A_195], %add3A_194 {strides = array<i32>} : memref<128xi32, #tpu.memory_space<vmem>>, vector<16xi32>,
          %get3A_197 = arith.constant 96 : index
          %get3A_198 = tpu.vector_load %arg14[%get3A_197] {strides = array<i32>} : memref<128xi32, #tpu.memory_space<vmem>>, vector<16xi32>,
          %and3A_199 = arith.constant 3 : i32
          %and3A_200 = vector.broadcast %and3A_199 : i32 to vector<16xi32>
          %and3A_201 = arith.andi %get3A_198, %and3A_200 : vector<16xi32>
          %mul3A_202 = arith.constant 100000 : i32
          %mul3A_203 = vector.broadcast %mul3A_202 : i32 to vector<16xi32>
          %mul3A_204 = arith.muli %and3A_201, %mul3A_203 : vector<16xi32>
          %get3A_205 = arith.constant 96 : index
          %get3A_206 = tpu.vector_load %arg12[%get3A_205] {strides = array<i32>} : memref<128xi32, #tpu.memory_space<vmem>>, vector<16xi32>,
          %add3A_207 = arith.addi %mul3A_204, %get3A_206 : vector<16xi32>
          %swap3A_208 = arith.constant 96 : index
          %swap3A_209 = tpu.vector_load %arg13[%swap3A_208] {strides = array<i32>} : memref<128xi32, #tpu.memory_space<vmem>>, vector<16xi32>,
          tpu.vector_store %arg13[%swap3A_208], %add3A_207 {strides = array<i32>} : memref<128xi32, #tpu.memory_space<vmem>>, vector<16xi32>,
          %get3A_210 = arith.constant 112 : index
          %get3A_211 = tpu.vector_load %arg14[%get3A_210] {strides = array<i32>} : memref<128xi32, #tpu.memory_space<vmem>>, vector<16xi32>,
          %and3A_212 = arith.constant 3 : i32
          %and3A_213 = vector.broadcast %and3A_212 : i32 to vector<16xi32>
          %and3A_214 = arith.andi %get3A_211, %and3A_213 : vector<16xi32>
          %mul3A_215 = arith.constant 100000 : i32
          %mul3A_216 = vector.broadcast %mul3A_215 : i32 to vector<16xi32>
          %mul3A_217 = arith.muli %and3A_214, %mul3A_216 : vector<16xi32>
          %get3A_218 = arith.constant 112 : index
          %get3A_219 = tpu.vector_load %arg12[%get3A_218] {strides = array<i32>} : memref<128xi32, #tpu.memory_space<vmem>>, vector<16xi32>,
          %add3A_220 = arith.addi %mul3A_217, %get3A_219 : vector<16xi32>
          %swap3A_221 = arith.constant 112 : index
          %swap3A_222 = tpu.vector_load %arg13[%swap3A_221] {strides = array<i32>} : memref<128xi32, #tpu.memory_space<vmem>>, vector<16xi32>,
          tpu.vector_store %arg13[%swap3A_221], %add3A_220 {strides = array<i32>} : memref<128xi32, #tpu.memory_space<vmem>>, vector<16xi32>,
          %dma_start3A = arith.constant 0 : i32
          %dma_start3A_223 = arith.constant 0 : i32
          %dma_start3A_224 = tpu.memref_slice %arg2[%dma_start3A, %dma_start3A_223] : memref<100000x128xf32, #tpu.memory_space<hbm>> -> memref<100000x128xf32, #tpu.memory_space<hbm>>
          tpu.enqueue_indirect_dma source(%dma_start3A_224 : memref<100000x128xf32, #tpu.memory_space<hbm>>) target(%arg16 : memref<128x128xf32, #tpu.memory_space<vmem>>) offsets(%arg12 : memref<128xi32, #tpu.memory_space<vmem>>) semaphore(%arg21 : memref<!tpu.dma_semaphore, #tpu.memory_space<semaphore_mem>>)
          %dma_start3A_225 = arith.constant 0 : i32
          %dma_start3A_226 = tpu.memref_slice %arg3[%dma_start3A_225] : memref<400000xf32, #tpu.memory_space<hbm>> -> memref<400000xf32, #tpu.memory_space<hbm>>
          tpu.enqueue_indirect_dma source(%dma_start3A_226 : memref<400000xf32, #tpu.memory_space<hbm>>) target(%arg15 : memref<128xf32, #tpu.memory_space<vmem>>) offsets(%arg13 : memref<128xi32, #tpu.memory_space<vmem>>) semaphore(%arg21 : memref<!tpu.dma_semaphore, #tpu.memory_space<semaphore_mem>>)
        } else {
        }
        %dma_wait3A = arith.constant 0 : i32
        %dma_wait3A_70 = arith.constant 0 : i32
        %dma_wait3A_71 = tpu.memref_slice %arg2[%dma_wait3A, %dma_wait3A_70] : memref<100000x128xf32, #tpu.memory_space<hbm>> -> memref<100000x128xf32, #tpu.memory_space<hbm>>
        tpu.wait_indirect_dma semaphore(%arg20 : memref<!tpu.dma_semaphore, #tpu.memory_space<semaphore_mem>>) src(%dma_wait3A_71 : memref<100000x128xf32, #tpu.memory_space<hbm>>) dst(%arg11 : memref<128x128xf32, #tpu.memory_space<vmem>>)
        %dma_wait3A_72 = arith.constant 0 : i32
        %dma_wait3A_73 = tpu.memref_slice %arg3[%dma_wait3A_72] : memref<400000xf32, #tpu.memory_space<hbm>> -> memref<400000xf32, #tpu.memory_space<hbm>>
        tpu.wait_indirect_dma semaphore(%arg20 : memref<!tpu.dma_semaphore, #tpu.memory_space<semaphore_mem>>) src(%dma_wait3A_73 : memref<400000xf32, #tpu.memory_space<hbm>>) dst(%arg10 : memref<128xf32, #tpu.memory_space<vmem>>)
        %get3A = arith.constant 0 : index
        %get3A_74 = tpu.vector_load %arg10[%get3A] {strides = array<i32>} : memref<128xf32, #tpu.memory_space<vmem>>, vector<16xf32>,
        %exp3A = math.exp %get3A_74 : vector<16xf32>
        %swap3A = arith.constant 0 : index
        %swap3A_75 = tpu.vector_load %arg10[%swap3A] {strides = array<i32>} : memref<128xf32, #tpu.memory_space<vmem>>, vector<16xf32>,
        tpu.vector_store %arg10[%swap3A], %exp3A {strides = array<i32>} : memref<128xf32, #tpu.memory_space<vmem>>, vector<16xf32>,
        %get3A_76 = arith.constant 16 : index
        %get3A_77 = tpu.vector_load %arg10[%get3A_76] {strides = array<i32>} : memref<128xf32, #tpu.memory_space<vmem>>, vector<16xf32>,
        %exp3A_78 = math.exp %get3A_77 : vector<16xf32>
        %swap3A_79 = arith.constant 16 : index
        %swap3A_80 = tpu.vector_load %arg10[%swap3A_79] {strides = array<i32>} : memref<128xf32, #tpu.memory_space<vmem>>, vector<16xf32>,
        tpu.vector_store %arg10[%swap3A_79], %exp3A_78 {strides = array<i32>} : memref<128xf32, #tpu.memory_space<vmem>>, vector<16xf32>,
        %get3A_81 = arith.constant 32 : index
        %get3A_82 = tpu.vector_load %arg10[%get3A_81] {strides = array<i32>} : memref<128xf32, #tpu.memory_space<vmem>>, vector<16xf32>,
        %exp3A_83 = math.exp %get3A_82 : vector<16xf32>
        %swap3A_84 = arith.constant 32 : index
        %swap3A_85 = tpu.vector_load %arg10[%swap3A_84] {strides = array<i32>} : memref<128xf32, #tpu.memory_space<vmem>>, vector<16xf32>,
        tpu.vector_store %arg10[%swap3A_84], %exp3A_83 {strides = array<i32>} : memref<128xf32, #tpu.memory_space<vmem>>, vector<16xf32>,
        %get3A_86 = arith.constant 48 : index
        %get3A_87 = tpu.vector_load %arg10[%get3A_86] {strides = array<i32>} : memref<128xf32, #tpu.memory_space<vmem>>, vector<16xf32>,
        %exp3A_88 = math.exp %get3A_87 : vector<16xf32>
        %swap3A_89 = arith.constant 48 : index
        %swap3A_90 = tpu.vector_load %arg10[%swap3A_89] {strides = array<i32>} : memref<128xf32, #tpu.memory_space<vmem>>, vector<16xf32>,
        tpu.vector_store %arg10[%swap3A_89], %exp3A_88 {strides = array<i32>} : memref<128xf32, #tpu.memory_space<vmem>>, vector<16xf32>,
        %get3A_91 = arith.constant 64 : index
        %get3A_92 = tpu.vector_load %arg10[%get3A_91] {strides = array<i32>} : memref<128xf32, #tpu.memory_space<vmem>>, vector<16xf32>,
        %exp3A_93 = math.exp %get3A_92 : vector<16xf32>
        %swap3A_94 = arith.constant 64 : index
        %swap3A_95 = tpu.vector_load %arg10[%swap3A_94] {strides = array<i32>} : memref<128xf32, #tpu.memory_space<vmem>>, vector<16xf32>,
        tpu.vector_store %arg10[%swap3A_94], %exp3A_93 {strides = array<i32>} : memref<128xf32, #tpu.memory_space<vmem>>, vector<16xf32>,
        %get3A_96 = arith.constant 80 : index
        %get3A_97 = tpu.vector_load %arg10[%get3A_96] {strides = array<i32>} : memref<128xf32, #tpu.memory_space<vmem>>, vector<16xf32>,
        %exp3A_98 = math.exp %get3A_97 : vector<16xf32>
        %swap3A_99 = arith.constant 80 : index
        %swap3A_100 = tpu.vector_load %arg10[%swap3A_99] {strides = array<i32>} : memref<128xf32, #tpu.memory_space<vmem>>, vector<16xf32>,
        tpu.vector_store %arg10[%swap3A_99], %exp3A_98 {strides = array<i32>} : memref<128xf32, #tpu.memory_space<vmem>>, vector<16xf32>,
        %get3A_101 = arith.constant 96 : index
        %get3A_102 = tpu.vector_load %arg10[%get3A_101] {strides = array<i32>} : memref<128xf32, #tpu.memory_space<vmem>>, vector<16xf32>,
        %exp3A_103 = math.exp %get3A_102 : vector<16xf32>
        %swap3A_104 = arith.constant 96 : index
        %swap3A_105 = tpu.vector_load %arg10[%swap3A_104] {strides = array<i32>} : memref<128xf32, #tpu.memory_space<vmem>>, vector<16xf32>,
        tpu.vector_store %arg10[%swap3A_104], %exp3A_103 {strides = array<i32>} : memref<128xf32, #tpu.memory_space<vmem>>, vector<16xf32>,
        %get3A_106 = arith.constant 112 : index
        %get3A_107 = tpu.vector_load %arg10[%get3A_106] {strides = array<i32>} : memref<128xf32, #tpu.memory_space<vmem>>, vector<16xf32>,
        %exp3A_108 = math.exp %get3A_107 : vector<16xf32>
        %swap3A_109 = arith.constant 112 : index
        %swap3A_110 = tpu.vector_load %arg10[%swap3A_109] {strides = array<i32>} : memref<128xf32, #tpu.memory_space<vmem>>, vector<16xf32>,
        tpu.vector_store %arg10[%swap3A_109], %exp3A_108 {strides = array<i32>} : memref<128xf32, #tpu.memory_space<vmem>>, vector<16xf32>,
        %parallel_loop3A = arith.constant 0 : i32
        %parallel_loop3A_111 = arith.constant 128 : i32
        %parallel_loop3A_112 = arith.constant 1 : i32
        scf.for %parallel_loop3A_113 = %parallel_loop3A to %parallel_loop3A_111 step %parallel_loop3A_112  : i32 {
          %parallel_loop3A_114 = vector.broadcast %parallel_loop3A_113 : i32 to vector<16xi32>
          %parallel_loop3A_115 = tpu.vector_load_idx %arg9[%parallel_loop3A_114] : memref<128xi32, #tpu.memory_space<vmem>>[vector<16xi32>], vector<16xi32>,
          %parallel_loop3A_116 = tpu.vector_load_idx %arg10[%parallel_loop3A_114] : memref<128xf32, #tpu.memory_space<vmem>>[vector<16xi32>], vector<16xf32>,
          %parallel_loop3A_117 = vector.extract_strided_slice %parallel_loop3A_115 {offsets = [0], sizes = [1], strides = [1]} : vector<16xi32> to vector<1xi32>
          %parallel_loop3A_118 = vector.extract %parallel_loop3A_117[0] : i32 from vector<1xi32>
          %parallel_loop3A_119 = arith.subi %parallel_loop3A_118, %mul3A_2 : i32
          %parallel_loop3A_120 = arith.constant 0 : i32
          %parallel_loop3A_121 = arith.cmpi sge, %parallel_loop3A_119, %parallel_loop3A_120 : i32
          %parallel_loop3A_122 = arith.constant 512 : i32
          %parallel_loop3A_123 = arith.cmpi slt, %parallel_loop3A_119, %parallel_loop3A_122 : i32
          %parallel_loop3A_124 = arith.andi %parallel_loop3A_121, %parallel_loop3A_123 : i1
          %parallel_loop3A_125 = arith.constant 512 : i32
          %parallel_loop3A_126 = arith.select %parallel_loop3A_124, %parallel_loop3A_119, %parallel_loop3A_125 : i32
          %parallel_loop3A_127 = arith.index_cast %parallel_loop3A_113 : i32 to index
          %parallel_loop3A_128 = arith.constant 0 : index
          %parallel_loop3A_129 = tpu.vector_load %arg11[%parallel_loop3A_127, %parallel_loop3A_128] {strides = array<i32>} : memref<128x128xf32, #tpu.memory_space<vmem>>, vector<16xf32>,
          %parallel_loop3A_130 = arith.mulf %parallel_loop3A_129, %parallel_loop3A_116 : vector<16xf32>
          %parallel_loop3A_131 = arith.index_cast %parallel_loop3A_126 : i32 to index
          %parallel_loop3A_132 = arith.constant 0 : index
          %parallel_loop3A_133 = tpu.vector_load %arg17[%parallel_loop3A_131, %parallel_loop3A_132] {strides = array<i32>} : memref<513x128xf32, #tpu.memory_space<vmem>>, vector<16xf32>,
          tpu.vector_store %arg17[%parallel_loop3A_131, %parallel_loop3A_132], %parallel_loop3A_130 {add = true, strides = array<i32>} : memref<513x128xf32, #tpu.memory_space<vmem>>, vector<16xf32>,
          %parallel_loop3A_134 = arith.index_cast %parallel_loop3A_113 : i32 to index
          %parallel_loop3A_135 = arith.constant 16 : index
          %parallel_loop3A_136 = tpu.vector_load %arg11[%parallel_loop3A_134, %parallel_loop3A_135] {strides = array<i32>} : memref<128x128xf32, #tpu.memory_space<vmem>>, vector<16xf32>,
          %parallel_loop3A_137 = arith.mulf %parallel_loop3A_136, %parallel_loop3A_116 : vector<16xf32>
          %parallel_loop3A_138 = arith.index_cast %parallel_loop3A_126 : i32 to index
          %parallel_loop3A_139 = arith.constant 16 : index
          %parallel_loop3A_140 = tpu.vector_load %arg17[%parallel_loop3A_138, %parallel_loop3A_139] {strides = array<i32>} : memref<513x128xf32, #tpu.memory_space<vmem>>, vector<16xf32>,
          tpu.vector_store %arg17[%parallel_loop3A_138, %parallel_loop3A_139], %parallel_loop3A_137 {add = true, strides = array<i32>} : memref<513x128xf32, #tpu.memory_space<vmem>>, vector<16xf32>,
          %parallel_loop3A_141 = arith.index_cast %parallel_loop3A_113 : i32 to index
          %parallel_loop3A_142 = arith.constant 32 : index
          %parallel_loop3A_143 = tpu.vector_load %arg11[%parallel_loop3A_141, %parallel_loop3A_142] {strides = array<i32>} : memref<128x128xf32, #tpu.memory_space<vmem>>, vector<16xf32>,
          %parallel_loop3A_144 = arith.mulf %parallel_loop3A_143, %parallel_loop3A_116 : vector<16xf32>
          %parallel_loop3A_145 = arith.index_cast %parallel_loop3A_126 : i32 to index
          %parallel_loop3A_146 = arith.constant 32 : index
          %parallel_loop3A_147 = tpu.vector_load %arg17[%parallel_loop3A_145, %parallel_loop3A_146] {strides = array<i32>} : memref<513x128xf32, #tpu.memory_space<vmem>>, vector<16xf32>,
          tpu.vector_store %arg17[%parallel_loop3A_145, %parallel_loop3A_146], %parallel_loop3A_144 {add = true, strides = array<i32>} : memref<513x128xf32, #tpu.memory_space<vmem>>, vector<16xf32>,
          %parallel_loop3A_148 = arith.index_cast %parallel_loop3A_113 : i32 to index
          %parallel_loop3A_149 = arith.constant 48 : index
          %parallel_loop3A_150 = tpu.vector_load %arg11[%parallel_loop3A_148, %parallel_loop3A_149] {strides = array<i32>} : memref<128x128xf32, #tpu.memory_space<vmem>>, vector<16xf32>,
          %parallel_loop3A_151 = arith.mulf %parallel_loop3A_150, %parallel_loop3A_116 : vector<16xf32>
          %parallel_loop3A_152 = arith.index_cast %parallel_loop3A_126 : i32 to index
          %parallel_loop3A_153 = arith.constant 48 : index
          %parallel_loop3A_154 = tpu.vector_load %arg17[%parallel_loop3A_152, %parallel_loop3A_153] {strides = array<i32>} : memref<513x128xf32, #tpu.memory_space<vmem>>, vector<16xf32>,
          tpu.vector_store %arg17[%parallel_loop3A_152, %parallel_loop3A_153], %parallel_loop3A_151 {add = true, strides = array<i32>} : memref<513x128xf32, #tpu.memory_space<vmem>>, vector<16xf32>,
          %parallel_loop3A_155 = arith.index_cast %parallel_loop3A_113 : i32 to index
          %parallel_loop3A_156 = arith.constant 64 : index
          %parallel_loop3A_157 = tpu.vector_load %arg11[%parallel_loop3A_155, %parallel_loop3A_156] {strides = array<i32>} : memref<128x128xf32, #tpu.memory_space<vmem>>, vector<16xf32>,
          %parallel_loop3A_158 = arith.mulf %parallel_loop3A_157, %parallel_loop3A_116 : vector<16xf32>
          %parallel_loop3A_159 = arith.index_cast %parallel_loop3A_126 : i32 to index
          %parallel_loop3A_160 = arith.constant 64 : index
          %parallel_loop3A_161 = tpu.vector_load %arg17[%parallel_loop3A_159, %parallel_loop3A_160] {strides = array<i32>} : memref<513x128xf32, #tpu.memory_space<vmem>>, vector<16xf32>,
          tpu.vector_store %arg17[%parallel_loop3A_159, %parallel_loop3A_160], %parallel_loop3A_158 {add = true, strides = array<i32>} : memref<513x128xf32, #tpu.memory_space<vmem>>, vector<16xf32>,
          %parallel_loop3A_162 = arith.index_cast %parallel_loop3A_113 : i32 to index
          %parallel_loop3A_163 = arith.constant 80 : index
          %parallel_loop3A_164 = tpu.vector_load %arg11[%parallel_loop3A_162, %parallel_loop3A_163] {strides = array<i32>} : memref<128x128xf32, #tpu.memory_space<vmem>>, vector<16xf32>,
          %parallel_loop3A_165 = arith.mulf %parallel_loop3A_164, %parallel_loop3A_116 : vector<16xf32>
          %parallel_loop3A_166 = arith.index_cast %parallel_loop3A_126 : i32 to index
          %parallel_loop3A_167 = arith.constant 80 : index
          %parallel_loop3A_168 = tpu.vector_load %arg17[%parallel_loop3A_166, %parallel_loop3A_167] {strides = array<i32>} : memref<513x128xf32, #tpu.memory_space<vmem>>, vector<16xf32>,
          tpu.vector_store %arg17[%parallel_loop3A_166, %parallel_loop3A_167], %parallel_loop3A_165 {add = true, strides = array<i32>} : memref<513x128xf32, #tpu.memory_space<vmem>>, vector<16xf32>,
          %parallel_loop3A_169 = arith.index_cast %parallel_loop3A_113 : i32 to index
          %parallel_loop3A_170 = arith.constant 96 : index
          %parallel_loop3A_171 = tpu.vector_load %arg11[%parallel_loop3A_169, %parallel_loop3A_170] {strides = array<i32>} : memref<128x128xf32, #tpu.memory_space<vmem>>, vector<16xf32>,
          %parallel_loop3A_172 = arith.mulf %parallel_loop3A_171, %parallel_loop3A_116 : vector<16xf32>
          %parallel_loop3A_173 = arith.index_cast %parallel_loop3A_126 : i32 to index
          %parallel_loop3A_174 = arith.constant 96 : index
          %parallel_loop3A_175 = tpu.vector_load %arg17[%parallel_loop3A_173, %parallel_loop3A_174] {strides = array<i32>} : memref<513x128xf32, #tpu.memory_space<vmem>>, vector<16xf32>,
          tpu.vector_store %arg17[%parallel_loop3A_173, %parallel_loop3A_174], %parallel_loop3A_172 {add = true, strides = array<i32>} : memref<513x128xf32, #tpu.memory_space<vmem>>, vector<16xf32>,
          %parallel_loop3A_176 = arith.index_cast %parallel_loop3A_113 : i32 to index
          %parallel_loop3A_177 = arith.constant 112 : index
          %parallel_loop3A_178 = tpu.vector_load %arg11[%parallel_loop3A_176, %parallel_loop3A_177] {strides = array<i32>} : memref<128x128xf32, #tpu.memory_space<vmem>>, vector<16xf32>,
          %parallel_loop3A_179 = arith.mulf %parallel_loop3A_178, %parallel_loop3A_116 : vector<16xf32>
          %parallel_loop3A_180 = arith.index_cast %parallel_loop3A_126 : i32 to index
          %parallel_loop3A_181 = arith.constant 112 : index
          %parallel_loop3A_182 = tpu.vector_load %arg17[%parallel_loop3A_180, %parallel_loop3A_181] {strides = array<i32>} : memref<513x128xf32, #tpu.memory_space<vmem>>, vector<16xf32>,
          tpu.vector_store %arg17[%parallel_loop3A_180, %parallel_loop3A_181], %parallel_loop3A_179 {add = true, strides = array<i32>} : memref<513x128xf32, #tpu.memory_space<vmem>>, vector<16xf32>,
          %parallel_loop3A_183 = arith.index_cast %parallel_loop3A_126 : i32 to index
          %parallel_loop3A_184 = arith.constant 0 : index
          %parallel_loop3A_185 = tpu.vector_load %arg18[%parallel_loop3A_183, %parallel_loop3A_184] {strides = array<i32>} : memref<513x16xf32, #tpu.memory_space<vmem>>, vector<16xf32>,
          tpu.vector_store %arg18[%parallel_loop3A_183, %parallel_loop3A_184], %parallel_loop3A_116 {add = true, strides = array<i32>} : memref<513x16xf32, #tpu.memory_space<vmem>>, vector<16xf32>,
        } {sc.loop_unroll_factor = 4 : i64, sc.parallel_access}
      } else {
      }
      %not3A = arith.constant true
      %not3A_61 = arith.xori %eq3A_57, %not3A : i1
      %convert_element_type3A_62 = arith.extui %not3A_61 : i1 to i32
      %cond3A_63 = arith.constant 0 : i32
      %cond3A_64 = arith.cmpi ne, %convert_element_type3A_62, %cond3A_63 : i32
      scf.if %cond3A_64 {
        %add3A_65 = arith.constant 1 : i32
        %add3A_66 = arith.addi %while3A_55, %add3A_65 : i32
        %lt3A = arith.cmpi slt, %add3A_66, %div3A_39 : i32
        %convert_element_type3A_67 = arith.extui %lt3A : i1 to i32
        %cond3A_68 = arith.constant 0 : i32
        %cond3A_69 = arith.cmpi ne, %convert_element_type3A_67, %cond3A_68 : i32
        scf.if %cond3A_69 {
          %add3A_113 = arith.constant 1 : i32
          %add3A_114 = arith.addi %while3A_55, %add3A_113 : i32
          %add3A_115 = arith.addi %div3A_32, %add3A_114 : i32
          %min3A = arith.constant 4095 : i32
          %min3A_116 = arith.minsi %add3A_115, %min3A : i32
          %mul3A_117 = arith.constant 128 : i32
          %mul3A_118 = arith.muli %min3A_116, %mul3A_117 : i32
          "tpu.region"() ({
            %run_scoped3A = tpu.sem_alloc : memref<!tpu.dma_semaphore, #tpu.memory_space<semaphore_mem>>
            %dma_start3A_227 = tpu.memref_slice %arg4[%mul3A_118] : memref<524288xi32, #tpu.memory_space<hbm>> -> memref<128xi32, #tpu.memory_space<hbm>>
            %dma_start3A_228 = tpu.memref_slice %arg4[%mul3A_118] : memref<524288xi32, #tpu.memory_space<hbm>> -> memref<128xi32, #tpu.memory_space<hbm>>
            tpu.enqueue_dma source(%dma_start3A_228 : memref<128xi32, #tpu.memory_space<hbm>>) target(%arg7 : memref<128xi32, #tpu.memory_space<vmem>>) target_semaphore(%run_scoped3A : memref<!tpu.dma_semaphore, #tpu.memory_space<semaphore_mem>>)
            %dma_wait3A_229 = tpu.memref_slice %arg4[%mul3A_118] : memref<524288xi32, #tpu.memory_space<hbm>> -> memref<128xi32, #tpu.memory_space<hbm>>
            %dma_wait3A_230 = tpu.memref_slice %arg4[%mul3A_118] : memref<524288xi32, #tpu.memory_space<hbm>> -> memref<128xi32, #tpu.memory_space<hbm>>
            tpu.wait_dma2 semaphore(%run_scoped3A : memref<!tpu.dma_semaphore, #tpu.memory_space<semaphore_mem>>) src(%dma_wait3A_230 : memref<128xi32, #tpu.memory_space<hbm>>) dst(%arg7 : memref<128xi32, #tpu.memory_space<vmem>>)
            tpu.yield
          }) : () -> ()
          "tpu.region"() ({
            %run_scoped3A = tpu.sem_alloc : memref<!tpu.dma_semaphore, #tpu.memory_space<semaphore_mem>>
            %dma_start3A_227 = tpu.memref_slice %arg5[%mul3A_118] : memref<524288xi32, #tpu.memory_space<hbm>> -> memref<128xi32, #tpu.memory_space<hbm>>
            %dma_start3A_228 = tpu.memref_slice %arg5[%mul3A_118] : memref<524288xi32, #tpu.memory_space<hbm>> -> memref<128xi32, #tpu.memory_space<hbm>>
            tpu.enqueue_dma source(%dma_start3A_228 : memref<128xi32, #tpu.memory_space<hbm>>) target(%arg9 : memref<128xi32, #tpu.memory_space<vmem>>) target_semaphore(%run_scoped3A : memref<!tpu.dma_semaphore, #tpu.memory_space<semaphore_mem>>)
            %dma_wait3A_229 = tpu.memref_slice %arg5[%mul3A_118] : memref<524288xi32, #tpu.memory_space<hbm>> -> memref<128xi32, #tpu.memory_space<hbm>>
            %dma_wait3A_230 = tpu.memref_slice %arg5[%mul3A_118] : memref<524288xi32, #tpu.memory_space<hbm>> -> memref<128xi32, #tpu.memory_space<hbm>>
            tpu.wait_dma2 semaphore(%run_scoped3A : memref<!tpu.dma_semaphore, #tpu.memory_space<semaphore_mem>>) src(%dma_wait3A_230 : memref<128xi32, #tpu.memory_space<hbm>>) dst(%arg9 : memref<128xi32, #tpu.memory_space<vmem>>)
            tpu.yield
          }) : () -> ()
          %get3A_119 = arith.constant 0 : index
          %get3A_120 = tpu.vector_load %arg9[%get3A_119] {strides = array<i32>} : memref<128xi32, #tpu.memory_space<vmem>>, vector<16xi32>,
          %and3A_121 = arith.constant 3 : i32
          %and3A_122 = vector.broadcast %and3A_121 : i32 to vector<16xi32>
          %and3A_123 = arith.andi %get3A_120, %and3A_122 : vector<16xi32>
          %mul3A_124 = arith.constant 100000 : i32
          %mul3A_125 = vector.broadcast %mul3A_124 : i32 to vector<16xi32>
          %mul3A_126 = arith.muli %and3A_123, %mul3A_125 : vector<16xi32>
          %get3A_127 = arith.constant 0 : index
          %get3A_128 = tpu.vector_load %arg7[%get3A_127] {strides = array<i32>} : memref<128xi32, #tpu.memory_space<vmem>>, vector<16xi32>,
          %add3A_129 = arith.addi %mul3A_126, %get3A_128 : vector<16xi32>
          %swap3A_130 = arith.constant 0 : index
          %swap3A_131 = tpu.vector_load %arg8[%swap3A_130] {strides = array<i32>} : memref<128xi32, #tpu.memory_space<vmem>>, vector<16xi32>,
          tpu.vector_store %arg8[%swap3A_130], %add3A_129 {strides = array<i32>} : memref<128xi32, #tpu.memory_space<vmem>>, vector<16xi32>,
          %get3A_132 = arith.constant 16 : index
          %get3A_133 = tpu.vector_load %arg9[%get3A_132] {strides = array<i32>} : memref<128xi32, #tpu.memory_space<vmem>>, vector<16xi32>,
          %and3A_134 = arith.constant 3 : i32
          %and3A_135 = vector.broadcast %and3A_134 : i32 to vector<16xi32>
          %and3A_136 = arith.andi %get3A_133, %and3A_135 : vector<16xi32>
          %mul3A_137 = arith.constant 100000 : i32
          %mul3A_138 = vector.broadcast %mul3A_137 : i32 to vector<16xi32>
          %mul3A_139 = arith.muli %and3A_136, %mul3A_138 : vector<16xi32>
          %get3A_140 = arith.constant 16 : index
          %get3A_141 = tpu.vector_load %arg7[%get3A_140] {strides = array<i32>} : memref<128xi32, #tpu.memory_space<vmem>>, vector<16xi32>,
          %add3A_142 = arith.addi %mul3A_139, %get3A_141 : vector<16xi32>
          %swap3A_143 = arith.constant 16 : index
          %swap3A_144 = tpu.vector_load %arg8[%swap3A_143] {strides = array<i32>} : memref<128xi32, #tpu.memory_space<vmem>>, vector<16xi32>,
          tpu.vector_store %arg8[%swap3A_143], %add3A_142 {strides = array<i32>} : memref<128xi32, #tpu.memory_space<vmem>>, vector<16xi32>,
          %get3A_145 = arith.constant 32 : index
          %get3A_146 = tpu.vector_load %arg9[%get3A_145] {strides = array<i32>} : memref<128xi32, #tpu.memory_space<vmem>>, vector<16xi32>,
          %and3A_147 = arith.constant 3 : i32
          %and3A_148 = vector.broadcast %and3A_147 : i32 to vector<16xi32>
          %and3A_149 = arith.andi %get3A_146, %and3A_148 : vector<16xi32>
          %mul3A_150 = arith.constant 100000 : i32
          %mul3A_151 = vector.broadcast %mul3A_150 : i32 to vector<16xi32>
          %mul3A_152 = arith.muli %and3A_149, %mul3A_151 : vector<16xi32>
          %get3A_153 = arith.constant 32 : index
          %get3A_154 = tpu.vector_load %arg7[%get3A_153] {strides = array<i32>} : memref<128xi32, #tpu.memory_space<vmem>>, vector<16xi32>,
          %add3A_155 = arith.addi %mul3A_152, %get3A_154 : vector<16xi32>
          %swap3A_156 = arith.constant 32 : index
          %swap3A_157 = tpu.vector_load %arg8[%swap3A_156] {strides = array<i32>} : memref<128xi32, #tpu.memory_space<vmem>>, vector<16xi32>,
          tpu.vector_store %arg8[%swap3A_156], %add3A_155 {strides = array<i32>} : memref<128xi32, #tpu.memory_space<vmem>>, vector<16xi32>,
          %get3A_158 = arith.constant 48 : index
          %get3A_159 = tpu.vector_load %arg9[%get3A_158] {strides = array<i32>} : memref<128xi32, #tpu.memory_space<vmem>>, vector<16xi32>,
          %and3A_160 = arith.constant 3 : i32
          %and3A_161 = vector.broadcast %and3A_160 : i32 to vector<16xi32>
          %and3A_162 = arith.andi %get3A_159, %and3A_161 : vector<16xi32>
          %mul3A_163 = arith.constant 100000 : i32
          %mul3A_164 = vector.broadcast %mul3A_163 : i32 to vector<16xi32>
          %mul3A_165 = arith.muli %and3A_162, %mul3A_164 : vector<16xi32>
          %get3A_166 = arith.constant 48 : index
          %get3A_167 = tpu.vector_load %arg7[%get3A_166] {strides = array<i32>} : memref<128xi32, #tpu.memory_space<vmem>>, vector<16xi32>,
          %add3A_168 = arith.addi %mul3A_165, %get3A_167 : vector<16xi32>
          %swap3A_169 = arith.constant 48 : index
          %swap3A_170 = tpu.vector_load %arg8[%swap3A_169] {strides = array<i32>} : memref<128xi32, #tpu.memory_space<vmem>>, vector<16xi32>,
          tpu.vector_store %arg8[%swap3A_169], %add3A_168 {strides = array<i32>} : memref<128xi32, #tpu.memory_space<vmem>>, vector<16xi32>,
          %get3A_171 = arith.constant 64 : index
          %get3A_172 = tpu.vector_load %arg9[%get3A_171] {strides = array<i32>} : memref<128xi32, #tpu.memory_space<vmem>>, vector<16xi32>,
          %and3A_173 = arith.constant 3 : i32
          %and3A_174 = vector.broadcast %and3A_173 : i32 to vector<16xi32>
          %and3A_175 = arith.andi %get3A_172, %and3A_174 : vector<16xi32>
          %mul3A_176 = arith.constant 100000 : i32
          %mul3A_177 = vector.broadcast %mul3A_176 : i32 to vector<16xi32>
          %mul3A_178 = arith.muli %and3A_175, %mul3A_177 : vector<16xi32>
          %get3A_179 = arith.constant 64 : index
          %get3A_180 = tpu.vector_load %arg7[%get3A_179] {strides = array<i32>} : memref<128xi32, #tpu.memory_space<vmem>>, vector<16xi32>,
          %add3A_181 = arith.addi %mul3A_178, %get3A_180 : vector<16xi32>
          %swap3A_182 = arith.constant 64 : index
          %swap3A_183 = tpu.vector_load %arg8[%swap3A_182] {strides = array<i32>} : memref<128xi32, #tpu.memory_space<vmem>>, vector<16xi32>,
          tpu.vector_store %arg8[%swap3A_182], %add3A_181 {strides = array<i32>} : memref<128xi32, #tpu.memory_space<vmem>>, vector<16xi32>,
          %get3A_184 = arith.constant 80 : index
          %get3A_185 = tpu.vector_load %arg9[%get3A_184] {strides = array<i32>} : memref<128xi32, #tpu.memory_space<vmem>>, vector<16xi32>,
          %and3A_186 = arith.constant 3 : i32
          %and3A_187 = vector.broadcast %and3A_186 : i32 to vector<16xi32>
          %and3A_188 = arith.andi %get3A_185, %and3A_187 : vector<16xi32>
          %mul3A_189 = arith.constant 100000 : i32
          %mul3A_190 = vector.broadcast %mul3A_189 : i32 to vector<16xi32>
          %mul3A_191 = arith.muli %and3A_188, %mul3A_190 : vector<16xi32>
          %get3A_192 = arith.constant 80 : index
          %get3A_193 = tpu.vector_load %arg7[%get3A_192] {strides = array<i32>} : memref<128xi32, #tpu.memory_space<vmem>>, vector<16xi32>,
          %add3A_194 = arith.addi %mul3A_191, %get3A_193 : vector<16xi32>
          %swap3A_195 = arith.constant 80 : index
          %swap3A_196 = tpu.vector_load %arg8[%swap3A_195] {strides = array<i32>} : memref<128xi32, #tpu.memory_space<vmem>>, vector<16xi32>,
          tpu.vector_store %arg8[%swap3A_195], %add3A_194 {strides = array<i32>} : memref<128xi32, #tpu.memory_space<vmem>>, vector<16xi32>,
          %get3A_197 = arith.constant 96 : index
          %get3A_198 = tpu.vector_load %arg9[%get3A_197] {strides = array<i32>} : memref<128xi32, #tpu.memory_space<vmem>>, vector<16xi32>,
          %and3A_199 = arith.constant 3 : i32
          %and3A_200 = vector.broadcast %and3A_199 : i32 to vector<16xi32>
          %and3A_201 = arith.andi %get3A_198, %and3A_200 : vector<16xi32>
          %mul3A_202 = arith.constant 100000 : i32
          %mul3A_203 = vector.broadcast %mul3A_202 : i32 to vector<16xi32>
          %mul3A_204 = arith.muli %and3A_201, %mul3A_203 : vector<16xi32>
          %get3A_205 = arith.constant 96 : index
          %get3A_206 = tpu.vector_load %arg7[%get3A_205] {strides = array<i32>} : memref<128xi32, #tpu.memory_space<vmem>>, vector<16xi32>,
          %add3A_207 = arith.addi %mul3A_204, %get3A_206 : vector<16xi32>
          %swap3A_208 = arith.constant 96 : index
          %swap3A_209 = tpu.vector_load %arg8[%swap3A_208] {strides = array<i32>} : memref<128xi32, #tpu.memory_space<vmem>>, vector<16xi32>,
          tpu.vector_store %arg8[%swap3A_208], %add3A_207 {strides = array<i32>} : memref<128xi32, #tpu.memory_space<vmem>>, vector<16xi32>,
          %get3A_210 = arith.constant 112 : index
          %get3A_211 = tpu.vector_load %arg9[%get3A_210] {strides = array<i32>} : memref<128xi32, #tpu.memory_space<vmem>>, vector<16xi32>,
          %and3A_212 = arith.constant 3 : i32
          %and3A_213 = vector.broadcast %and3A_212 : i32 to vector<16xi32>
          %and3A_214 = arith.andi %get3A_211, %and3A_213 : vector<16xi32>
          %mul3A_215 = arith.constant 100000 : i32
          %mul3A_216 = vector.broadcast %mul3A_215 : i32 to vector<16xi32>
          %mul3A_217 = arith.muli %and3A_214, %mul3A_216 : vector<16xi32>
          %get3A_218 = arith.constant 112 : index
          %get3A_219 = tpu.vector_load %arg7[%get3A_218] {strides = array<i32>} : memref<128xi32, #tpu.memory_space<vmem>>, vector<16xi32>,
          %add3A_220 = arith.addi %mul3A_217, %get3A_219 : vector<16xi32>
          %swap3A_221 = arith.constant 112 : index
          %swap3A_222 = tpu.vector_load %arg8[%swap3A_221] {strides = array<i32>} : memref<128xi32, #tpu.memory_space<vmem>>, vector<16xi32>,
          tpu.vector_store %arg8[%swap3A_221], %add3A_220 {strides = array<i32>} : memref<128xi32, #tpu.memory_space<vmem>>, vector<16xi32>,
          %dma_start3A = arith.constant 0 : i32
          %dma_start3A_223 = arith.constant 0 : i32
          %dma_start3A_224 = tpu.memref_slice %arg2[%dma_start3A, %dma_start3A_223] : memref<100000x128xf32, #tpu.memory_space<hbm>> -> memref<100000x128xf32, #tpu.memory_space<hbm>>
          tpu.enqueue_indirect_dma source(%dma_start3A_224 : memref<100000x128xf32, #tpu.memory_space<hbm>>) target(%arg11 : memref<128x128xf32, #tpu.memory_space<vmem>>) offsets(%arg7 : memref<128xi32, #tpu.memory_space<vmem>>) semaphore(%arg20 : memref<!tpu.dma_semaphore, #tpu.memory_space<semaphore_mem>>)
          %dma_start3A_225 = arith.constant 0 : i32
          %dma_start3A_226 = tpu.memref_slice %arg3[%dma_start3A_225] : memref<400000xf32, #tpu.memory_space<hbm>> -> memref<400000xf32, #tpu.memory_space<hbm>>
          tpu.enqueue_indirect_dma source(%dma_start3A_226 : memref<400000xf32, #tpu.memory_space<hbm>>) target(%arg10 : memref<128xf32, #tpu.memory_space<vmem>>) offsets(%arg8 : memref<128xi32, #tpu.memory_space<vmem>>) semaphore(%arg20 : memref<!tpu.dma_semaphore, #tpu.memory_space<semaphore_mem>>)
        } else {
        }
        %dma_wait3A = arith.constant 0 : i32
        %dma_wait3A_70 = arith.constant 0 : i32
        %dma_wait3A_71 = tpu.memref_slice %arg2[%dma_wait3A, %dma_wait3A_70] : memref<100000x128xf32, #tpu.memory_space<hbm>> -> memref<100000x128xf32, #tpu.memory_space<hbm>>
        tpu.wait_indirect_dma semaphore(%arg21 : memref<!tpu.dma_semaphore, #tpu.memory_space<semaphore_mem>>) src(%dma_wait3A_71 : memref<100000x128xf32, #tpu.memory_space<hbm>>) dst(%arg16 : memref<128x128xf32, #tpu.memory_space<vmem>>)
        %dma_wait3A_72 = arith.constant 0 : i32
        %dma_wait3A_73 = tpu.memref_slice %arg3[%dma_wait3A_72] : memref<400000xf32, #tpu.memory_space<hbm>> -> memref<400000xf32, #tpu.memory_space<hbm>>
        tpu.wait_indirect_dma semaphore(%arg21 : memref<!tpu.dma_semaphore, #tpu.memory_space<semaphore_mem>>) src(%dma_wait3A_73 : memref<400000xf32, #tpu.memory_space<hbm>>) dst(%arg15 : memref<128xf32, #tpu.memory_space<vmem>>)
        %get3A = arith.constant 0 : index
        %get3A_74 = tpu.vector_load %arg15[%get3A] {strides = array<i32>} : memref<128xf32, #tpu.memory_space<vmem>>, vector<16xf32>,
        %exp3A = math.exp %get3A_74 : vector<16xf32>
        %swap3A = arith.constant 0 : index
        %swap3A_75 = tpu.vector_load %arg15[%swap3A] {strides = array<i32>} : memref<128xf32, #tpu.memory_space<vmem>>, vector<16xf32>,
        tpu.vector_store %arg15[%swap3A], %exp3A {strides = array<i32>} : memref<128xf32, #tpu.memory_space<vmem>>, vector<16xf32>,
        %get3A_76 = arith.constant 16 : index
        %get3A_77 = tpu.vector_load %arg15[%get3A_76] {strides = array<i32>} : memref<128xf32, #tpu.memory_space<vmem>>, vector<16xf32>,
        %exp3A_78 = math.exp %get3A_77 : vector<16xf32>
        %swap3A_79 = arith.constant 16 : index
        %swap3A_80 = tpu.vector_load %arg15[%swap3A_79] {strides = array<i32>} : memref<128xf32, #tpu.memory_space<vmem>>, vector<16xf32>,
        tpu.vector_store %arg15[%swap3A_79], %exp3A_78 {strides = array<i32>} : memref<128xf32, #tpu.memory_space<vmem>>, vector<16xf32>,
        %get3A_81 = arith.constant 32 : index
        %get3A_82 = tpu.vector_load %arg15[%get3A_81] {strides = array<i32>} : memref<128xf32, #tpu.memory_space<vmem>>, vector<16xf32>,
        %exp3A_83 = math.exp %get3A_82 : vector<16xf32>
        %swap3A_84 = arith.constant 32 : index
        %swap3A_85 = tpu.vector_load %arg15[%swap3A_84] {strides = array<i32>} : memref<128xf32, #tpu.memory_space<vmem>>, vector<16xf32>,
        tpu.vector_store %arg15[%swap3A_84], %exp3A_83 {strides = array<i32>} : memref<128xf32, #tpu.memory_space<vmem>>, vector<16xf32>,
        %get3A_86 = arith.constant 48 : index
        %get3A_87 = tpu.vector_load %arg15[%get3A_86] {strides = array<i32>} : memref<128xf32, #tpu.memory_space<vmem>>, vector<16xf32>,
        %exp3A_88 = math.exp %get3A_87 : vector<16xf32>
        %swap3A_89 = arith.constant 48 : index
        %swap3A_90 = tpu.vector_load %arg15[%swap3A_89] {strides = array<i32>} : memref<128xf32, #tpu.memory_space<vmem>>, vector<16xf32>,
        tpu.vector_store %arg15[%swap3A_89], %exp3A_88 {strides = array<i32>} : memref<128xf32, #tpu.memory_space<vmem>>, vector<16xf32>,
        %get3A_91 = arith.constant 64 : index
        %get3A_92 = tpu.vector_load %arg15[%get3A_91] {strides = array<i32>} : memref<128xf32, #tpu.memory_space<vmem>>, vector<16xf32>,
        %exp3A_93 = math.exp %get3A_92 : vector<16xf32>
        %swap3A_94 = arith.constant 64 : index
        %swap3A_95 = tpu.vector_load %arg15[%swap3A_94] {strides = array<i32>} : memref<128xf32, #tpu.memory_space<vmem>>, vector<16xf32>,
        tpu.vector_store %arg15[%swap3A_94], %exp3A_93 {strides = array<i32>} : memref<128xf32, #tpu.memory_space<vmem>>, vector<16xf32>,
        %get3A_96 = arith.constant 80 : index
        %get3A_97 = tpu.vector_load %arg15[%get3A_96] {strides = array<i32>} : memref<128xf32, #tpu.memory_space<vmem>>, vector<16xf32>,
        %exp3A_98 = math.exp %get3A_97 : vector<16xf32>
        %swap3A_99 = arith.constant 80 : index
        %swap3A_100 = tpu.vector_load %arg15[%swap3A_99] {strides = array<i32>} : memref<128xf32, #tpu.memory_space<vmem>>, vector<16xf32>,
        tpu.vector_store %arg15[%swap3A_99], %exp3A_98 {strides = array<i32>} : memref<128xf32, #tpu.memory_space<vmem>>, vector<16xf32>,
        %get3A_101 = arith.constant 96 : index
        %get3A_102 = tpu.vector_load %arg15[%get3A_101] {strides = array<i32>} : memref<128xf32, #tpu.memory_space<vmem>>, vector<16xf32>,
        %exp3A_103 = math.exp %get3A_102 : vector<16xf32>
        %swap3A_104 = arith.constant 96 : index
        %swap3A_105 = tpu.vector_load %arg15[%swap3A_104] {strides = array<i32>} : memref<128xf32, #tpu.memory_space<vmem>>, vector<16xf32>,
        tpu.vector_store %arg15[%swap3A_104], %exp3A_103 {strides = array<i32>} : memref<128xf32, #tpu.memory_space<vmem>>, vector<16xf32>,
        %get3A_106 = arith.constant 112 : index
        %get3A_107 = tpu.vector_load %arg15[%get3A_106] {strides = array<i32>} : memref<128xf32, #tpu.memory_space<vmem>>, vector<16xf32>,
        %exp3A_108 = math.exp %get3A_107 : vector<16xf32>
        %swap3A_109 = arith.constant 112 : index
        %swap3A_110 = tpu.vector_load %arg15[%swap3A_109] {strides = array<i32>} : memref<128xf32, #tpu.memory_space<vmem>>, vector<16xf32>,
        tpu.vector_store %arg15[%swap3A_109], %exp3A_108 {strides = array<i32>} : memref<128xf32, #tpu.memory_space<vmem>>, vector<16xf32>,
        %parallel_loop3A = arith.constant 0 : i32
        %parallel_loop3A_111 = arith.constant 128 : i32
        %parallel_loop3A_112 = arith.constant 1 : i32
        scf.for %parallel_loop3A_113 = %parallel_loop3A to %parallel_loop3A_111 step %parallel_loop3A_112  : i32 {
          %parallel_loop3A_114 = vector.broadcast %parallel_loop3A_113 : i32 to vector<16xi32>
          %parallel_loop3A_115 = tpu.vector_load_idx %arg14[%parallel_loop3A_114] : memref<128xi32, #tpu.memory_space<vmem>>[vector<16xi32>], vector<16xi32>,
          %parallel_loop3A_116 = tpu.vector_load_idx %arg15[%parallel_loop3A_114] : memref<128xf32, #tpu.memory_space<vmem>>[vector<16xi32>], vector<16xf32>,
          %parallel_loop3A_117 = vector.extract_strided_slice %parallel_loop3A_115 {offsets = [0], sizes = [1], strides = [1]} : vector<16xi32> to vector<1xi32>
          %parallel_loop3A_118 = vector.extract %parallel_loop3A_117[0] : i32 from vector<1xi32>
          %parallel_loop3A_119 = arith.subi %parallel_loop3A_118, %mul3A_2 : i32
          %parallel_loop3A_120 = arith.constant 0 : i32
          %parallel_loop3A_121 = arith.cmpi sge, %parallel_loop3A_119, %parallel_loop3A_120 : i32
          %parallel_loop3A_122 = arith.constant 512 : i32
          %parallel_loop3A_123 = arith.cmpi slt, %parallel_loop3A_119, %parallel_loop3A_122 : i32
          %parallel_loop3A_124 = arith.andi %parallel_loop3A_121, %parallel_loop3A_123 : i1
          %parallel_loop3A_125 = arith.constant 512 : i32
          %parallel_loop3A_126 = arith.select %parallel_loop3A_124, %parallel_loop3A_119, %parallel_loop3A_125 : i32
          %parallel_loop3A_127 = arith.index_cast %parallel_loop3A_113 : i32 to index
          %parallel_loop3A_128 = arith.constant 0 : index
          %parallel_loop3A_129 = tpu.vector_load %arg16[%parallel_loop3A_127, %parallel_loop3A_128] {strides = array<i32>} : memref<128x128xf32, #tpu.memory_space<vmem>>, vector<16xf32>,
          %parallel_loop3A_130 = arith.mulf %parallel_loop3A_129, %parallel_loop3A_116 : vector<16xf32>
          %parallel_loop3A_131 = arith.index_cast %parallel_loop3A_126 : i32 to index
          %parallel_loop3A_132 = arith.constant 0 : index
          %parallel_loop3A_133 = tpu.vector_load %arg17[%parallel_loop3A_131, %parallel_loop3A_132] {strides = array<i32>} : memref<513x128xf32, #tpu.memory_space<vmem>>, vector<16xf32>,
          tpu.vector_store %arg17[%parallel_loop3A_131, %parallel_loop3A_132], %parallel_loop3A_130 {add = true, strides = array<i32>} : memref<513x128xf32, #tpu.memory_space<vmem>>, vector<16xf32>,
          %parallel_loop3A_134 = arith.index_cast %parallel_loop3A_113 : i32 to index
          %parallel_loop3A_135 = arith.constant 16 : index
          %parallel_loop3A_136 = tpu.vector_load %arg16[%parallel_loop3A_134, %parallel_loop3A_135] {strides = array<i32>} : memref<128x128xf32, #tpu.memory_space<vmem>>, vector<16xf32>,
          %parallel_loop3A_137 = arith.mulf %parallel_loop3A_136, %parallel_loop3A_116 : vector<16xf32>
          %parallel_loop3A_138 = arith.index_cast %parallel_loop3A_126 : i32 to index
          %parallel_loop3A_139 = arith.constant 16 : index
          %parallel_loop3A_140 = tpu.vector_load %arg17[%parallel_loop3A_138, %parallel_loop3A_139] {strides = array<i32>} : memref<513x128xf32, #tpu.memory_space<vmem>>, vector<16xf32>,
          tpu.vector_store %arg17[%parallel_loop3A_138, %parallel_loop3A_139], %parallel_loop3A_137 {add = true, strides = array<i32>} : memref<513x128xf32, #tpu.memory_space<vmem>>, vector<16xf32>,
          %parallel_loop3A_141 = arith.index_cast %parallel_loop3A_113 : i32 to index
          %parallel_loop3A_142 = arith.constant 32 : index
          %parallel_loop3A_143 = tpu.vector_load %arg16[%parallel_loop3A_141, %parallel_loop3A_142] {strides = array<i32>} : memref<128x128xf32, #tpu.memory_space<vmem>>, vector<16xf32>,
          %parallel_loop3A_144 = arith.mulf %parallel_loop3A_143, %parallel_loop3A_116 : vector<16xf32>
          %parallel_loop3A_145 = arith.index_cast %parallel_loop3A_126 : i32 to index
          %parallel_loop3A_146 = arith.constant 32 : index
          %parallel_loop3A_147 = tpu.vector_load %arg17[%parallel_loop3A_145, %parallel_loop3A_146] {strides = array<i32>} : memref<513x128xf32, #tpu.memory_space<vmem>>, vector<16xf32>,
          tpu.vector_store %arg17[%parallel_loop3A_145, %parallel_loop3A_146], %parallel_loop3A_144 {add = true, strides = array<i32>} : memref<513x128xf32, #tpu.memory_space<vmem>>, vector<16xf32>,
          %parallel_loop3A_148 = arith.index_cast %parallel_loop3A_113 : i32 to index
          %parallel_loop3A_149 = arith.constant 48 : index
          %parallel_loop3A_150 = tpu.vector_load %arg16[%parallel_loop3A_148, %parallel_loop3A_149] {strides = array<i32>} : memref<128x128xf32, #tpu.memory_space<vmem>>, vector<16xf32>,
          %parallel_loop3A_151 = arith.mulf %parallel_loop3A_150, %parallel_loop3A_116 : vector<16xf32>
          %parallel_loop3A_152 = arith.index_cast %parallel_loop3A_126 : i32 to index
          %parallel_loop3A_153 = arith.constant 48 : index
          %parallel_loop3A_154 = tpu.vector_load %arg17[%parallel_loop3A_152, %parallel_loop3A_153] {strides = array<i32>} : memref<513x128xf32, #tpu.memory_space<vmem>>, vector<16xf32>,
          tpu.vector_store %arg17[%parallel_loop3A_152, %parallel_loop3A_153], %parallel_loop3A_151 {add = true, strides = array<i32>} : memref<513x128xf32, #tpu.memory_space<vmem>>, vector<16xf32>,
          %parallel_loop3A_155 = arith.index_cast %parallel_loop3A_113 : i32 to index
          %parallel_loop3A_156 = arith.constant 64 : index
          %parallel_loop3A_157 = tpu.vector_load %arg16[%parallel_loop3A_155, %parallel_loop3A_156] {strides = array<i32>} : memref<128x128xf32, #tpu.memory_space<vmem>>, vector<16xf32>,
          %parallel_loop3A_158 = arith.mulf %parallel_loop3A_157, %parallel_loop3A_116 : vector<16xf32>
          %parallel_loop3A_159 = arith.index_cast %parallel_loop3A_126 : i32 to index
          %parallel_loop3A_160 = arith.constant 64 : index
          %parallel_loop3A_161 = tpu.vector_load %arg17[%parallel_loop3A_159, %parallel_loop3A_160] {strides = array<i32>} : memref<513x128xf32, #tpu.memory_space<vmem>>, vector<16xf32>,
          tpu.vector_store %arg17[%parallel_loop3A_159, %parallel_loop3A_160], %parallel_loop3A_158 {add = true, strides = array<i32>} : memref<513x128xf32, #tpu.memory_space<vmem>>, vector<16xf32>,
          %parallel_loop3A_162 = arith.index_cast %parallel_loop3A_113 : i32 to index
          %parallel_loop3A_163 = arith.constant 80 : index
          %parallel_loop3A_164 = tpu.vector_load %arg16[%parallel_loop3A_162, %parallel_loop3A_163] {strides = array<i32>} : memref<128x128xf32, #tpu.memory_space<vmem>>, vector<16xf32>,
          %parallel_loop3A_165 = arith.mulf %parallel_loop3A_164, %parallel_loop3A_116 : vector<16xf32>
          %parallel_loop3A_166 = arith.index_cast %parallel_loop3A_126 : i32 to index
          %parallel_loop3A_167 = arith.constant 80 : index
          %parallel_loop3A_168 = tpu.vector_load %arg17[%parallel_loop3A_166, %parallel_loop3A_167] {strides = array<i32>} : memref<513x128xf32, #tpu.memory_space<vmem>>, vector<16xf32>,
          tpu.vector_store %arg17[%parallel_loop3A_166, %parallel_loop3A_167], %parallel_loop3A_165 {add = true, strides = array<i32>} : memref<513x128xf32, #tpu.memory_space<vmem>>, vector<16xf32>,
          %parallel_loop3A_169 = arith.index_cast %parallel_loop3A_113 : i32 to index
          %parallel_loop3A_170 = arith.constant 96 : index
          %parallel_loop3A_171 = tpu.vector_load %arg16[%parallel_loop3A_169, %parallel_loop3A_170] {strides = array<i32>} : memref<128x128xf32, #tpu.memory_space<vmem>>, vector<16xf32>,
          %parallel_loop3A_172 = arith.mulf %parallel_loop3A_171, %parallel_loop3A_116 : vector<16xf32>
          %parallel_loop3A_173 = arith.index_cast %parallel_loop3A_126 : i32 to index
          %parallel_loop3A_174 = arith.constant 96 : index
          %parallel_loop3A_175 = tpu.vector_load %arg17[%parallel_loop3A_173, %parallel_loop3A_174] {strides = array<i32>} : memref<513x128xf32, #tpu.memory_space<vmem>>, vector<16xf32>,
          tpu.vector_store %arg17[%parallel_loop3A_173, %parallel_loop3A_174], %parallel_loop3A_172 {add = true, strides = array<i32>} : memref<513x128xf32, #tpu.memory_space<vmem>>, vector<16xf32>,
          %parallel_loop3A_176 = arith.index_cast %parallel_loop3A_113 : i32 to index
          %parallel_loop3A_177 = arith.constant 112 : index
          %parallel_loop3A_178 = tpu.vector_load %arg16[%parallel_loop3A_176, %parallel_loop3A_177] {strides = array<i32>} : memref<128x128xf32, #tpu.memory_space<vmem>>, vector<16xf32>,
          %parallel_loop3A_179 = arith.mulf %parallel_loop3A_178, %parallel_loop3A_116 : vector<16xf32>
          %parallel_loop3A_180 = arith.index_cast %parallel_loop3A_126 : i32 to index
          %parallel_loop3A_181 = arith.constant 112 : index
          %parallel_loop3A_182 = tpu.vector_load %arg17[%parallel_loop3A_180, %parallel_loop3A_181] {strides = array<i32>} : memref<513x128xf32, #tpu.memory_space<vmem>>, vector<16xf32>,
          tpu.vector_store %arg17[%parallel_loop3A_180, %parallel_loop3A_181], %parallel_loop3A_179 {add = true, strides = array<i32>} : memref<513x128xf32, #tpu.memory_space<vmem>>, vector<16xf32>,
          %parallel_loop3A_183 = arith.index_cast %parallel_loop3A_126 : i32 to index
          %parallel_loop3A_184 = arith.constant 0 : index
          %parallel_loop3A_185 = tpu.vector_load %arg18[%parallel_loop3A_183, %parallel_loop3A_184] {strides = array<i32>} : memref<513x16xf32, #tpu.memory_space<vmem>>, vector<16xf32>,
          tpu.vector_store %arg18[%parallel_loop3A_183, %parallel_loop3A_184], %parallel_loop3A_116 {add = true, strides = array<i32>} : memref<513x16xf32, #tpu.memory_space<vmem>>, vector<16xf32>,
        } {sc.loop_unroll_factor = 4 : i64, sc.parallel_access}
      } else {
      }
    }
    %while3A_49 = arith.constant 1 : i32
    scf.for %while3A_55 = %while3A_47 to %while3A_43 step %while3A_49  : i32 {
      %and3A = arith.constant 1 : i32
      %and3A_56 = arith.andi %while3A_55, %and3A : i32
      %eq3A = arith.constant 0 : i32
      %eq3A_57 = arith.cmpi eq, %and3A_56, %eq3A : i32
      %convert_element_type3A_58 = arith.extui %eq3A_57 : i1 to i32
      %cond3A_59 = arith.constant 0 : i32
      %cond3A_60 = arith.cmpi ne, %convert_element_type3A_58, %cond3A_59 : i32
      scf.if %cond3A_60 {
        %add3A_65 = arith.constant 1 : i32
        %add3A_66 = arith.addi %while3A_55, %add3A_65 : i32
        %lt3A = arith.cmpi slt, %add3A_66, %div3A_39 : i32
        %convert_element_type3A_67 = arith.extui %lt3A : i1 to i32
        %cond3A_68 = arith.constant 0 : i32
        %cond3A_69 = arith.cmpi ne, %convert_element_type3A_67, %cond3A_68 : i32
        scf.if %cond3A_69 {
          %add3A_113 = arith.constant 1 : i32
          %add3A_114 = arith.addi %while3A_55, %add3A_113 : i32
          %add3A_115 = arith.addi %div3A_32, %add3A_114 : i32
          %min3A = arith.constant 4095 : i32
          %min3A_116 = arith.minsi %add3A_115, %min3A : i32
          %mul3A_117 = arith.constant 128 : i32
          %mul3A_118 = arith.muli %min3A_116, %mul3A_117 : i32
          "tpu.region"() ({
            %run_scoped3A = tpu.sem_alloc : memref<!tpu.dma_semaphore, #tpu.memory_space<semaphore_mem>>
            %dma_start3A_227 = tpu.memref_slice %arg4[%mul3A_118] : memref<524288xi32, #tpu.memory_space<hbm>> -> memref<128xi32, #tpu.memory_space<hbm>>
            %dma_start3A_228 = tpu.memref_slice %arg4[%mul3A_118] : memref<524288xi32, #tpu.memory_space<hbm>> -> memref<128xi32, #tpu.memory_space<hbm>>
            tpu.enqueue_dma source(%dma_start3A_228 : memref<128xi32, #tpu.memory_space<hbm>>) target(%arg12 : memref<128xi32, #tpu.memory_space<vmem>>) target_semaphore(%run_scoped3A : memref<!tpu.dma_semaphore, #tpu.memory_space<semaphore_mem>>)
            %dma_wait3A_229 = tpu.memref_slice %arg4[%mul3A_118] : memref<524288xi32, #tpu.memory_space<hbm>> -> memref<128xi32, #tpu.memory_space<hbm>>
            %dma_wait3A_230 = tpu.memref_slice %arg4[%mul3A_118] : memref<524288xi32, #tpu.memory_space<hbm>> -> memref<128xi32, #tpu.memory_space<hbm>>
            tpu.wait_dma2 semaphore(%run_scoped3A : memref<!tpu.dma_semaphore, #tpu.memory_space<semaphore_mem>>) src(%dma_wait3A_230 : memref<128xi32, #tpu.memory_space<hbm>>) dst(%arg12 : memref<128xi32, #tpu.memory_space<vmem>>)
            tpu.yield
          }) : () -> ()
          "tpu.region"() ({
            %run_scoped3A = tpu.sem_alloc : memref<!tpu.dma_semaphore, #tpu.memory_space<semaphore_mem>>
            %dma_start3A_227 = tpu.memref_slice %arg5[%mul3A_118] : memref<524288xi32, #tpu.memory_space<hbm>> -> memref<128xi32, #tpu.memory_space<hbm>>
            %dma_start3A_228 = tpu.memref_slice %arg5[%mul3A_118] : memref<524288xi32, #tpu.memory_space<hbm>> -> memref<128xi32, #tpu.memory_space<hbm>>
            tpu.enqueue_dma source(%dma_start3A_228 : memref<128xi32, #tpu.memory_space<hbm>>) target(%arg14 : memref<128xi32, #tpu.memory_space<vmem>>) target_semaphore(%run_scoped3A : memref<!tpu.dma_semaphore, #tpu.memory_space<semaphore_mem>>)
            %dma_wait3A_229 = tpu.memref_slice %arg5[%mul3A_118] : memref<524288xi32, #tpu.memory_space<hbm>> -> memref<128xi32, #tpu.memory_space<hbm>>
            %dma_wait3A_230 = tpu.memref_slice %arg5[%mul3A_118] : memref<524288xi32, #tpu.memory_space<hbm>> -> memref<128xi32, #tpu.memory_space<hbm>>
            tpu.wait_dma2 semaphore(%run_scoped3A : memref<!tpu.dma_semaphore, #tpu.memory_space<semaphore_mem>>) src(%dma_wait3A_230 : memref<128xi32, #tpu.memory_space<hbm>>) dst(%arg14 : memref<128xi32, #tpu.memory_space<vmem>>)
            tpu.yield
          }) : () -> ()
          %get3A_119 = arith.constant 0 : index
          %get3A_120 = tpu.vector_load %arg14[%get3A_119] {strides = array<i32>} : memref<128xi32, #tpu.memory_space<vmem>>, vector<16xi32>,
          %and3A_121 = arith.constant 3 : i32
          %and3A_122 = vector.broadcast %and3A_121 : i32 to vector<16xi32>
          %and3A_123 = arith.andi %get3A_120, %and3A_122 : vector<16xi32>
          %mul3A_124 = arith.constant 100000 : i32
          %mul3A_125 = vector.broadcast %mul3A_124 : i32 to vector<16xi32>
          %mul3A_126 = arith.muli %and3A_123, %mul3A_125 : vector<16xi32>
          %get3A_127 = arith.constant 0 : index
          %get3A_128 = tpu.vector_load %arg12[%get3A_127] {strides = array<i32>} : memref<128xi32, #tpu.memory_space<vmem>>, vector<16xi32>,
          %add3A_129 = arith.addi %mul3A_126, %get3A_128 : vector<16xi32>
          %swap3A_130 = arith.constant 0 : index
          %swap3A_131 = tpu.vector_load %arg13[%swap3A_130] {strides = array<i32>} : memref<128xi32, #tpu.memory_space<vmem>>, vector<16xi32>,
          tpu.vector_store %arg13[%swap3A_130], %add3A_129 {strides = array<i32>} : memref<128xi32, #tpu.memory_space<vmem>>, vector<16xi32>,
          %get3A_132 = arith.constant 16 : index
          %get3A_133 = tpu.vector_load %arg14[%get3A_132] {strides = array<i32>} : memref<128xi32, #tpu.memory_space<vmem>>, vector<16xi32>,
          %and3A_134 = arith.constant 3 : i32
          %and3A_135 = vector.broadcast %and3A_134 : i32 to vector<16xi32>
          %and3A_136 = arith.andi %get3A_133, %and3A_135 : vector<16xi32>
          %mul3A_137 = arith.constant 100000 : i32
          %mul3A_138 = vector.broadcast %mul3A_137 : i32 to vector<16xi32>
          %mul3A_139 = arith.muli %and3A_136, %mul3A_138 : vector<16xi32>
          %get3A_140 = arith.constant 16 : index
          %get3A_141 = tpu.vector_load %arg12[%get3A_140] {strides = array<i32>} : memref<128xi32, #tpu.memory_space<vmem>>, vector<16xi32>,
          %add3A_142 = arith.addi %mul3A_139, %get3A_141 : vector<16xi32>
          %swap3A_143 = arith.constant 16 : index
          %swap3A_144 = tpu.vector_load %arg13[%swap3A_143] {strides = array<i32>} : memref<128xi32, #tpu.memory_space<vmem>>, vector<16xi32>,
          tpu.vector_store %arg13[%swap3A_143], %add3A_142 {strides = array<i32>} : memref<128xi32, #tpu.memory_space<vmem>>, vector<16xi32>,
          %get3A_145 = arith.constant 32 : index
          %get3A_146 = tpu.vector_load %arg14[%get3A_145] {strides = array<i32>} : memref<128xi32, #tpu.memory_space<vmem>>, vector<16xi32>,
          %and3A_147 = arith.constant 3 : i32
          %and3A_148 = vector.broadcast %and3A_147 : i32 to vector<16xi32>
          %and3A_149 = arith.andi %get3A_146, %and3A_148 : vector<16xi32>
          %mul3A_150 = arith.constant 100000 : i32
          %mul3A_151 = vector.broadcast %mul3A_150 : i32 to vector<16xi32>
          %mul3A_152 = arith.muli %and3A_149, %mul3A_151 : vector<16xi32>
          %get3A_153 = arith.constant 32 : index
          %get3A_154 = tpu.vector_load %arg12[%get3A_153] {strides = array<i32>} : memref<128xi32, #tpu.memory_space<vmem>>, vector<16xi32>,
          %add3A_155 = arith.addi %mul3A_152, %get3A_154 : vector<16xi32>
          %swap3A_156 = arith.constant 32 : index
          %swap3A_157 = tpu.vector_load %arg13[%swap3A_156] {strides = array<i32>} : memref<128xi32, #tpu.memory_space<vmem>>, vector<16xi32>,
          tpu.vector_store %arg13[%swap3A_156], %add3A_155 {strides = array<i32>} : memref<128xi32, #tpu.memory_space<vmem>>, vector<16xi32>,
          %get3A_158 = arith.constant 48 : index
          %get3A_159 = tpu.vector_load %arg14[%get3A_158] {strides = array<i32>} : memref<128xi32, #tpu.memory_space<vmem>>, vector<16xi32>,
          %and3A_160 = arith.constant 3 : i32
          %and3A_161 = vector.broadcast %and3A_160 : i32 to vector<16xi32>
          %and3A_162 = arith.andi %get3A_159, %and3A_161 : vector<16xi32>
          %mul3A_163 = arith.constant 100000 : i32
          %mul3A_164 = vector.broadcast %mul3A_163 : i32 to vector<16xi32>
          %mul3A_165 = arith.muli %and3A_162, %mul3A_164 : vector<16xi32>
          %get3A_166 = arith.constant 48 : index
          %get3A_167 = tpu.vector_load %arg12[%get3A_166] {strides = array<i32>} : memref<128xi32, #tpu.memory_space<vmem>>, vector<16xi32>,
          %add3A_168 = arith.addi %mul3A_165, %get3A_167 : vector<16xi32>
          %swap3A_169 = arith.constant 48 : index
          %swap3A_170 = tpu.vector_load %arg13[%swap3A_169] {strides = array<i32>} : memref<128xi32, #tpu.memory_space<vmem>>, vector<16xi32>,
          tpu.vector_store %arg13[%swap3A_169], %add3A_168 {strides = array<i32>} : memref<128xi32, #tpu.memory_space<vmem>>, vector<16xi32>,
          %get3A_171 = arith.constant 64 : index
          %get3A_172 = tpu.vector_load %arg14[%get3A_171] {strides = array<i32>} : memref<128xi32, #tpu.memory_space<vmem>>, vector<16xi32>,
          %and3A_173 = arith.constant 3 : i32
          %and3A_174 = vector.broadcast %and3A_173 : i32 to vector<16xi32>
          %and3A_175 = arith.andi %get3A_172, %and3A_174 : vector<16xi32>
          %mul3A_176 = arith.constant 100000 : i32
          %mul3A_177 = vector.broadcast %mul3A_176 : i32 to vector<16xi32>
          %mul3A_178 = arith.muli %and3A_175, %mul3A_177 : vector<16xi32>
          %get3A_179 = arith.constant 64 : index
          %get3A_180 = tpu.vector_load %arg12[%get3A_179] {strides = array<i32>} : memref<128xi32, #tpu.memory_space<vmem>>, vector<16xi32>,
          %add3A_181 = arith.addi %mul3A_178, %get3A_180 : vector<16xi32>
          %swap3A_182 = arith.constant 64 : index
          %swap3A_183 = tpu.vector_load %arg13[%swap3A_182] {strides = array<i32>} : memref<128xi32, #tpu.memory_space<vmem>>, vector<16xi32>,
          tpu.vector_store %arg13[%swap3A_182], %add3A_181 {strides = array<i32>} : memref<128xi32, #tpu.memory_space<vmem>>, vector<16xi32>,
          %get3A_184 = arith.constant 80 : index
          %get3A_185 = tpu.vector_load %arg14[%get3A_184] {strides = array<i32>} : memref<128xi32, #tpu.memory_space<vmem>>, vector<16xi32>,
          %and3A_186 = arith.constant 3 : i32
          %and3A_187 = vector.broadcast %and3A_186 : i32 to vector<16xi32>
          %and3A_188 = arith.andi %get3A_185, %and3A_187 : vector<16xi32>
          %mul3A_189 = arith.constant 100000 : i32
          %mul3A_190 = vector.broadcast %mul3A_189 : i32 to vector<16xi32>
          %mul3A_191 = arith.muli %and3A_188, %mul3A_190 : vector<16xi32>
          %get3A_192 = arith.constant 80 : index
          %get3A_193 = tpu.vector_load %arg12[%get3A_192] {strides = array<i32>} : memref<128xi32, #tpu.memory_space<vmem>>, vector<16xi32>,
          %add3A_194 = arith.addi %mul3A_191, %get3A_193 : vector<16xi32>
          %swap3A_195 = arith.constant 80 : index
          %swap3A_196 = tpu.vector_load %arg13[%swap3A_195] {strides = array<i32>} : memref<128xi32, #tpu.memory_space<vmem>>, vector<16xi32>,
          tpu.vector_store %arg13[%swap3A_195], %add3A_194 {strides = array<i32>} : memref<128xi32, #tpu.memory_space<vmem>>, vector<16xi32>,
          %get3A_197 = arith.constant 96 : index
          %get3A_198 = tpu.vector_load %arg14[%get3A_197] {strides = array<i32>} : memref<128xi32, #tpu.memory_space<vmem>>, vector<16xi32>,
          %and3A_199 = arith.constant 3 : i32
          %and3A_200 = vector.broadcast %and3A_199 : i32 to vector<16xi32>
          %and3A_201 = arith.andi %get3A_198, %and3A_200 : vector<16xi32>
          %mul3A_202 = arith.constant 100000 : i32
          %mul3A_203 = vector.broadcast %mul3A_202 : i32 to vector<16xi32>
          %mul3A_204 = arith.muli %and3A_201, %mul3A_203 : vector<16xi32>
          %get3A_205 = arith.constant 96 : index
          %get3A_206 = tpu.vector_load %arg12[%get3A_205] {strides = array<i32>} : memref<128xi32, #tpu.memory_space<vmem>>, vector<16xi32>,
          %add3A_207 = arith.addi %mul3A_204, %get3A_206 : vector<16xi32>
          %swap3A_208 = arith.constant 96 : index
          %swap3A_209 = tpu.vector_load %arg13[%swap3A_208] {strides = array<i32>} : memref<128xi32, #tpu.memory_space<vmem>>, vector<16xi32>,
          tpu.vector_store %arg13[%swap3A_208], %add3A_207 {strides = array<i32>} : memref<128xi32, #tpu.memory_space<vmem>>, vector<16xi32>,
          %get3A_210 = arith.constant 112 : index
          %get3A_211 = tpu.vector_load %arg14[%get3A_210] {strides = array<i32>} : memref<128xi32, #tpu.memory_space<vmem>>, vector<16xi32>,
          %and3A_212 = arith.constant 3 : i32
          %and3A_213 = vector.broadcast %and3A_212 : i32 to vector<16xi32>
          %and3A_214 = arith.andi %get3A_211, %and3A_213 : vector<16xi32>
          %mul3A_215 = arith.constant 100000 : i32
          %mul3A_216 = vector.broadcast %mul3A_215 : i32 to vector<16xi32>
          %mul3A_217 = arith.muli %and3A_214, %mul3A_216 : vector<16xi32>
          %get3A_218 = arith.constant 112 : index
          %get3A_219 = tpu.vector_load %arg12[%get3A_218] {strides = array<i32>} : memref<128xi32, #tpu.memory_space<vmem>>, vector<16xi32>,
          %add3A_220 = arith.addi %mul3A_217, %get3A_219 : vector<16xi32>
          %swap3A_221 = arith.constant 112 : index
          %swap3A_222 = tpu.vector_load %arg13[%swap3A_221] {strides = array<i32>} : memref<128xi32, #tpu.memory_space<vmem>>, vector<16xi32>,
          tpu.vector_store %arg13[%swap3A_221], %add3A_220 {strides = array<i32>} : memref<128xi32, #tpu.memory_space<vmem>>, vector<16xi32>,
          %dma_start3A = arith.constant 0 : i32
          %dma_start3A_223 = arith.constant 0 : i32
          %dma_start3A_224 = tpu.memref_slice %arg2[%dma_start3A, %dma_start3A_223] : memref<100000x128xf32, #tpu.memory_space<hbm>> -> memref<100000x128xf32, #tpu.memory_space<hbm>>
          tpu.enqueue_indirect_dma source(%dma_start3A_224 : memref<100000x128xf32, #tpu.memory_space<hbm>>) target(%arg16 : memref<128x128xf32, #tpu.memory_space<vmem>>) offsets(%arg12 : memref<128xi32, #tpu.memory_space<vmem>>) semaphore(%arg21 : memref<!tpu.dma_semaphore, #tpu.memory_space<semaphore_mem>>)
          %dma_start3A_225 = arith.constant 0 : i32
          %dma_start3A_226 = tpu.memref_slice %arg3[%dma_start3A_225] : memref<400000xf32, #tpu.memory_space<hbm>> -> memref<400000xf32, #tpu.memory_space<hbm>>
          tpu.enqueue_indirect_dma source(%dma_start3A_226 : memref<400000xf32, #tpu.memory_space<hbm>>) target(%arg15 : memref<128xf32, #tpu.memory_space<vmem>>) offsets(%arg13 : memref<128xi32, #tpu.memory_space<vmem>>) semaphore(%arg21 : memref<!tpu.dma_semaphore, #tpu.memory_space<semaphore_mem>>)
        } else {
        }
        %dma_wait3A = arith.constant 0 : i32
        %dma_wait3A_70 = arith.constant 0 : i32
        %dma_wait3A_71 = tpu.memref_slice %arg2[%dma_wait3A, %dma_wait3A_70] : memref<100000x128xf32, #tpu.memory_space<hbm>> -> memref<100000x128xf32, #tpu.memory_space<hbm>>
        tpu.wait_indirect_dma semaphore(%arg20 : memref<!tpu.dma_semaphore, #tpu.memory_space<semaphore_mem>>) src(%dma_wait3A_71 : memref<100000x128xf32, #tpu.memory_space<hbm>>) dst(%arg11 : memref<128x128xf32, #tpu.memory_space<vmem>>)
        %dma_wait3A_72 = arith.constant 0 : i32
        %dma_wait3A_73 = tpu.memref_slice %arg3[%dma_wait3A_72] : memref<400000xf32, #tpu.memory_space<hbm>> -> memref<400000xf32, #tpu.memory_space<hbm>>
        tpu.wait_indirect_dma semaphore(%arg20 : memref<!tpu.dma_semaphore, #tpu.memory_space<semaphore_mem>>) src(%dma_wait3A_73 : memref<400000xf32, #tpu.memory_space<hbm>>) dst(%arg10 : memref<128xf32, #tpu.memory_space<vmem>>)
        %get3A = arith.constant 0 : index
        %get3A_74 = tpu.vector_load %arg10[%get3A] {strides = array<i32>} : memref<128xf32, #tpu.memory_space<vmem>>, vector<16xf32>,
        %exp3A = math.exp %get3A_74 : vector<16xf32>
        %swap3A = arith.constant 0 : index
        %swap3A_75 = tpu.vector_load %arg10[%swap3A] {strides = array<i32>} : memref<128xf32, #tpu.memory_space<vmem>>, vector<16xf32>,
        tpu.vector_store %arg10[%swap3A], %exp3A {strides = array<i32>} : memref<128xf32, #tpu.memory_space<vmem>>, vector<16xf32>,
        %get3A_76 = arith.constant 16 : index
        %get3A_77 = tpu.vector_load %arg10[%get3A_76] {strides = array<i32>} : memref<128xf32, #tpu.memory_space<vmem>>, vector<16xf32>,
        %exp3A_78 = math.exp %get3A_77 : vector<16xf32>
        %swap3A_79 = arith.constant 16 : index
        %swap3A_80 = tpu.vector_load %arg10[%swap3A_79] {strides = array<i32>} : memref<128xf32, #tpu.memory_space<vmem>>, vector<16xf32>,
        tpu.vector_store %arg10[%swap3A_79], %exp3A_78 {strides = array<i32>} : memref<128xf32, #tpu.memory_space<vmem>>, vector<16xf32>,
        %get3A_81 = arith.constant 32 : index
        %get3A_82 = tpu.vector_load %arg10[%get3A_81] {strides = array<i32>} : memref<128xf32, #tpu.memory_space<vmem>>, vector<16xf32>,
        %exp3A_83 = math.exp %get3A_82 : vector<16xf32>
        %swap3A_84 = arith.constant 32 : index
        %swap3A_85 = tpu.vector_load %arg10[%swap3A_84] {strides = array<i32>} : memref<128xf32, #tpu.memory_space<vmem>>, vector<16xf32>,
        tpu.vector_store %arg10[%swap3A_84], %exp3A_83 {strides = array<i32>} : memref<128xf32, #tpu.memory_space<vmem>>, vector<16xf32>,
        %get3A_86 = arith.constant 48 : index
        %get3A_87 = tpu.vector_load %arg10[%get3A_86] {strides = array<i32>} : memref<128xf32, #tpu.memory_space<vmem>>, vector<16xf32>,
        %exp3A_88 = math.exp %get3A_87 : vector<16xf32>
        %swap3A_89 = arith.constant 48 : index
        %swap3A_90 = tpu.vector_load %arg10[%swap3A_89] {strides = array<i32>} : memref<128xf32, #tpu.memory_space<vmem>>, vector<16xf32>,
        tpu.vector_store %arg10[%swap3A_89], %exp3A_88 {strides = array<i32>} : memref<128xf32, #tpu.memory_space<vmem>>, vector<16xf32>,
        %get3A_91 = arith.constant 64 : index
        %get3A_92 = tpu.vector_load %arg10[%get3A_91] {strides = array<i32>} : memref<128xf32, #tpu.memory_space<vmem>>, vector<16xf32>,
        %exp3A_93 = math.exp %get3A_92 : vector<16xf32>
        %swap3A_94 = arith.constant 64 : index
        %swap3A_95 = tpu.vector_load %arg10[%swap3A_94] {strides = array<i32>} : memref<128xf32, #tpu.memory_space<vmem>>, vector<16xf32>,
        tpu.vector_store %arg10[%swap3A_94], %exp3A_93 {strides = array<i32>} : memref<128xf32, #tpu.memory_space<vmem>>, vector<16xf32>,
        %get3A_96 = arith.constant 80 : index
        %get3A_97 = tpu.vector_load %arg10[%get3A_96] {strides = array<i32>} : memref<128xf32, #tpu.memory_space<vmem>>, vector<16xf32>,
        %exp3A_98 = math.exp %get3A_97 : vector<16xf32>
        %swap3A_99 = arith.constant 80 : index
        %swap3A_100 = tpu.vector_load %arg10[%swap3A_99] {strides = array<i32>} : memref<128xf32, #tpu.memory_space<vmem>>, vector<16xf32>,
        tpu.vector_store %arg10[%swap3A_99], %exp3A_98 {strides = array<i32>} : memref<128xf32, #tpu.memory_space<vmem>>, vector<16xf32>,
        %get3A_101 = arith.constant 96 : index
        %get3A_102 = tpu.vector_load %arg10[%get3A_101] {strides = array<i32>} : memref<128xf32, #tpu.memory_space<vmem>>, vector<16xf32>,
        %exp3A_103 = math.exp %get3A_102 : vector<16xf32>
        %swap3A_104 = arith.constant 96 : index
        %swap3A_105 = tpu.vector_load %arg10[%swap3A_104] {strides = array<i32>} : memref<128xf32, #tpu.memory_space<vmem>>, vector<16xf32>,
        tpu.vector_store %arg10[%swap3A_104], %exp3A_103 {strides = array<i32>} : memref<128xf32, #tpu.memory_space<vmem>>, vector<16xf32>,
        %get3A_106 = arith.constant 112 : index
        %get3A_107 = tpu.vector_load %arg10[%get3A_106] {strides = array<i32>} : memref<128xf32, #tpu.memory_space<vmem>>, vector<16xf32>,
        %exp3A_108 = math.exp %get3A_107 : vector<16xf32>
        %swap3A_109 = arith.constant 112 : index
        %swap3A_110 = tpu.vector_load %arg10[%swap3A_109] {strides = array<i32>} : memref<128xf32, #tpu.memory_space<vmem>>, vector<16xf32>,
        tpu.vector_store %arg10[%swap3A_109], %exp3A_108 {strides = array<i32>} : memref<128xf32, #tpu.memory_space<vmem>>, vector<16xf32>,
        %parallel_loop3A = arith.constant 0 : i32
        %parallel_loop3A_111 = arith.constant 128 : i32
        %parallel_loop3A_112 = arith.constant 1 : i32
        scf.for %parallel_loop3A_113 = %parallel_loop3A to %parallel_loop3A_111 step %parallel_loop3A_112  : i32 {
          %parallel_loop3A_114 = vector.broadcast %parallel_loop3A_113 : i32 to vector<16xi32>
          %parallel_loop3A_115 = tpu.vector_load_idx %arg9[%parallel_loop3A_114] : memref<128xi32, #tpu.memory_space<vmem>>[vector<16xi32>], vector<16xi32>,
          %parallel_loop3A_116 = tpu.vector_load_idx %arg10[%parallel_loop3A_114] : memref<128xf32, #tpu.memory_space<vmem>>[vector<16xi32>], vector<16xf32>,
          %parallel_loop3A_117 = vector.extract_strided_slice %parallel_loop3A_115 {offsets = [0], sizes = [1], strides = [1]} : vector<16xi32> to vector<1xi32>
          %parallel_loop3A_118 = vector.extract %parallel_loop3A_117[0] : i32 from vector<1xi32>
          %parallel_loop3A_119 = arith.subi %parallel_loop3A_118, %mul3A_2 : i32
          %parallel_loop3A_120 = arith.constant 0 : i32
          %parallel_loop3A_121 = arith.cmpi sge, %parallel_loop3A_119, %parallel_loop3A_120 : i32
          %parallel_loop3A_122 = arith.constant 512 : i32
          %parallel_loop3A_123 = arith.cmpi slt, %parallel_loop3A_119, %parallel_loop3A_122 : i32
          %parallel_loop3A_124 = arith.andi %parallel_loop3A_121, %parallel_loop3A_123 : i1
          %parallel_loop3A_125 = arith.constant 512 : i32
          %parallel_loop3A_126 = arith.select %parallel_loop3A_124, %parallel_loop3A_119, %parallel_loop3A_125 : i32
          %parallel_loop3A_127 = arith.index_cast %parallel_loop3A_113 : i32 to index
          %parallel_loop3A_128 = arith.constant 0 : index
          %parallel_loop3A_129 = tpu.vector_load %arg11[%parallel_loop3A_127, %parallel_loop3A_128] {strides = array<i32>} : memref<128x128xf32, #tpu.memory_space<vmem>>, vector<16xf32>,
          %parallel_loop3A_130 = arith.mulf %parallel_loop3A_129, %parallel_loop3A_116 : vector<16xf32>
          %parallel_loop3A_131 = arith.index_cast %parallel_loop3A_126 : i32 to index
          %parallel_loop3A_132 = arith.constant 0 : index
          %parallel_loop3A_133 = tpu.vector_load %arg17[%parallel_loop3A_131, %parallel_loop3A_132] {strides = array<i32>} : memref<513x128xf32, #tpu.memory_space<vmem>>, vector<16xf32>,
          tpu.vector_store %arg17[%parallel_loop3A_131, %parallel_loop3A_132], %parallel_loop3A_130 {add = true, strides = array<i32>} : memref<513x128xf32, #tpu.memory_space<vmem>>, vector<16xf32>,
          %parallel_loop3A_134 = arith.index_cast %parallel_loop3A_113 : i32 to index
          %parallel_loop3A_135 = arith.constant 16 : index
          %parallel_loop3A_136 = tpu.vector_load %arg11[%parallel_loop3A_134, %parallel_loop3A_135] {strides = array<i32>} : memref<128x128xf32, #tpu.memory_space<vmem>>, vector<16xf32>,
          %parallel_loop3A_137 = arith.mulf %parallel_loop3A_136, %parallel_loop3A_116 : vector<16xf32>
          %parallel_loop3A_138 = arith.index_cast %parallel_loop3A_126 : i32 to index
          %parallel_loop3A_139 = arith.constant 16 : index
          %parallel_loop3A_140 = tpu.vector_load %arg17[%parallel_loop3A_138, %parallel_loop3A_139] {strides = array<i32>} : memref<513x128xf32, #tpu.memory_space<vmem>>, vector<16xf32>,
          tpu.vector_store %arg17[%parallel_loop3A_138, %parallel_loop3A_139], %parallel_loop3A_137 {add = true, strides = array<i32>} : memref<513x128xf32, #tpu.memory_space<vmem>>, vector<16xf32>,
          %parallel_loop3A_141 = arith.index_cast %parallel_loop3A_113 : i32 to index
          %parallel_loop3A_142 = arith.constant 32 : index
          %parallel_loop3A_143 = tpu.vector_load %arg11[%parallel_loop3A_141, %parallel_loop3A_142] {strides = array<i32>} : memref<128x128xf32, #tpu.memory_space<vmem>>, vector<16xf32>,
          %parallel_loop3A_144 = arith.mulf %parallel_loop3A_143, %parallel_loop3A_116 : vector<16xf32>
          %parallel_loop3A_145 = arith.index_cast %parallel_loop3A_126 : i32 to index
          %parallel_loop3A_146 = arith.constant 32 : index
          %parallel_loop3A_147 = tpu.vector_load %arg17[%parallel_loop3A_145, %parallel_loop3A_146] {strides = array<i32>} : memref<513x128xf32, #tpu.memory_space<vmem>>, vector<16xf32>,
          tpu.vector_store %arg17[%parallel_loop3A_145, %parallel_loop3A_146], %parallel_loop3A_144 {add = true, strides = array<i32>} : memref<513x128xf32, #tpu.memory_space<vmem>>, vector<16xf32>,
          %parallel_loop3A_148 = arith.index_cast %parallel_loop3A_113 : i32 to index
          %parallel_loop3A_149 = arith.constant 48 : index
          %parallel_loop3A_150 = tpu.vector_load %arg11[%parallel_loop3A_148, %parallel_loop3A_149] {strides = array<i32>} : memref<128x128xf32, #tpu.memory_space<vmem>>, vector<16xf32>,
          %parallel_loop3A_151 = arith.mulf %parallel_loop3A_150, %parallel_loop3A_116 : vector<16xf32>
          %parallel_loop3A_152 = arith.index_cast %parallel_loop3A_126 : i32 to index
          %parallel_loop3A_153 = arith.constant 48 : index
          %parallel_loop3A_154 = tpu.vector_load %arg17[%parallel_loop3A_152, %parallel_loop3A_153] {strides = array<i32>} : memref<513x128xf32, #tpu.memory_space<vmem>>, vector<16xf32>,
          tpu.vector_store %arg17[%parallel_loop3A_152, %parallel_loop3A_153], %parallel_loop3A_151 {add = true, strides = array<i32>} : memref<513x128xf32, #tpu.memory_space<vmem>>, vector<16xf32>,
          %parallel_loop3A_155 = arith.index_cast %parallel_loop3A_113 : i32 to index
          %parallel_loop3A_156 = arith.constant 64 : index
          %parallel_loop3A_157 = tpu.vector_load %arg11[%parallel_loop3A_155, %parallel_loop3A_156] {strides = array<i32>} : memref<128x128xf32, #tpu.memory_space<vmem>>, vector<16xf32>,
          %parallel_loop3A_158 = arith.mulf %parallel_loop3A_157, %parallel_loop3A_116 : vector<16xf32>
          %parallel_loop3A_159 = arith.index_cast %parallel_loop3A_126 : i32 to index
          %parallel_loop3A_160 = arith.constant 64 : index
          %parallel_loop3A_161 = tpu.vector_load %arg17[%parallel_loop3A_159, %parallel_loop3A_160] {strides = array<i32>} : memref<513x128xf32, #tpu.memory_space<vmem>>, vector<16xf32>,
          tpu.vector_store %arg17[%parallel_loop3A_159, %parallel_loop3A_160], %parallel_loop3A_158 {add = true, strides = array<i32>} : memref<513x128xf32, #tpu.memory_space<vmem>>, vector<16xf32>,
          %parallel_loop3A_162 = arith.index_cast %parallel_loop3A_113 : i32 to index
          %parallel_loop3A_163 = arith.constant 80 : index
          %parallel_loop3A_164 = tpu.vector_load %arg11[%parallel_loop3A_162, %parallel_loop3A_163] {strides = array<i32>} : memref<128x128xf32, #tpu.memory_space<vmem>>, vector<16xf32>,
          %parallel_loop3A_165 = arith.mulf %parallel_loop3A_164, %parallel_loop3A_116 : vector<16xf32>
          %parallel_loop3A_166 = arith.index_cast %parallel_loop3A_126 : i32 to index
          %parallel_loop3A_167 = arith.constant 80 : index
          %parallel_loop3A_168 = tpu.vector_load %arg17[%parallel_loop3A_166, %parallel_loop3A_167] {strides = array<i32>} : memref<513x128xf32, #tpu.memory_space<vmem>>, vector<16xf32>,
          tpu.vector_store %arg17[%parallel_loop3A_166, %parallel_loop3A_167], %parallel_loop3A_165 {add = true, strides = array<i32>} : memref<513x128xf32, #tpu.memory_space<vmem>>, vector<16xf32>,
          %parallel_loop3A_169 = arith.index_cast %parallel_loop3A_113 : i32 to index
          %parallel_loop3A_170 = arith.constant 96 : index
          %parallel_loop3A_171 = tpu.vector_load %arg11[%parallel_loop3A_169, %parallel_loop3A_170] {strides = array<i32>} : memref<128x128xf32, #tpu.memory_space<vmem>>, vector<16xf32>,
          %parallel_loop3A_172 = arith.mulf %parallel_loop3A_171, %parallel_loop3A_116 : vector<16xf32>
          %parallel_loop3A_173 = arith.index_cast %parallel_loop3A_126 : i32 to index
          %parallel_loop3A_174 = arith.constant 96 : index
          %parallel_loop3A_175 = tpu.vector_load %arg17[%parallel_loop3A_173, %parallel_loop3A_174] {strides = array<i32>} : memref<513x128xf32, #tpu.memory_space<vmem>>, vector<16xf32>,
          tpu.vector_store %arg17[%parallel_loop3A_173, %parallel_loop3A_174], %parallel_loop3A_172 {add = true, strides = array<i32>} : memref<513x128xf32, #tpu.memory_space<vmem>>, vector<16xf32>,
          %parallel_loop3A_176 = arith.index_cast %parallel_loop3A_113 : i32 to index
          %parallel_loop3A_177 = arith.constant 112 : index
          %parallel_loop3A_178 = tpu.vector_load %arg11[%parallel_loop3A_176, %parallel_loop3A_177] {strides = array<i32>} : memref<128x128xf32, #tpu.memory_space<vmem>>, vector<16xf32>,
          %parallel_loop3A_179 = arith.mulf %parallel_loop3A_178, %parallel_loop3A_116 : vector<16xf32>
          %parallel_loop3A_180 = arith.index_cast %parallel_loop3A_126 : i32 to index
          %parallel_loop3A_181 = arith.constant 112 : index
          %parallel_loop3A_182 = tpu.vector_load %arg17[%parallel_loop3A_180, %parallel_loop3A_181] {strides = array<i32>} : memref<513x128xf32, #tpu.memory_space<vmem>>, vector<16xf32>,
          tpu.vector_store %arg17[%parallel_loop3A_180, %parallel_loop3A_181], %parallel_loop3A_179 {add = true, strides = array<i32>} : memref<513x128xf32, #tpu.memory_space<vmem>>, vector<16xf32>,
          %parallel_loop3A_183 = arith.index_cast %parallel_loop3A_126 : i32 to index
          %parallel_loop3A_184 = arith.constant 0 : index
          %parallel_loop3A_185 = tpu.vector_load %arg18[%parallel_loop3A_183, %parallel_loop3A_184] {strides = array<i32>} : memref<513x16xf32, #tpu.memory_space<vmem>>, vector<16xf32>,
          tpu.vector_store %arg18[%parallel_loop3A_183, %parallel_loop3A_184], %parallel_loop3A_116 {add = true, strides = array<i32>} : memref<513x16xf32, #tpu.memory_space<vmem>>, vector<16xf32>,
        } {sc.loop_unroll_factor = 4 : i64, sc.parallel_access}
      } else {
      }
      %not3A = arith.constant true
      %not3A_61 = arith.xori %eq3A_57, %not3A : i1
      %convert_element_type3A_62 = arith.extui %not3A_61 : i1 to i32
      %cond3A_63 = arith.constant 0 : i32
      %cond3A_64 = arith.cmpi ne, %convert_element_type3A_62, %cond3A_63 : i32
      scf.if %cond3A_64 {
        %add3A_65 = arith.constant 1 : i32
        %add3A_66 = arith.addi %while3A_55, %add3A_65 : i32
        %lt3A = arith.cmpi slt, %add3A_66, %div3A_39 : i32
        %convert_element_type3A_67 = arith.extui %lt3A : i1 to i32
        %cond3A_68 = arith.constant 0 : i32
        %cond3A_69 = arith.cmpi ne, %convert_element_type3A_67, %cond3A_68 : i32
        scf.if %cond3A_69 {
          %add3A_113 = arith.constant 1 : i32
          %add3A_114 = arith.addi %while3A_55, %add3A_113 : i32
          %add3A_115 = arith.addi %div3A_32, %add3A_114 : i32
          %min3A = arith.constant 4095 : i32
          %min3A_116 = arith.minsi %add3A_115, %min3A : i32
          %mul3A_117 = arith.constant 128 : i32
          %mul3A_118 = arith.muli %min3A_116, %mul3A_117 : i32
          "tpu.region"() ({
            %run_scoped3A = tpu.sem_alloc : memref<!tpu.dma_semaphore, #tpu.memory_space<semaphore_mem>>
            %dma_start3A_227 = tpu.memref_slice %arg4[%mul3A_118] : memref<524288xi32, #tpu.memory_space<hbm>> -> memref<128xi32, #tpu.memory_space<hbm>>
            %dma_start3A_228 = tpu.memref_slice %arg4[%mul3A_118] : memref<524288xi32, #tpu.memory_space<hbm>> -> memref<128xi32, #tpu.memory_space<hbm>>
            tpu.enqueue_dma source(%dma_start3A_228 : memref<128xi32, #tpu.memory_space<hbm>>) target(%arg7 : memref<128xi32, #tpu.memory_space<vmem>>) target_semaphore(%run_scoped3A : memref<!tpu.dma_semaphore, #tpu.memory_space<semaphore_mem>>)
            %dma_wait3A_229 = tpu.memref_slice %arg4[%mul3A_118] : memref<524288xi32, #tpu.memory_space<hbm>> -> memref<128xi32, #tpu.memory_space<hbm>>
            %dma_wait3A_230 = tpu.memref_slice %arg4[%mul3A_118] : memref<524288xi32, #tpu.memory_space<hbm>> -> memref<128xi32, #tpu.memory_space<hbm>>
            tpu.wait_dma2 semaphore(%run_scoped3A : memref<!tpu.dma_semaphore, #tpu.memory_space<semaphore_mem>>) src(%dma_wait3A_230 : memref<128xi32, #tpu.memory_space<hbm>>) dst(%arg7 : memref<128xi32, #tpu.memory_space<vmem>>)
            tpu.yield
          }) : () -> ()
          "tpu.region"() ({
            %run_scoped3A = tpu.sem_alloc : memref<!tpu.dma_semaphore, #tpu.memory_space<semaphore_mem>>
            %dma_start3A_227 = tpu.memref_slice %arg5[%mul3A_118] : memref<524288xi32, #tpu.memory_space<hbm>> -> memref<128xi32, #tpu.memory_space<hbm>>
            %dma_start3A_228 = tpu.memref_slice %arg5[%mul3A_118] : memref<524288xi32, #tpu.memory_space<hbm>> -> memref<128xi32, #tpu.memory_space<hbm>>
            tpu.enqueue_dma source(%dma_start3A_228 : memref<128xi32, #tpu.memory_space<hbm>>) target(%arg9 : memref<128xi32, #tpu.memory_space<vmem>>) target_semaphore(%run_scoped3A : memref<!tpu.dma_semaphore, #tpu.memory_space<semaphore_mem>>)
            %dma_wait3A_229 = tpu.memref_slice %arg5[%mul3A_118] : memref<524288xi32, #tpu.memory_space<hbm>> -> memref<128xi32, #tpu.memory_space<hbm>>
            %dma_wait3A_230 = tpu.memref_slice %arg5[%mul3A_118] : memref<524288xi32, #tpu.memory_space<hbm>> -> memref<128xi32, #tpu.memory_space<hbm>>
            tpu.wait_dma2 semaphore(%run_scoped3A : memref<!tpu.dma_semaphore, #tpu.memory_space<semaphore_mem>>) src(%dma_wait3A_230 : memref<128xi32, #tpu.memory_space<hbm>>) dst(%arg9 : memref<128xi32, #tpu.memory_space<vmem>>)
            tpu.yield
          }) : () -> ()
          %get3A_119 = arith.constant 0 : index
          %get3A_120 = tpu.vector_load %arg9[%get3A_119] {strides = array<i32>} : memref<128xi32, #tpu.memory_space<vmem>>, vector<16xi32>,
          %and3A_121 = arith.constant 3 : i32
          %and3A_122 = vector.broadcast %and3A_121 : i32 to vector<16xi32>
          %and3A_123 = arith.andi %get3A_120, %and3A_122 : vector<16xi32>
          %mul3A_124 = arith.constant 100000 : i32
          %mul3A_125 = vector.broadcast %mul3A_124 : i32 to vector<16xi32>
          %mul3A_126 = arith.muli %and3A_123, %mul3A_125 : vector<16xi32>
          %get3A_127 = arith.constant 0 : index
          %get3A_128 = tpu.vector_load %arg7[%get3A_127] {strides = array<i32>} : memref<128xi32, #tpu.memory_space<vmem>>, vector<16xi32>,
          %add3A_129 = arith.addi %mul3A_126, %get3A_128 : vector<16xi32>
          %swap3A_130 = arith.constant 0 : index
          %swap3A_131 = tpu.vector_load %arg8[%swap3A_130] {strides = array<i32>} : memref<128xi32, #tpu.memory_space<vmem>>, vector<16xi32>,
          tpu.vector_store %arg8[%swap3A_130], %add3A_129 {strides = array<i32>} : memref<128xi32, #tpu.memory_space<vmem>>, vector<16xi32>,
          %get3A_132 = arith.constant 16 : index
          %get3A_133 = tpu.vector_load %arg9[%get3A_132] {strides = array<i32>} : memref<128xi32, #tpu.memory_space<vmem>>, vector<16xi32>,
          %and3A_134 = arith.constant 3 : i32
          %and3A_135 = vector.broadcast %and3A_134 : i32 to vector<16xi32>
          %and3A_136 = arith.andi %get3A_133, %and3A_135 : vector<16xi32>
          %mul3A_137 = arith.constant 100000 : i32
          %mul3A_138 = vector.broadcast %mul3A_137 : i32 to vector<16xi32>
          %mul3A_139 = arith.muli %and3A_136, %mul3A_138 : vector<16xi32>
          %get3A_140 = arith.constant 16 : index
          %get3A_141 = tpu.vector_load %arg7[%get3A_140] {strides = array<i32>} : memref<128xi32, #tpu.memory_space<vmem>>, vector<16xi32>,
          %add3A_142 = arith.addi %mul3A_139, %get3A_141 : vector<16xi32>
          %swap3A_143 = arith.constant 16 : index
          %swap3A_144 = tpu.vector_load %arg8[%swap3A_143] {strides = array<i32>} : memref<128xi32, #tpu.memory_space<vmem>>, vector<16xi32>,
          tpu.vector_store %arg8[%swap3A_143], %add3A_142 {strides = array<i32>} : memref<128xi32, #tpu.memory_space<vmem>>, vector<16xi32>,
          %get3A_145 = arith.constant 32 : index
          %get3A_146 = tpu.vector_load %arg9[%get3A_145] {strides = array<i32>} : memref<128xi32, #tpu.memory_space<vmem>>, vector<16xi32>,
          %and3A_147 = arith.constant 3 : i32
          %and3A_148 = vector.broadcast %and3A_147 : i32 to vector<16xi32>
          %and3A_149 = arith.andi %get3A_146, %and3A_148 : vector<16xi32>
          %mul3A_150 = arith.constant 100000 : i32
          %mul3A_151 = vector.broadcast %mul3A_150 : i32 to vector<16xi32>
          %mul3A_152 = arith.muli %and3A_149, %mul3A_151 : vector<16xi32>
          %get3A_153 = arith.constant 32 : index
          %get3A_154 = tpu.vector_load %arg7[%get3A_153] {strides = array<i32>} : memref<128xi32, #tpu.memory_space<vmem>>, vector<16xi32>,
          %add3A_155 = arith.addi %mul3A_152, %get3A_154 : vector<16xi32>
          %swap3A_156 = arith.constant 32 : index
          %swap3A_157 = tpu.vector_load %arg8[%swap3A_156] {strides = array<i32>} : memref<128xi32, #tpu.memory_space<vmem>>, vector<16xi32>,
          tpu.vector_store %arg8[%swap3A_156], %add3A_155 {strides = array<i32>} : memref<128xi32, #tpu.memory_space<vmem>>, vector<16xi32>,
          %get3A_158 = arith.constant 48 : index
          %get3A_159 = tpu.vector_load %arg9[%get3A_158] {strides = array<i32>} : memref<128xi32, #tpu.memory_space<vmem>>, vector<16xi32>,
          %and3A_160 = arith.constant 3 : i32
          %and3A_161 = vector.broadcast %and3A_160 : i32 to vector<16xi32>
          %and3A_162 = arith.andi %get3A_159, %and3A_161 : vector<16xi32>
          %mul3A_163 = arith.constant 100000 : i32
          %mul3A_164 = vector.broadcast %mul3A_163 : i32 to vector<16xi32>
          %mul3A_165 = arith.muli %and3A_162, %mul3A_164 : vector<16xi32>
          %get3A_166 = arith.constant 48 : index
          %get3A_167 = tpu.vector_load %arg7[%get3A_166] {strides = array<i32>} : memref<128xi32, #tpu.memory_space<vmem>>, vector<16xi32>,
          %add3A_168 = arith.addi %mul3A_165, %get3A_167 : vector<16xi32>
          %swap3A_169 = arith.constant 48 : index
          %swap3A_170 = tpu.vector_load %arg8[%swap3A_169] {strides = array<i32>} : memref<128xi32, #tpu.memory_space<vmem>>, vector<16xi32>,
          tpu.vector_store %arg8[%swap3A_169], %add3A_168 {strides = array<i32>} : memref<128xi32, #tpu.memory_space<vmem>>, vector<16xi32>,
          %get3A_171 = arith.constant 64 : index
          %get3A_172 = tpu.vector_load %arg9[%get3A_171] {strides = array<i32>} : memref<128xi32, #tpu.memory_space<vmem>>, vector<16xi32>,
          %and3A_173 = arith.constant 3 : i32
          %and3A_174 = vector.broadcast %and3A_173 : i32 to vector<16xi32>
          %and3A_175 = arith.andi %get3A_172, %and3A_174 : vector<16xi32>
          %mul3A_176 = arith.constant 100000 : i32
          %mul3A_177 = vector.broadcast %mul3A_176 : i32 to vector<16xi32>
          %mul3A_178 = arith.muli %and3A_175, %mul3A_177 : vector<16xi32>
          %get3A_179 = arith.constant 64 : index
          %get3A_180 = tpu.vector_load %arg7[%get3A_179] {strides = array<i32>} : memref<128xi32, #tpu.memory_space<vmem>>, vector<16xi32>,
          %add3A_181 = arith.addi %mul3A_178, %get3A_180 : vector<16xi32>
          %swap3A_182 = arith.constant 64 : index
          %swap3A_183 = tpu.vector_load %arg8[%swap3A_182] {strides = array<i32>} : memref<128xi32, #tpu.memory_space<vmem>>, vector<16xi32>,
          tpu.vector_store %arg8[%swap3A_182], %add3A_181 {strides = array<i32>} : memref<128xi32, #tpu.memory_space<vmem>>, vector<16xi32>,
          %get3A_184 = arith.constant 80 : index
          %get3A_185 = tpu.vector_load %arg9[%get3A_184] {strides = array<i32>} : memref<128xi32, #tpu.memory_space<vmem>>, vector<16xi32>,
          %and3A_186 = arith.constant 3 : i32
          %and3A_187 = vector.broadcast %and3A_186 : i32 to vector<16xi32>
          %and3A_188 = arith.andi %get3A_185, %and3A_187 : vector<16xi32>
          %mul3A_189 = arith.constant 100000 : i32
          %mul3A_190 = vector.broadcast %mul3A_189 : i32 to vector<16xi32>
          %mul3A_191 = arith.muli %and3A_188, %mul3A_190 : vector<16xi32>
          %get3A_192 = arith.constant 80 : index
          %get3A_193 = tpu.vector_load %arg7[%get3A_192] {strides = array<i32>} : memref<128xi32, #tpu.memory_space<vmem>>, vector<16xi32>,
          %add3A_194 = arith.addi %mul3A_191, %get3A_193 : vector<16xi32>
          %swap3A_195 = arith.constant 80 : index
          %swap3A_196 = tpu.vector_load %arg8[%swap3A_195] {strides = array<i32>} : memref<128xi32, #tpu.memory_space<vmem>>, vector<16xi32>,
          tpu.vector_store %arg8[%swap3A_195], %add3A_194 {strides = array<i32>} : memref<128xi32, #tpu.memory_space<vmem>>, vector<16xi32>,
          %get3A_197 = arith.constant 96 : index
          %get3A_198 = tpu.vector_load %arg9[%get3A_197] {strides = array<i32>} : memref<128xi32, #tpu.memory_space<vmem>>, vector<16xi32>,
          %and3A_199 = arith.constant 3 : i32
          %and3A_200 = vector.broadcast %and3A_199 : i32 to vector<16xi32>
          %and3A_201 = arith.andi %get3A_198, %and3A_200 : vector<16xi32>
          %mul3A_202 = arith.constant 100000 : i32
          %mul3A_203 = vector.broadcast %mul3A_202 : i32 to vector<16xi32>
          %mul3A_204 = arith.muli %and3A_201, %mul3A_203 : vector<16xi32>
          %get3A_205 = arith.constant 96 : index
          %get3A_206 = tpu.vector_load %arg7[%get3A_205] {strides = array<i32>} : memref<128xi32, #tpu.memory_space<vmem>>, vector<16xi32>,
          %add3A_207 = arith.addi %mul3A_204, %get3A_206 : vector<16xi32>
          %swap3A_208 = arith.constant 96 : index
          %swap3A_209 = tpu.vector_load %arg8[%swap3A_208] {strides = array<i32>} : memref<128xi32, #tpu.memory_space<vmem>>, vector<16xi32>,
          tpu.vector_store %arg8[%swap3A_208], %add3A_207 {strides = array<i32>} : memref<128xi32, #tpu.memory_space<vmem>>, vector<16xi32>,
          %get3A_210 = arith.constant 112 : index
          %get3A_211 = tpu.vector_load %arg9[%get3A_210] {strides = array<i32>} : memref<128xi32, #tpu.memory_space<vmem>>, vector<16xi32>,
          %and3A_212 = arith.constant 3 : i32
          %and3A_213 = vector.broadcast %and3A_212 : i32 to vector<16xi32>
          %and3A_214 = arith.andi %get3A_211, %and3A_213 : vector<16xi32>
          %mul3A_215 = arith.constant 100000 : i32
          %mul3A_216 = vector.broadcast %mul3A_215 : i32 to vector<16xi32>
          %mul3A_217 = arith.muli %and3A_214, %mul3A_216 : vector<16xi32>
          %get3A_218 = arith.constant 112 : index
          %get3A_219 = tpu.vector_load %arg7[%get3A_218] {strides = array<i32>} : memref<128xi32, #tpu.memory_space<vmem>>, vector<16xi32>,
          %add3A_220 = arith.addi %mul3A_217, %get3A_219 : vector<16xi32>
          %swap3A_221 = arith.constant 112 : index
          %swap3A_222 = tpu.vector_load %arg8[%swap3A_221] {strides = array<i32>} : memref<128xi32, #tpu.memory_space<vmem>>, vector<16xi32>,
          tpu.vector_store %arg8[%swap3A_221], %add3A_220 {strides = array<i32>} : memref<128xi32, #tpu.memory_space<vmem>>, vector<16xi32>,
          %dma_start3A = arith.constant 0 : i32
          %dma_start3A_223 = arith.constant 0 : i32
          %dma_start3A_224 = tpu.memref_slice %arg2[%dma_start3A, %dma_start3A_223] : memref<100000x128xf32, #tpu.memory_space<hbm>> -> memref<100000x128xf32, #tpu.memory_space<hbm>>
          tpu.enqueue_indirect_dma source(%dma_start3A_224 : memref<100000x128xf32, #tpu.memory_space<hbm>>) target(%arg11 : memref<128x128xf32, #tpu.memory_space<vmem>>) offsets(%arg7 : memref<128xi32, #tpu.memory_space<vmem>>) semaphore(%arg20 : memref<!tpu.dma_semaphore, #tpu.memory_space<semaphore_mem>>)
          %dma_start3A_225 = arith.constant 0 : i32
          %dma_start3A_226 = tpu.memref_slice %arg3[%dma_start3A_225] : memref<400000xf32, #tpu.memory_space<hbm>> -> memref<400000xf32, #tpu.memory_space<hbm>>
          tpu.enqueue_indirect_dma source(%dma_start3A_226 : memref<400000xf32, #tpu.memory_space<hbm>>) target(%arg10 : memref<128xf32, #tpu.memory_space<vmem>>) offsets(%arg8 : memref<128xi32, #tpu.memory_space<vmem>>) semaphore(%arg20 : memref<!tpu.dma_semaphore, #tpu.memory_space<semaphore_mem>>)
        } else {
        }
        %dma_wait3A = arith.constant 0 : i32
        %dma_wait3A_70 = arith.constant 0 : i32
        %dma_wait3A_71 = tpu.memref_slice %arg2[%dma_wait3A, %dma_wait3A_70] : memref<100000x128xf32, #tpu.memory_space<hbm>> -> memref<100000x128xf32, #tpu.memory_space<hbm>>
        tpu.wait_indirect_dma semaphore(%arg21 : memref<!tpu.dma_semaphore, #tpu.memory_space<semaphore_mem>>) src(%dma_wait3A_71 : memref<100000x128xf32, #tpu.memory_space<hbm>>) dst(%arg16 : memref<128x128xf32, #tpu.memory_space<vmem>>)
        %dma_wait3A_72 = arith.constant 0 : i32
        %dma_wait3A_73 = tpu.memref_slice %arg3[%dma_wait3A_72] : memref<400000xf32, #tpu.memory_space<hbm>> -> memref<400000xf32, #tpu.memory_space<hbm>>
        tpu.wait_indirect_dma semaphore(%arg21 : memref<!tpu.dma_semaphore, #tpu.memory_space<semaphore_mem>>) src(%dma_wait3A_73 : memref<400000xf32, #tpu.memory_space<hbm>>) dst(%arg15 : memref<128xf32, #tpu.memory_space<vmem>>)
        %get3A = arith.constant 0 : index
        %get3A_74 = tpu.vector_load %arg15[%get3A] {strides = array<i32>} : memref<128xf32, #tpu.memory_space<vmem>>, vector<16xf32>,
        %exp3A = math.exp %get3A_74 : vector<16xf32>
        %swap3A = arith.constant 0 : index
        %swap3A_75 = tpu.vector_load %arg15[%swap3A] {strides = array<i32>} : memref<128xf32, #tpu.memory_space<vmem>>, vector<16xf32>,
        tpu.vector_store %arg15[%swap3A], %exp3A {strides = array<i32>} : memref<128xf32, #tpu.memory_space<vmem>>, vector<16xf32>,
        %get3A_76 = arith.constant 16 : index
        %get3A_77 = tpu.vector_load %arg15[%get3A_76] {strides = array<i32>} : memref<128xf32, #tpu.memory_space<vmem>>, vector<16xf32>,
        %exp3A_78 = math.exp %get3A_77 : vector<16xf32>
        %swap3A_79 = arith.constant 16 : index
        %swap3A_80 = tpu.vector_load %arg15[%swap3A_79] {strides = array<i32>} : memref<128xf32, #tpu.memory_space<vmem>>, vector<16xf32>,
        tpu.vector_store %arg15[%swap3A_79], %exp3A_78 {strides = array<i32>} : memref<128xf32, #tpu.memory_space<vmem>>, vector<16xf32>,
        %get3A_81 = arith.constant 32 : index
        %get3A_82 = tpu.vector_load %arg15[%get3A_81] {strides = array<i32>} : memref<128xf32, #tpu.memory_space<vmem>>, vector<16xf32>,
        %exp3A_83 = math.exp %get3A_82 : vector<16xf32>
        %swap3A_84 = arith.constant 32 : index
        %swap3A_85 = tpu.vector_load %arg15[%swap3A_84] {strides = array<i32>} : memref<128xf32, #tpu.memory_space<vmem>>, vector<16xf32>,
        tpu.vector_store %arg15[%swap3A_84], %exp3A_83 {strides = array<i32>} : memref<128xf32, #tpu.memory_space<vmem>>, vector<16xf32>,
        %get3A_86 = arith.constant 48 : index
        %get3A_87 = tpu.vector_load %arg15[%get3A_86] {strides = array<i32>} : memref<128xf32, #tpu.memory_space<vmem>>, vector<16xf32>,
        %exp3A_88 = math.exp %get3A_87 : vector<16xf32>
        %swap3A_89 = arith.constant 48 : index
        %swap3A_90 = tpu.vector_load %arg15[%swap3A_89] {strides = array<i32>} : memref<128xf32, #tpu.memory_space<vmem>>, vector<16xf32>,
        tpu.vector_store %arg15[%swap3A_89], %exp3A_88 {strides = array<i32>} : memref<128xf32, #tpu.memory_space<vmem>>, vector<16xf32>,
        %get3A_91 = arith.constant 64 : index
        %get3A_92 = tpu.vector_load %arg15[%get3A_91] {strides = array<i32>} : memref<128xf32, #tpu.memory_space<vmem>>, vector<16xf32>,
        %exp3A_93 = math.exp %get3A_92 : vector<16xf32>
        %swap3A_94 = arith.constant 64 : index
        %swap3A_95 = tpu.vector_load %arg15[%swap3A_94] {strides = array<i32>} : memref<128xf32, #tpu.memory_space<vmem>>, vector<16xf32>,
        tpu.vector_store %arg15[%swap3A_94], %exp3A_93 {strides = array<i32>} : memref<128xf32, #tpu.memory_space<vmem>>, vector<16xf32>,
        %get3A_96 = arith.constant 80 : index
        %get3A_97 = tpu.vector_load %arg15[%get3A_96] {strides = array<i32>} : memref<128xf32, #tpu.memory_space<vmem>>, vector<16xf32>,
        %exp3A_98 = math.exp %get3A_97 : vector<16xf32>
        %swap3A_99 = arith.constant 80 : index
        %swap3A_100 = tpu.vector_load %arg15[%swap3A_99] {strides = array<i32>} : memref<128xf32, #tpu.memory_space<vmem>>, vector<16xf32>,
        tpu.vector_store %arg15[%swap3A_99], %exp3A_98 {strides = array<i32>} : memref<128xf32, #tpu.memory_space<vmem>>, vector<16xf32>,
        %get3A_101 = arith.constant 96 : index
        %get3A_102 = tpu.vector_load %arg15[%get3A_101] {strides = array<i32>} : memref<128xf32, #tpu.memory_space<vmem>>, vector<16xf32>,
        %exp3A_103 = math.exp %get3A_102 : vector<16xf32>
        %swap3A_104 = arith.constant 96 : index
        %swap3A_105 = tpu.vector_load %arg15[%swap3A_104] {strides = array<i32>} : memref<128xf32, #tpu.memory_space<vmem>>, vector<16xf32>,
        tpu.vector_store %arg15[%swap3A_104], %exp3A_103 {strides = array<i32>} : memref<128xf32, #tpu.memory_space<vmem>>, vector<16xf32>,
        %get3A_106 = arith.constant 112 : index
        %get3A_107 = tpu.vector_load %arg15[%get3A_106] {strides = array<i32>} : memref<128xf32, #tpu.memory_space<vmem>>, vector<16xf32>,
        %exp3A_108 = math.exp %get3A_107 : vector<16xf32>
        %swap3A_109 = arith.constant 112 : index
        %swap3A_110 = tpu.vector_load %arg15[%swap3A_109] {strides = array<i32>} : memref<128xf32, #tpu.memory_space<vmem>>, vector<16xf32>,
        tpu.vector_store %arg15[%swap3A_109], %exp3A_108 {strides = array<i32>} : memref<128xf32, #tpu.memory_space<vmem>>, vector<16xf32>,
        %parallel_loop3A = arith.constant 0 : i32
        %parallel_loop3A_111 = arith.constant 128 : i32
        %parallel_loop3A_112 = arith.constant 1 : i32
        scf.for %parallel_loop3A_113 = %parallel_loop3A to %parallel_loop3A_111 step %parallel_loop3A_112  : i32 {
          %parallel_loop3A_114 = vector.broadcast %parallel_loop3A_113 : i32 to vector<16xi32>
          %parallel_loop3A_115 = tpu.vector_load_idx %arg14[%parallel_loop3A_114] : memref<128xi32, #tpu.memory_space<vmem>>[vector<16xi32>], vector<16xi32>,
          %parallel_loop3A_116 = tpu.vector_load_idx %arg15[%parallel_loop3A_114] : memref<128xf32, #tpu.memory_space<vmem>>[vector<16xi32>], vector<16xf32>,
          %parallel_loop3A_117 = vector.extract_strided_slice %parallel_loop3A_115 {offsets = [0], sizes = [1], strides = [1]} : vector<16xi32> to vector<1xi32>
          %parallel_loop3A_118 = vector.extract %parallel_loop3A_117[0] : i32 from vector<1xi32>
          %parallel_loop3A_119 = arith.subi %parallel_loop3A_118, %mul3A_2 : i32
          %parallel_loop3A_120 = arith.constant 0 : i32
          %parallel_loop3A_121 = arith.cmpi sge, %parallel_loop3A_119, %parallel_loop3A_120 : i32
          %parallel_loop3A_122 = arith.constant 512 : i32
          %parallel_loop3A_123 = arith.cmpi slt, %parallel_loop3A_119, %parallel_loop3A_122 : i32
          %parallel_loop3A_124 = arith.andi %parallel_loop3A_121, %parallel_loop3A_123 : i1
          %parallel_loop3A_125 = arith.constant 512 : i32
          %parallel_loop3A_126 = arith.select %parallel_loop3A_124, %parallel_loop3A_119, %parallel_loop3A_125 : i32
          %parallel_loop3A_127 = arith.index_cast %parallel_loop3A_113 : i32 to index
          %parallel_loop3A_128 = arith.constant 0 : index
          %parallel_loop3A_129 = tpu.vector_load %arg16[%parallel_loop3A_127, %parallel_loop3A_128] {strides = array<i32>} : memref<128x128xf32, #tpu.memory_space<vmem>>, vector<16xf32>,
          %parallel_loop3A_130 = arith.mulf %parallel_loop3A_129, %parallel_loop3A_116 : vector<16xf32>
          %parallel_loop3A_131 = arith.index_cast %parallel_loop3A_126 : i32 to index
          %parallel_loop3A_132 = arith.constant 0 : index
          %parallel_loop3A_133 = tpu.vector_load %arg17[%parallel_loop3A_131, %parallel_loop3A_132] {strides = array<i32>} : memref<513x128xf32, #tpu.memory_space<vmem>>, vector<16xf32>,
          tpu.vector_store %arg17[%parallel_loop3A_131, %parallel_loop3A_132], %parallel_loop3A_130 {add = true, strides = array<i32>} : memref<513x128xf32, #tpu.memory_space<vmem>>, vector<16xf32>,
          %parallel_loop3A_134 = arith.index_cast %parallel_loop3A_113 : i32 to index
          %parallel_loop3A_135 = arith.constant 16 : index
          %parallel_loop3A_136 = tpu.vector_load %arg16[%parallel_loop3A_134, %parallel_loop3A_135] {strides = array<i32>} : memref<128x128xf32, #tpu.memory_space<vmem>>, vector<16xf32>,
          %parallel_loop3A_137 = arith.mulf %parallel_loop3A_136, %parallel_loop3A_116 : vector<16xf32>
          %parallel_loop3A_138 = arith.index_cast %parallel_loop3A_126 : i32 to index
          %parallel_loop3A_139 = arith.constant 16 : index
          %parallel_loop3A_140 = tpu.vector_load %arg17[%parallel_loop3A_138, %parallel_loop3A_139] {strides = array<i32>} : memref<513x128xf32, #tpu.memory_space<vmem>>, vector<16xf32>,
          tpu.vector_store %arg17[%parallel_loop3A_138, %parallel_loop3A_139], %parallel_loop3A_137 {add = true, strides = array<i32>} : memref<513x128xf32, #tpu.memory_space<vmem>>, vector<16xf32>,
          %parallel_loop3A_141 = arith.index_cast %parallel_loop3A_113 : i32 to index
          %parallel_loop3A_142 = arith.constant 32 : index
          %parallel_loop3A_143 = tpu.vector_load %arg16[%parallel_loop3A_141, %parallel_loop3A_142] {strides = array<i32>} : memref<128x128xf32, #tpu.memory_space<vmem>>, vector<16xf32>,
          %parallel_loop3A_144 = arith.mulf %parallel_loop3A_143, %parallel_loop3A_116 : vector<16xf32>
          %parallel_loop3A_145 = arith.index_cast %parallel_loop3A_126 : i32 to index
          %parallel_loop3A_146 = arith.constant 32 : index
          %parallel_loop3A_147 = tpu.vector_load %arg17[%parallel_loop3A_145, %parallel_loop3A_146] {strides = array<i32>} : memref<513x128xf32, #tpu.memory_space<vmem>>, vector<16xf32>,
          tpu.vector_store %arg17[%parallel_loop3A_145, %parallel_loop3A_146], %parallel_loop3A_144 {add = true, strides = array<i32>} : memref<513x128xf32, #tpu.memory_space<vmem>>, vector<16xf32>,
          %parallel_loop3A_148 = arith.index_cast %parallel_loop3A_113 : i32 to index
          %parallel_loop3A_149 = arith.constant 48 : index
          %parallel_loop3A_150 = tpu.vector_load %arg16[%parallel_loop3A_148, %parallel_loop3A_149] {strides = array<i32>} : memref<128x128xf32, #tpu.memory_space<vmem>>, vector<16xf32>,
          %parallel_loop3A_151 = arith.mulf %parallel_loop3A_150, %parallel_loop3A_116 : vector<16xf32>
          %parallel_loop3A_152 = arith.index_cast %parallel_loop3A_126 : i32 to index
          %parallel_loop3A_153 = arith.constant 48 : index
          %parallel_loop3A_154 = tpu.vector_load %arg17[%parallel_loop3A_152, %parallel_loop3A_153] {strides = array<i32>} : memref<513x128xf32, #tpu.memory_space<vmem>>, vector<16xf32>,
          tpu.vector_store %arg17[%parallel_loop3A_152, %parallel_loop3A_153], %parallel_loop3A_151 {add = true, strides = array<i32>} : memref<513x128xf32, #tpu.memory_space<vmem>>, vector<16xf32>,
          %parallel_loop3A_155 = arith.index_cast %parallel_loop3A_113 : i32 to index
          %parallel_loop3A_156 = arith.constant 64 : index
          %parallel_loop3A_157 = tpu.vector_load %arg16[%parallel_loop3A_155, %parallel_loop3A_156] {strides = array<i32>} : memref<128x128xf32, #tpu.memory_space<vmem>>, vector<16xf32>,
          %parallel_loop3A_158 = arith.mulf %parallel_loop3A_157, %parallel_loop3A_116 : vector<16xf32>
          %parallel_loop3A_159 = arith.index_cast %parallel_loop3A_126 : i32 to index
          %parallel_loop3A_160 = arith.constant 64 : index
          %parallel_loop3A_161 = tpu.vector_load %arg17[%parallel_loop3A_159, %parallel_loop3A_160] {strides = array<i32>} : memref<513x128xf32, #tpu.memory_space<vmem>>, vector<16xf32>,
          tpu.vector_store %arg17[%parallel_loop3A_159, %parallel_loop3A_160], %parallel_loop3A_158 {add = true, strides = array<i32>} : memref<513x128xf32, #tpu.memory_space<vmem>>, vector<16xf32>,
          %parallel_loop3A_162 = arith.index_cast %parallel_loop3A_113 : i32 to index
          %parallel_loop3A_163 = arith.constant 80 : index
          %parallel_loop3A_164 = tpu.vector_load %arg16[%parallel_loop3A_162, %parallel_loop3A_163] {strides = array<i32>} : memref<128x128xf32, #tpu.memory_space<vmem>>, vector<16xf32>,
          %parallel_loop3A_165 = arith.mulf %parallel_loop3A_164, %parallel_loop3A_116 : vector<16xf32>
          %parallel_loop3A_166 = arith.index_cast %parallel_loop3A_126 : i32 to index
          %parallel_loop3A_167 = arith.constant 80 : index
          %parallel_loop3A_168 = tpu.vector_load %arg17[%parallel_loop3A_166, %parallel_loop3A_167] {strides = array<i32>} : memref<513x128xf32, #tpu.memory_space<vmem>>, vector<16xf32>,
          tpu.vector_store %arg17[%parallel_loop3A_166, %parallel_loop3A_167], %parallel_loop3A_165 {add = true, strides = array<i32>} : memref<513x128xf32, #tpu.memory_space<vmem>>, vector<16xf32>,
          %parallel_loop3A_169 = arith.index_cast %parallel_loop3A_113 : i32 to index
          %parallel_loop3A_170 = arith.constant 96 : index
          %parallel_loop3A_171 = tpu.vector_load %arg16[%parallel_loop3A_169, %parallel_loop3A_170] {strides = array<i32>} : memref<128x128xf32, #tpu.memory_space<vmem>>, vector<16xf32>,
          %parallel_loop3A_172 = arith.mulf %parallel_loop3A_171, %parallel_loop3A_116 : vector<16xf32>
          %parallel_loop3A_173 = arith.index_cast %parallel_loop3A_126 : i32 to index
          %parallel_loop3A_174 = arith.constant 96 : index
          %parallel_loop3A_175 = tpu.vector_load %arg17[%parallel_loop3A_173, %parallel_loop3A_174] {strides = array<i32>} : memref<513x128xf32, #tpu.memory_space<vmem>>, vector<16xf32>,
          tpu.vector_store %arg17[%parallel_loop3A_173, %parallel_loop3A_174], %parallel_loop3A_172 {add = true, strides = array<i32>} : memref<513x128xf32, #tpu.memory_space<vmem>>, vector<16xf32>,
          %parallel_loop3A_176 = arith.index_cast %parallel_loop3A_113 : i32 to index
          %parallel_loop3A_177 = arith.constant 112 : index
          %parallel_loop3A_178 = tpu.vector_load %arg16[%parallel_loop3A_176, %parallel_loop3A_177] {strides = array<i32>} : memref<128x128xf32, #tpu.memory_space<vmem>>, vector<16xf32>,
          %parallel_loop3A_179 = arith.mulf %parallel_loop3A_178, %parallel_loop3A_116 : vector<16xf32>
          %parallel_loop3A_180 = arith.index_cast %parallel_loop3A_126 : i32 to index
          %parallel_loop3A_181 = arith.constant 112 : index
          %parallel_loop3A_182 = tpu.vector_load %arg17[%parallel_loop3A_180, %parallel_loop3A_181] {strides = array<i32>} : memref<513x128xf32, #tpu.memory_space<vmem>>, vector<16xf32>,
          tpu.vector_store %arg17[%parallel_loop3A_180, %parallel_loop3A_181], %parallel_loop3A_179 {add = true, strides = array<i32>} : memref<513x128xf32, #tpu.memory_space<vmem>>, vector<16xf32>,
          %parallel_loop3A_183 = arith.index_cast %parallel_loop3A_126 : i32 to index
          %parallel_loop3A_184 = arith.constant 0 : index
          %parallel_loop3A_185 = tpu.vector_load %arg18[%parallel_loop3A_183, %parallel_loop3A_184] {strides = array<i32>} : memref<513x16xf32, #tpu.memory_space<vmem>>, vector<16xf32>,
          tpu.vector_store %arg18[%parallel_loop3A_183, %parallel_loop3A_184], %parallel_loop3A_116 {add = true, strides = array<i32>} : memref<513x16xf32, #tpu.memory_space<vmem>>, vector<16xf32>,
        } {sc.loop_unroll_factor = 4 : i64, sc.parallel_access}
      } else {
      }
    }
    %scan3A_50 = arith.constant 0 : i32
    %scan3A_51 = arith.constant 512 : i32
    %scan3A_52 = arith.addi %scan3A_50, %scan3A_51 : i32
    %scan3A_53 = arith.constant 1 : i32
    scf.for %scan3A_55 = %scan3A_50 to %scan3A_52 step %scan3A_53  : i32 {
      %get3A = arith.index_cast %scan3A_55 : i32 to index
      %get3A_56 = arith.constant 0 : index
      %get3A_57 = tpu.vector_load %arg18[%get3A, %get3A_56] {strides = array<i32>} : memref<513x16xf32, #tpu.memory_space<vmem>>, vector<16xf32>,
      %gt3A_58 = arith.constant 0.000000e+00 : f32
      %gt3A_59 = vector.broadcast %gt3A_58 : f32 to vector<16xf32>
      %gt3A_60 = arith.cmpf ogt, %get3A_57, %gt3A_59 : vector<16xf32>
      %div3A_61 = arith.constant 1.000000e+00 : f32
      %div3A_62 = vector.broadcast %div3A_61 : f32 to vector<16xf32>
      %div3A_63 = arith.divf %div3A_62, %get3A_57 : vector<16xf32>
      %jit3A = arith.constant 0.000000e+00 : f32
      %broadcast_in_dim3A_64 = vector.broadcast %jit3A : f32 to vector<16xf32>
      %select_n3A = arith.select %gt3A_60, %div3A_63, %broadcast_in_dim3A_64 : vector<16xi1>, vector<16xf32>
      %get3A_65 = arith.index_cast %scan3A_55 : i32 to index
      %get3A_66 = arith.constant 0 : index
      %get3A_67 = tpu.vector_load %arg17[%get3A_65, %get3A_66] {strides = array<i32>} : memref<513x128xf32, #tpu.memory_space<vmem>>, vector<16xf32>,
      %mul3A_68 = arith.mulf %get3A_67, %select_n3A : vector<16xf32>
      %swap3A = arith.index_cast %scan3A_55 : i32 to index
      %swap3A_69 = arith.constant 0 : index
      %swap3A_70 = tpu.vector_load %arg17[%swap3A, %swap3A_69] {strides = array<i32>} : memref<513x128xf32, #tpu.memory_space<vmem>>, vector<16xf32>,
      tpu.vector_store %arg17[%swap3A, %swap3A_69], %mul3A_68 {strides = array<i32>} : memref<513x128xf32, #tpu.memory_space<vmem>>, vector<16xf32>,
      %get3A_71 = arith.index_cast %scan3A_55 : i32 to index
      %get3A_72 = arith.constant 16 : index
      %get3A_73 = tpu.vector_load %arg17[%get3A_71, %get3A_72] {strides = array<i32>} : memref<513x128xf32, #tpu.memory_space<vmem>>, vector<16xf32>,
      %mul3A_74 = arith.mulf %get3A_73, %select_n3A : vector<16xf32>
      %swap3A_75 = arith.index_cast %scan3A_55 : i32 to index
      %swap3A_76 = arith.constant 16 : index
      %swap3A_77 = tpu.vector_load %arg17[%swap3A_75, %swap3A_76] {strides = array<i32>} : memref<513x128xf32, #tpu.memory_space<vmem>>, vector<16xf32>,
      tpu.vector_store %arg17[%swap3A_75, %swap3A_76], %mul3A_74 {strides = array<i32>} : memref<513x128xf32, #tpu.memory_space<vmem>>, vector<16xf32>,
      %get3A_78 = arith.index_cast %scan3A_55 : i32 to index
      %get3A_79 = arith.constant 32 : index
      %get3A_80 = tpu.vector_load %arg17[%get3A_78, %get3A_79] {strides = array<i32>} : memref<513x128xf32, #tpu.memory_space<vmem>>, vector<16xf32>,
      %mul3A_81 = arith.mulf %get3A_80, %select_n3A : vector<16xf32>
      %swap3A_82 = arith.index_cast %scan3A_55 : i32 to index
      %swap3A_83 = arith.constant 32 : index
      %swap3A_84 = tpu.vector_load %arg17[%swap3A_82, %swap3A_83] {strides = array<i32>} : memref<513x128xf32, #tpu.memory_space<vmem>>, vector<16xf32>,
      tpu.vector_store %arg17[%swap3A_82, %swap3A_83], %mul3A_81 {strides = array<i32>} : memref<513x128xf32, #tpu.memory_space<vmem>>, vector<16xf32>,
      %get3A_85 = arith.index_cast %scan3A_55 : i32 to index
      %get3A_86 = arith.constant 48 : index
      %get3A_87 = tpu.vector_load %arg17[%get3A_85, %get3A_86] {strides = array<i32>} : memref<513x128xf32, #tpu.memory_space<vmem>>, vector<16xf32>,
      %mul3A_88 = arith.mulf %get3A_87, %select_n3A : vector<16xf32>
      %swap3A_89 = arith.index_cast %scan3A_55 : i32 to index
      %swap3A_90 = arith.constant 48 : index
      %swap3A_91 = tpu.vector_load %arg17[%swap3A_89, %swap3A_90] {strides = array<i32>} : memref<513x128xf32, #tpu.memory_space<vmem>>, vector<16xf32>,
      tpu.vector_store %arg17[%swap3A_89, %swap3A_90], %mul3A_88 {strides = array<i32>} : memref<513x128xf32, #tpu.memory_space<vmem>>, vector<16xf32>,
      %get3A_92 = arith.index_cast %scan3A_55 : i32 to index
      %get3A_93 = arith.constant 64 : index
      %get3A_94 = tpu.vector_load %arg17[%get3A_92, %get3A_93] {strides = array<i32>} : memref<513x128xf32, #tpu.memory_space<vmem>>, vector<16xf32>,
      %mul3A_95 = arith.mulf %get3A_94, %select_n3A : vector<16xf32>
      %swap3A_96 = arith.index_cast %scan3A_55 : i32 to index
      %swap3A_97 = arith.constant 64 : index
      %swap3A_98 = tpu.vector_load %arg17[%swap3A_96, %swap3A_97] {strides = array<i32>} : memref<513x128xf32, #tpu.memory_space<vmem>>, vector<16xf32>,
      tpu.vector_store %arg17[%swap3A_96, %swap3A_97], %mul3A_95 {strides = array<i32>} : memref<513x128xf32, #tpu.memory_space<vmem>>, vector<16xf32>,
      %get3A_99 = arith.index_cast %scan3A_55 : i32 to index
      %get3A_100 = arith.constant 80 : index
      %get3A_101 = tpu.vector_load %arg17[%get3A_99, %get3A_100] {strides = array<i32>} : memref<513x128xf32, #tpu.memory_space<vmem>>, vector<16xf32>,
      %mul3A_102 = arith.mulf %get3A_101, %select_n3A : vector<16xf32>
      %swap3A_103 = arith.index_cast %scan3A_55 : i32 to index
      %swap3A_104 = arith.constant 80 : index
      %swap3A_105 = tpu.vector_load %arg17[%swap3A_103, %swap3A_104] {strides = array<i32>} : memref<513x128xf32, #tpu.memory_space<vmem>>, vector<16xf32>,
      tpu.vector_store %arg17[%swap3A_103, %swap3A_104], %mul3A_102 {strides = array<i32>} : memref<513x128xf32, #tpu.memory_space<vmem>>, vector<16xf32>,
      %get3A_106 = arith.index_cast %scan3A_55 : i32 to index
      %get3A_107 = arith.constant 96 : index
      %get3A_108 = tpu.vector_load %arg17[%get3A_106, %get3A_107] {strides = array<i32>} : memref<513x128xf32, #tpu.memory_space<vmem>>, vector<16xf32>,
      %mul3A_109 = arith.mulf %get3A_108, %select_n3A : vector<16xf32>
      %swap3A_110 = arith.index_cast %scan3A_55 : i32 to index
      %swap3A_111 = arith.constant 96 : index
      %swap3A_112 = tpu.vector_load %arg17[%swap3A_110, %swap3A_111] {strides = array<i32>} : memref<513x128xf32, #tpu.memory_space<vmem>>, vector<16xf32>,
      tpu.vector_store %arg17[%swap3A_110, %swap3A_111], %mul3A_109 {strides = array<i32>} : memref<513x128xf32, #tpu.memory_space<vmem>>, vector<16xf32>,
      %get3A_113 = arith.index_cast %scan3A_55 : i32 to index
      %get3A_114 = arith.constant 112 : index
      %get3A_115 = tpu.vector_load %arg17[%get3A_113, %get3A_114] {strides = array<i32>} : memref<513x128xf32, #tpu.memory_space<vmem>>, vector<16xf32>,
      %mul3A_116 = arith.mulf %get3A_115, %select_n3A : vector<16xf32>
      %swap3A_117 = arith.index_cast %scan3A_55 : i32 to index
      %swap3A_118 = arith.constant 112 : index
      %swap3A_119 = tpu.vector_load %arg17[%swap3A_117, %swap3A_118] {strides = array<i32>} : memref<513x128xf32, #tpu.memory_space<vmem>>, vector<16xf32>,
      tpu.vector_store %arg17[%swap3A_117, %swap3A_118], %mul3A_116 {strides = array<i32>} : memref<513x128xf32, #tpu.memory_space<vmem>>, vector<16xf32>,
    }
    %scan3A_54 = arith.constant 512 : i32
    "tpu.region"() ({
      %run_scoped3A = tpu.sem_alloc : memref<!tpu.dma_semaphore, #tpu.memory_space<semaphore_mem>>
      %dma_start3A = arith.constant 0 : i32
      %dma_start3A_55 = arith.constant 0 : i32
      %dma_start3A_56 = tpu.memref_slice %arg17[%dma_start3A, %dma_start3A_55] : memref<513x128xf32, #tpu.memory_space<vmem>> -> memref<512x128xf32, #tpu.memory_space<vmem>>
      %dma_start3A_57 = arith.constant 0 : i32
      %dma_start3A_58 = tpu.memref_slice %arg6[%mul3A_2, %dma_start3A_57] : memref<16384x128xf32, #tpu.memory_space<hbm>> -> memref<512x128xf32, #tpu.memory_space<hbm>>
      %dma_start3A_59 = arith.constant 0 : i32
      %dma_start3A_60 = tpu.memref_slice %arg6[%mul3A_2, %dma_start3A_59] : memref<16384x128xf32, #tpu.memory_space<hbm>> -> memref<512x128xf32, #tpu.memory_space<hbm>>
      %dma_start3A_61 = arith.constant 0 : i32
      %dma_start3A_62 = arith.constant 0 : i32
      %dma_start3A_63 = tpu.memref_slice %arg17[%dma_start3A_61, %dma_start3A_62] : memref<513x128xf32, #tpu.memory_space<vmem>> -> memref<512x128xf32, #tpu.memory_space<vmem>>
      tpu.enqueue_dma source(%dma_start3A_63 : memref<512x128xf32, #tpu.memory_space<vmem>>) target(%dma_start3A_60 : memref<512x128xf32, #tpu.memory_space<hbm>>) target_semaphore(%run_scoped3A : memref<!tpu.dma_semaphore, #tpu.memory_space<semaphore_mem>>)
      %dma_wait3A = arith.constant 0 : i32
      %dma_wait3A_64 = arith.constant 0 : i32
      %dma_wait3A_65 = tpu.memref_slice %arg17[%dma_wait3A, %dma_wait3A_64] : memref<513x128xf32, #tpu.memory_space<vmem>> -> memref<512x128xf32, #tpu.memory_space<vmem>>
      %dma_wait3A_66 = arith.constant 0 : i32
      %dma_wait3A_67 = tpu.memref_slice %arg6[%mul3A_2, %dma_wait3A_66] : memref<16384x128xf32, #tpu.memory_space<hbm>> -> memref<512x128xf32, #tpu.memory_space<hbm>>
      %dma_wait3A_68 = arith.constant 0 : i32
      %dma_wait3A_69 = tpu.memref_slice %arg6[%mul3A_2, %dma_wait3A_68] : memref<16384x128xf32, #tpu.memory_space<hbm>> -> memref<512x128xf32, #tpu.memory_space<hbm>>
      %dma_wait3A_70 = arith.constant 0 : i32
      %dma_wait3A_71 = arith.constant 0 : i32
      %dma_wait3A_72 = tpu.memref_slice %arg17[%dma_wait3A_70, %dma_wait3A_71] : memref<513x128xf32, #tpu.memory_space<vmem>> -> memref<512x128xf32, #tpu.memory_space<vmem>>
      tpu.wait_dma2 semaphore(%run_scoped3A : memref<!tpu.dma_semaphore, #tpu.memory_space<semaphore_mem>>) src(%dma_wait3A_72 : memref<512x128xf32, #tpu.memory_space<vmem>>) dst(%dma_wait3A_69 : memref<512x128xf32, #tpu.memory_space<hbm>>)
      tpu.yield
    }) : () -> ()
    return
  }
}

module attributes {stable_mosaic.version = 14 : i64} {
  func.func @_mlp_body(%arg0: i32, %arg1: memref<1024x768xf32, #tpu.memory_space<vmem>>, %arg2: memref<768x256xf32, #tpu.memory_space<vmem>>, %arg3: memref<1x256xf32, #tpu.memory_space<vmem>>, %arg4: memref<256x128xf32, #tpu.memory_space<vmem>>, %arg5: memref<1x128xf32, #tpu.memory_space<vmem>>, %arg6: memref<4x128xf32, #tpu.memory_space<vmem>>, %arg7: memref<1024x128xf32, #tpu.memory_space<vmem>>, %arg8: memref<4x1024xf32, #tpu.memory_space<vmem>>) attributes {dimension_semantics = [#tpu.dimension_semantics<arbitrary>], iteration_bounds = array<i64: 98>, scalar_prefetch = 0 : i64, scratch_operands = 0 : i64, tpu.core_type = #tpu.core_type<tc>, window_params = [{transform_indices = @transform_0, window_bounds = array<i64: 1024, 768>}, {pipeline_mode = #tpu.pipeline_mode<synchronous>, transform_indices = @transform_1, window_bounds = array<i64: 768, 256>}, {pipeline_mode = #tpu.pipeline_mode<synchronous>, transform_indices = @transform_2, window_bounds = array<i64: 1, 256>}, {pipeline_mode = #tpu.pipeline_mode<synchronous>, transform_indices = @transform_3, window_bounds = array<i64: 256, 128>}, {pipeline_mode = #tpu.pipeline_mode<synchronous>, transform_indices = @transform_4, window_bounds = array<i64: 1, 128>}, {pipeline_mode = #tpu.pipeline_mode<synchronous>, transform_indices = @transform_5, window_bounds = array<i64: 4, 128>}, {transform_indices = @transform_6, window_bounds = array<i64: 1024, 128>}, {transform_indices = @transform_7, window_bounds = array<i64: 4, 1024>}]} {
    %get3A = arith.constant 0 : index
    %get3A_0 = arith.constant 0 : index
    %get3A_1 = vector.load %arg1[%get3A, %get3A_0] : memref<1024x768xf32, #tpu.memory_space<vmem>>, vector<1024x768xf32>
    %get3A_2 = arith.constant 0 : index
    %get3A_3 = arith.constant 0 : index
    %get3A_4 = vector.load %arg2[%get3A_2, %get3A_3] : memref<768x256xf32, #tpu.memory_space<vmem>>, vector<768x256xf32>
    %dot_general3A = arith.constant dense<0.000000e+00> : vector<1024x256xf32>
    %dot_general3A_5 = tpu.matmul %get3A_1, %get3A_4, %dot_general3A {dimension_numbers = #tpu.dot_dimension_numbers<[1], [0], [0], [1], [0, 0, 1, 1], [], []>, transpose_lhs_hint = false} : vector<1024x768xf32>, vector<768x256xf32>, vector<1024x256xf32> -> vector<1024x256xf32>
    %get3A_6 = arith.constant 0 : index
    %get3A_7 = arith.constant 0 : index
    %get3A_8 = vector.load %arg3[%get3A_6, %get3A_7] : memref<1x256xf32, #tpu.memory_space<vmem>>, vector<1x256xf32>
    %add3A = vector.broadcast %get3A_8 : vector<1x256xf32> to vector<1024x256xf32>
    %add3A_9 = arith.addf %dot_general3A_5, %add3A : vector<1024x256xf32>
    %max3A = arith.constant 0.000000e+00 : f32
    %max3A_10 = vector.broadcast %max3A : f32 to vector<1024x256xf32>
    %max3A_11 = arith.maximumf %add3A_9, %max3A_10 : vector<1024x256xf32>
    %get3A_12 = arith.constant 0 : index
    %get3A_13 = arith.constant 0 : index
    %get3A_14 = vector.load %arg4[%get3A_12, %get3A_13] : memref<256x128xf32, #tpu.memory_space<vmem>>, vector<256x128xf32>
    %dot_general3A_15 = arith.constant dense<0.000000e+00> : vector<1024x128xf32>
    %dot_general3A_16 = tpu.matmul %max3A_11, %get3A_14, %dot_general3A_15 {dimension_numbers = #tpu.dot_dimension_numbers<[1], [0], [0], [1], [0, 0, 1, 1], [], []>, transpose_lhs_hint = false} : vector<1024x256xf32>, vector<256x128xf32>, vector<1024x128xf32> -> vector<1024x128xf32>
    %get3A_17 = arith.constant 0 : index
    %get3A_18 = arith.constant 0 : index
    %get3A_19 = vector.load %arg5[%get3A_17, %get3A_18] : memref<1x128xf32, #tpu.memory_space<vmem>>, vector<1x128xf32>
    %add3A_20 = vector.broadcast %get3A_19 : vector<1x128xf32> to vector<1024x128xf32>
    %add3A_21 = arith.addf %dot_general3A_16, %add3A_20 : vector<1024x128xf32>
    %swap3A = arith.constant 0 : index
    %swap3A_22 = arith.constant 0 : index
    %swap3A_23 = vector.load %arg7[%swap3A, %swap3A_22] : memref<1024x128xf32, #tpu.memory_space<vmem>>, vector<1024x128xf32>
    tpu.vector_store %arg7[%swap3A, %swap3A_22], %add3A_21 {strides = array<i32>} : memref<1024x128xf32, #tpu.memory_space<vmem>>, vector<1024x128xf32>,
    %get3A_24 = arith.constant 0 : index
    %get3A_25 = arith.constant 0 : index
    %get3A_26 = vector.load %arg6[%get3A_24, %get3A_25] : memref<4x128xf32, #tpu.memory_space<vmem>>, vector<4x128xf32>
    %dot_general3A_27 = arith.constant dense<0.000000e+00> : vector<4x1024xf32>
    %dot_general3A_28 = tpu.matmul %get3A_26, %add3A_21, %dot_general3A_27 {dimension_numbers = #tpu.dot_dimension_numbers<[1], [1], [0], [0], [0, 0, 1, 0], [], []>, transpose_lhs_hint = false} : vector<4x128xf32>, vector<1024x128xf32>, vector<4x1024xf32> -> vector<4x1024xf32>
    %swap3A_29 = arith.constant 0 : index
    %swap3A_30 = arith.constant 0 : index
    %swap3A_31 = vector.load %arg8[%swap3A_29, %swap3A_30] : memref<4x1024xf32, #tpu.memory_space<vmem>>, vector<4x1024xf32>
    tpu.vector_store %arg8[%swap3A_29, %swap3A_30], %dot_general3A_28 {strides = array<i32>} : memref<4x1024xf32, #tpu.memory_space<vmem>>, vector<4x1024xf32>,
    return
  }
  func.func @transform_0(%arg0: i32) -> (i32, i32) {
    %c0_i32 = arith.constant 0 : i32
    %c0_i32_0 = arith.constant 0 : i32
    return %arg0, %c0_i32 : i32, i32
  }
  func.func @transform_1(%arg0: i32) -> (i32, i32) {
    %c0_i32 = arith.constant 0 : i32
    %c0_i32_0 = arith.constant 0 : i32
    %c0_i32_1 = arith.constant 0 : i32
    return %c0_i32, %c0_i32_0 : i32, i32
  }
  func.func @transform_2(%arg0: i32) -> (i32, i32) {
    %c0_i32 = arith.constant 0 : i32
    %c0_i32_0 = arith.constant 0 : i32
    %c0_i32_1 = arith.constant 0 : i32
    return %c0_i32, %c0_i32_0 : i32, i32
  }
  func.func @transform_3(%arg0: i32) -> (i32, i32) {
    %c0_i32 = arith.constant 0 : i32
    %c0_i32_0 = arith.constant 0 : i32
    %c0_i32_1 = arith.constant 0 : i32
    return %c0_i32, %c0_i32_0 : i32, i32
  }
  func.func @transform_4(%arg0: i32) -> (i32, i32) {
    %c0_i32 = arith.constant 0 : i32
    %c0_i32_0 = arith.constant 0 : i32
    %c0_i32_1 = arith.constant 0 : i32
    return %c0_i32, %c0_i32_0 : i32, i32
  }
  func.func @transform_5(%arg0: i32) -> (i32, i32) {
    %c0_i32 = arith.constant 0 : i32
    %c0_i32_0 = arith.constant 0 : i32
    %c0_i32_1 = arith.constant 0 : i32
    return %c0_i32, %c0_i32_0 : i32, i32
  }
  func.func @transform_6(%arg0: i32) -> (i32, i32) {
    %c0_i32 = arith.constant 0 : i32
    %c0_i32_0 = arith.constant 0 : i32
    return %arg0, %c0_i32 : i32, i32
  }
  func.func @transform_7(%arg0: i32) -> (i32, i32) {
    %c0_i32 = arith.constant 0 : i32
    %c0_i32_0 = arith.constant 0 : i32
    return %c0_i32, %arg0 : i32, i32
  }
}

module attributes {stable_mosaic.version = 14 : i64} {
  func.func @_head_body(%arg0: i32, %arg1: memref<512x512xf32, #tpu.memory_space<vmem>>, %arg2: memref<512x801xf32, #tpu.memory_space<vmem>>, %arg3: memref<512x4xf32, #tpu.memory_space<vmem>>, %arg4: memref<512x1xf32, #tpu.memory_space<vmem>>, %arg5: memref<801x256xf32, #tpu.memory_space<vmem>>, %arg6: memref<1x256xf32, #tpu.memory_space<vmem>>, %arg7: memref<256x128xf32, #tpu.memory_space<vmem>>, %arg8: memref<1x128xf32, #tpu.memory_space<vmem>>, %arg9: memref<128x64xf32, #tpu.memory_space<vmem>>, %arg10: memref<1x64xf32, #tpu.memory_space<vmem>>, %arg11: memref<1x64xf32, #tpu.memory_space<vmem>>, %arg12: memref<64x1xf32, #tpu.memory_space<vmem>>, %arg13: memref<1x1xf32, #tpu.memory_space<vmem>>, %arg14: memref<512x1xf32, #tpu.memory_space<vmem>>) attributes {dimension_semantics = [#tpu.dimension_semantics<arbitrary>], iteration_bounds = array<i64: 8>, scalar_prefetch = 0 : i64, scratch_operands = 0 : i64, tpu.core_type = #tpu.core_type<tc>, window_params = [{transform_indices = @transform_0, window_bounds = array<i64: 512, 512>}, {transform_indices = @transform_1, window_bounds = array<i64: 512, 801>}, {transform_indices = @transform_2, window_bounds = array<i64: 512, 4>}, {transform_indices = @transform_3, window_bounds = array<i64: 512, 1>}, {pipeline_mode = #tpu.pipeline_mode<synchronous>, transform_indices = @transform_4, window_bounds = array<i64: 801, 256>}, {pipeline_mode = #tpu.pipeline_mode<synchronous>, transform_indices = @transform_5, window_bounds = array<i64: 1, 256>}, {pipeline_mode = #tpu.pipeline_mode<synchronous>, transform_indices = @transform_6, window_bounds = array<i64: 256, 128>}, {pipeline_mode = #tpu.pipeline_mode<synchronous>, transform_indices = @transform_7, window_bounds = array<i64: 1, 128>}, {pipeline_mode = #tpu.pipeline_mode<synchronous>, transform_indices = @transform_8, window_bounds = array<i64: 128, 64>}, {pipeline_mode = #tpu.pipeline_mode<synchronous>, transform_indices = @transform_9, window_bounds = array<i64: 1, 64>}, {pipeline_mode = #tpu.pipeline_mode<synchronous>, transform_indices = @transform_10, window_bounds = array<i64: 1, 64>}, {pipeline_mode = #tpu.pipeline_mode<synchronous>, transform_indices = @transform_11, window_bounds = array<i64: 64, 1>}, {pipeline_mode = #tpu.pipeline_mode<synchronous>, transform_indices = @transform_12, window_bounds = array<i64: 1, 1>}, {transform_indices = @transform_13, window_bounds = array<i64: 512, 1>}]} {
    %get3A = arith.constant 0 : index
    %get3A_0 = arith.constant 0 : index
    %get3A_1 = vector.load %arg2[%get3A, %get3A_0] : memref<512x801xf32, #tpu.memory_space<vmem>>, vector<512x801xf32>
    %get3A_2 = arith.constant 0 : index
    %get3A_3 = arith.constant 0 : index
    %get3A_4 = vector.load %arg5[%get3A_2, %get3A_3] : memref<801x256xf32, #tpu.memory_space<vmem>>, vector<801x256xf32>
    %dot_general3A = arith.constant dense<0.000000e+00> : vector<512x256xf32>
    %dot_general3A_5 = tpu.matmul %get3A_1, %get3A_4, %dot_general3A {dimension_numbers = #tpu.dot_dimension_numbers<[1], [0], [0], [1], [0, 0, 1, 1], [], []>, transpose_lhs_hint = false} : vector<512x801xf32>, vector<801x256xf32>, vector<512x256xf32> -> vector<512x256xf32>
    %get3A_6 = arith.constant 0 : index
    %get3A_7 = arith.constant 0 : index
    %get3A_8 = vector.load %arg6[%get3A_6, %get3A_7] : memref<1x256xf32, #tpu.memory_space<vmem>>, vector<1x256xf32>
    %add3A = vector.broadcast %get3A_8 : vector<1x256xf32> to vector<512x256xf32>
    %add3A_9 = arith.addf %dot_general3A_5, %add3A : vector<512x256xf32>
    %max3A = arith.constant 0.000000e+00 : f32
    %max3A_10 = vector.broadcast %max3A : f32 to vector<512x256xf32>
    %max3A_11 = arith.maximumf %add3A_9, %max3A_10 : vector<512x256xf32>
    %get3A_12 = arith.constant 0 : index
    %get3A_13 = arith.constant 0 : index
    %get3A_14 = vector.load %arg7[%get3A_12, %get3A_13] : memref<256x128xf32, #tpu.memory_space<vmem>>, vector<256x128xf32>
    %dot_general3A_15 = arith.constant dense<0.000000e+00> : vector<512x128xf32>
    %dot_general3A_16 = tpu.matmul %max3A_11, %get3A_14, %dot_general3A_15 {dimension_numbers = #tpu.dot_dimension_numbers<[1], [0], [0], [1], [0, 0, 1, 1], [], []>, transpose_lhs_hint = false} : vector<512x256xf32>, vector<256x128xf32>, vector<512x128xf32> -> vector<512x128xf32>
    %get3A_17 = arith.constant 0 : index
    %get3A_18 = arith.constant 0 : index
    %get3A_19 = vector.load %arg8[%get3A_17, %get3A_18] : memref<1x128xf32, #tpu.memory_space<vmem>>, vector<1x128xf32>
    %add3A_20 = vector.broadcast %get3A_19 : vector<1x128xf32> to vector<512x128xf32>
    %add3A_21 = arith.addf %dot_general3A_16, %add3A_20 : vector<512x128xf32>
    %get3A_22 = arith.constant 0 : index
    %get3A_23 = arith.constant 0 : index
    %get3A_24 = vector.load %arg1[%get3A_22, %get3A_23] : memref<512x512xf32, #tpu.memory_space<vmem>>, vector<512x512xf32>
    %get3A_25 = arith.constant 0 : index
    %get3A_26 = arith.constant 0 : index
    %get3A_27 = vector.load %arg3[%get3A_25, %get3A_26] : memref<512x4xf32, #tpu.memory_space<vmem>>, vector<512x4xf32>
    %slice3A = vector.extract_strided_slice %get3A_24 {offsets = [0, 0], sizes = [512, 128], strides = [1, 1]} : vector<512x512xf32> to vector<512x128xf32>
    %slice3A_28 = vector.extract_strided_slice %get3A_27 {offsets = [0, 0], sizes = [512, 1], strides = [1, 1]} : vector<512x4xf32> to vector<512x1xf32>
    %mul3A = vector.broadcast %slice3A_28 : vector<512x1xf32> to vector<512x128xf32>
    %mul3A_29 = arith.mulf %slice3A, %mul3A : vector<512x128xf32>
    %slice3A_30 = vector.extract_strided_slice %get3A_24 {offsets = [0, 128], sizes = [512, 128], strides = [1, 1]} : vector<512x512xf32> to vector<512x128xf32>
    %slice3A_31 = vector.extract_strided_slice %get3A_27 {offsets = [0, 1], sizes = [512, 1], strides = [1, 1]} : vector<512x4xf32> to vector<512x1xf32>
    %mul3A_32 = vector.broadcast %slice3A_31 : vector<512x1xf32> to vector<512x128xf32>
    %mul3A_33 = arith.mulf %slice3A_30, %mul3A_32 : vector<512x128xf32>
    %add3A_34 = arith.addf %mul3A_29, %mul3A_33 : vector<512x128xf32>
    %slice3A_35 = vector.extract_strided_slice %get3A_24 {offsets = [0, 256], sizes = [512, 128], strides = [1, 1]} : vector<512x512xf32> to vector<512x128xf32>
    %slice3A_36 = vector.extract_strided_slice %get3A_27 {offsets = [0, 2], sizes = [512, 1], strides = [1, 1]} : vector<512x4xf32> to vector<512x1xf32>
    %mul3A_37 = vector.broadcast %slice3A_36 : vector<512x1xf32> to vector<512x128xf32>
    %mul3A_38 = arith.mulf %slice3A_35, %mul3A_37 : vector<512x128xf32>
    %add3A_39 = arith.addf %add3A_34, %mul3A_38 : vector<512x128xf32>
    %slice3A_40 = vector.extract_strided_slice %get3A_24 {offsets = [0, 384], sizes = [512, 128], strides = [1, 1]} : vector<512x512xf32> to vector<512x128xf32>
    %slice3A_41 = vector.extract_strided_slice %get3A_27 {offsets = [0, 3], sizes = [512, 1], strides = [1, 1]} : vector<512x4xf32> to vector<512x1xf32>
    %mul3A_42 = vector.broadcast %slice3A_41 : vector<512x1xf32> to vector<512x128xf32>
    %mul3A_43 = arith.mulf %slice3A_40, %mul3A_42 : vector<512x128xf32>
    %add3A_44 = arith.addf %add3A_39, %mul3A_43 : vector<512x128xf32>
    %mul3A_45 = arith.mulf %add3A_44, %add3A_21 : vector<512x128xf32>
    %get3A_46 = arith.constant 0 : index
    %get3A_47 = arith.constant 0 : index
    %get3A_48 = vector.load %arg9[%get3A_46, %get3A_47] : memref<128x64xf32, #tpu.memory_space<vmem>>, vector<128x64xf32>
    %dot_general3A_49 = arith.constant dense<0.000000e+00> : vector<512x64xf32>
    %dot_general3A_50 = tpu.matmul %mul3A_45, %get3A_48, %dot_general3A_49 {dimension_numbers = #tpu.dot_dimension_numbers<[1], [0], [0], [1], [0, 0, 1, 1], [], []>, transpose_lhs_hint = false} : vector<512x128xf32>, vector<128x64xf32>, vector<512x64xf32> -> vector<512x64xf32>
    %get3A_51 = arith.constant 0 : index
    %get3A_52 = arith.constant 0 : index
    %get3A_53 = vector.load %arg4[%get3A_51, %get3A_52] : memref<512x1xf32, #tpu.memory_space<vmem>>, vector<512x1xf32>
    %get3A_54 = arith.constant 0 : index
    %get3A_55 = arith.constant 0 : index
    %get3A_56 = vector.load %arg10[%get3A_54, %get3A_55] : memref<1x64xf32, #tpu.memory_space<vmem>>, vector<1x64xf32>
    %mul3A_57 = vector.broadcast %get3A_53 : vector<512x1xf32> to vector<512x64xf32>
    %mul3A_58 = vector.broadcast %get3A_56 : vector<1x64xf32> to vector<512x64xf32>
    %mul3A_59 = arith.mulf %mul3A_57, %mul3A_58 : vector<512x64xf32>
    %add3A_60 = arith.addf %dot_general3A_50, %mul3A_59 : vector<512x64xf32>
    %get3A_61 = arith.constant 0 : index
    %get3A_62 = arith.constant 0 : index
    %get3A_63 = vector.load %arg11[%get3A_61, %get3A_62] : memref<1x64xf32, #tpu.memory_space<vmem>>, vector<1x64xf32>
    %add3A_64 = vector.broadcast %get3A_63 : vector<1x64xf32> to vector<512x64xf32>
    %add3A_65 = arith.addf %add3A_60, %add3A_64 : vector<512x64xf32>
    %max3A_66 = arith.constant 0.000000e+00 : f32
    %max3A_67 = vector.broadcast %max3A_66 : f32 to vector<512x64xf32>
    %max3A_68 = arith.maximumf %add3A_65, %max3A_67 : vector<512x64xf32>
    %get3A_69 = arith.constant 0 : index
    %get3A_70 = arith.constant 0 : index
    %get3A_71 = vector.load %arg12[%get3A_69, %get3A_70] : memref<64x1xf32, #tpu.memory_space<vmem>>, vector<64x1xf32>
    %dot_general3A_72 = arith.constant dense<0.000000e+00> : vector<512x1xf32>
    %dot_general3A_73 = tpu.matmul %max3A_68, %get3A_71, %dot_general3A_72 {dimension_numbers = #tpu.dot_dimension_numbers<[1], [0], [0], [1], [0, 0, 1, 1], [], []>, transpose_lhs_hint = false} : vector<512x64xf32>, vector<64x1xf32>, vector<512x1xf32> -> vector<512x1xf32>
    %get3A_74 = arith.constant 0 : index
    %get3A_75 = arith.constant 0 : index
    %get3A_76 = vector.load %arg13[%get3A_74, %get3A_75] : memref<1x1xf32, #tpu.memory_space<vmem>>, vector<1x1xf32>
    %add3A_77 = vector.broadcast %get3A_76 : vector<1x1xf32> to vector<512x1xf32>
    %add3A_78 = arith.addf %dot_general3A_73, %add3A_77 : vector<512x1xf32>
    %swap3A = arith.constant 0 : index
    %swap3A_79 = arith.constant 0 : index
    %swap3A_80 = vector.load %arg14[%swap3A, %swap3A_79] : memref<512x1xf32, #tpu.memory_space<vmem>>, vector<512x1xf32>
    tpu.vector_store %arg14[%swap3A, %swap3A_79], %add3A_78 {strides = array<i32>} : memref<512x1xf32, #tpu.memory_space<vmem>>, vector<512x1xf32>,
    return
  }
  func.func @transform_0(%arg0: i32) -> (i32, i32) {
    %c0_i32 = arith.constant 0 : i32
    %c0_i32_0 = arith.constant 0 : i32
    return %arg0, %c0_i32 : i32, i32
  }
  func.func @transform_1(%arg0: i32) -> (i32, i32) {
    %c0_i32 = arith.constant 0 : i32
    %c0_i32_0 = arith.constant 0 : i32
    return %arg0, %c0_i32 : i32, i32
  }
  func.func @transform_2(%arg0: i32) -> (i32, i32) {
    %c0_i32 = arith.constant 0 : i32
    %c0_i32_0 = arith.constant 0 : i32
    return %arg0, %c0_i32 : i32, i32
  }
  func.func @transform_3(%arg0: i32) -> (i32, i32) {
    %c0_i32 = arith.constant 0 : i32
    %c0_i32_0 = arith.constant 0 : i32
    return %arg0, %c0_i32 : i32, i32
  }
  func.func @transform_4(%arg0: i32) -> (i32, i32) {
    %c0_i32 = arith.constant 0 : i32
    %c0_i32_0 = arith.constant 0 : i32
    %c0_i32_1 = arith.constant 0 : i32
    return %c0_i32, %c0_i32_0 : i32, i32
  }
  func.func @transform_5(%arg0: i32) -> (i32, i32) {
    %c0_i32 = arith.constant 0 : i32
    %c0_i32_0 = arith.constant 0 : i32
    %c0_i32_1 = arith.constant 0 : i32
    return %c0_i32, %c0_i32_0 : i32, i32
  }
  func.func @transform_6(%arg0: i32) -> (i32, i32) {
    %c0_i32 = arith.constant 0 : i32
    %c0_i32_0 = arith.constant 0 : i32
    %c0_i32_1 = arith.constant 0 : i32
    return %c0_i32, %c0_i32_0 : i32, i32
  }
  func.func @transform_7(%arg0: i32) -> (i32, i32) {
    %c0_i32 = arith.constant 0 : i32
    %c0_i32_0 = arith.constant 0 : i32
    %c0_i32_1 = arith.constant 0 : i32
    return %c0_i32, %c0_i32_0 : i32, i32
  }
  func.func @transform_8(%arg0: i32) -> (i32, i32) {
    %c0_i32 = arith.constant 0 : i32
    %c0_i32_0 = arith.constant 0 : i32
    %c0_i32_1 = arith.constant 0 : i32
    return %c0_i32, %c0_i32_0 : i32, i32
  }
  func.func @transform_9(%arg0: i32) -> (i32, i32) {
    %c0_i32 = arith.constant 0 : i32
    %c0_i32_0 = arith.constant 0 : i32
    %c0_i32_1 = arith.constant 0 : i32
    return %c0_i32, %c0_i32_0 : i32, i32
  }
  func.func @transform_10(%arg0: i32) -> (i32, i32) {
    %c0_i32 = arith.constant 0 : i32
    %c0_i32_0 = arith.constant 0 : i32
    %c0_i32_1 = arith.constant 0 : i32
    return %c0_i32, %c0_i32_0 : i32, i32
  }
  func.func @transform_11(%arg0: i32) -> (i32, i32) {
    %c0_i32 = arith.constant 0 : i32
    %c0_i32_0 = arith.constant 0 : i32
    %c0_i32_1 = arith.constant 0 : i32
    return %c0_i32, %c0_i32_0 : i32, i32
  }
  func.func @transform_12(%arg0: i32) -> (i32, i32) {
    %c0_i32 = arith.constant 0 : i32
    %c0_i32_0 = arith.constant 0 : i32
    %c0_i32_1 = arith.constant 0 : i32
    return %c0_i32, %c0_i32_0 : i32, i32
  }
  func.func @transform_13(%arg0: i32) -> (i32, i32) {
    %c0_i32 = arith.constant 0 : i32
    %c0_i32_0 = arith.constant 0 : i32
    return %arg0, %c0_i32 : i32, i32
  }
}

</mosaic_0001>

<sc_bundles>
// kernel: kernel.5.cloned.1.call-start
scs
__scs_entry_jumppad:
0x0: {  	(pc) =	sbr.rel $0x88, $3  }
0x1: {  	(tag) =	ssettag $0x0;
	lr =	simm.s32 $0x1  }
0x2: {  	[smem:$0x3F8E] =	sst lr;
	_ =	strace $0xD0000000  }
0x3: {  	_ = 	snop  }
0x4: {  	_ = 	snop  }
0x5: {  	_ = 	snop  }
0x6: {  	_ = 	snop  }
0x7: {  	_ = 	snop  }
__scs_overlays_trampoline_lowered:
0x8: {  	[smem:$0x3F9D] =	sst s0  }
0x9: {  	[smem:$0x3F9E] =	sst s1  }
0xa: {  	[smem:$0x3F9F] =	sst s2  }
0xb: {  	[smem:$0x3FA0] =	sst s3  }
0xc: {  	[smem:$0x3FA1] =	sst s4  }
0xd: {  	[smem:$0x3FA2] =	sst s5  }
0xe: {  	[smem:$0x3FA3] =	sst s6  }
0xf: {  	[smem:$0x3FA4] =	sst s7  }
0x10: {  	[smem:$0x3FA5] =	sst s8  }
0x11: {  	[smem:$0x3FA6] =	sst s9;
	s0 =	simm.s32 @!p0 $0x0  }
0x12: {  	s1 =	sld [smem:$0x3F8C];
	s0 =	simm.s32 @p0 $0x1  }
0x13: {  	[smem:$0x3FA7] =	sst s0;
	s0 =	simm.s32 @!p1 $0x0  }
0x14: {  	s2 =	sld [smem:$0x3F8B];
	s0 =	simm.s32 @p1 $0x1  }
0x15: {  	[smem:$0x3FA8] =	sst s0;
	s0 =	simm.s32 @!p2 $0x0  }
0x16: {  	s3 =	sld [smem:$0x3FDB];
	s0 =	simm.s32 @p2 $0x1  }
0x17: {  	s4 =	simm.s32 $0x1BF5;
	[smem:$0x3FAA] =	sst s0  }
0x18: {  	s0 =	sld [smem:$0x3F8D];
	_ =	swait.ge [sflag:s4], $0x0  }
0x19: {  	s7 =	sld [smem:$0x3F8E]  }
0x1a: {  	s8 =	sadd.s32 $0xFFFFE003, lr  }
0x1b: {  	s9 =	sadd.s32 $0xFFFFFEF7, lr;
	s5 =	simm.s32 $0xFFFFFFFF;
	p2 =	slt.u32 s8, $0xFFFFF086  }
0x1c: {  	p1 =	slt.u32 s9, $0xF7A;
	s5 =	simm.s32 @!p2 $0x0  }
0x1d: {  	s5 =	simm.s32 @p1 $0x1;
	p0 =	seq.s32 s7, s2  }
0x1e: {  	s7 =	smul.u32 @!p0 $0xF7A, s2;
	p2 =	seq.s32 @!p0 s5, $0x0  }
0x1f: {  	s9 =	smul.u32 $0xF7A, s1;
	s8 =	simm.s32 @!p0 $0x1BF5;
	p2 =	por !p2, p0  }
0x20: {  	[sflag:s8] =	ssyncset.s32 @!p0 $0xFFFFF086;
	s6 =	sadd.s32 @!p0 s3, s7;
	s7 =	simm.s32 @!p0 $0x108  }
0x21: {  	s3 =	sadd.s32 s3, s9;
	s6 =	sadd.s32 @!p0 $0x88, s6;
	s7 =	simm.s32 @p2 $0x1082  }
0x22: {  	[simem:s7], [sflag:s8] =	dma.local @!p0 [hbm:s6], $0xF7A  }
0x23: {  	s9 =	sor.u32 $0xD0000000, s2;
	s6 =	simm.s32 $0x108;
	_ =	swait.ge @!p0 [sflag:s8], $0x0  }
0x24: {  	s3 =	sadd.s32 $0x88, s3;
	s6 =	simm.s32 @!p1 $0x1082;
	[sflag:s4] =	ssyncset.s32 $0xFFFFF086  }
0x25: {  	[simem:s6], [sflag:s4] =	dma.local [hbm:s3], $0xF7A  }
0x26: {  	[smem:$0x3F8E] =	sst s1;
	(tag) =	ssettag s2;
	_ =	strace s9  }
0x27: {  	s1 =	sld [smem:$0x3F9E]  }
0x28: {  	s2 =	sld [smem:$0x3F9F]  }
0x29: {  	s4 =	sld [smem:$0x3FA1]  }
0x2a: {  	p0 =	seq.s32 s5, $0x0;
	s5 =	sld [smem:$0x3FA2]  }
0x2b: {  	s6 =	sld [smem:$0x3FA3]  }
0x2c: {  	s7 =	sld [smem:$0x3FA4]  }
0x2d: {  	s3 =	simm.s32 $0x108;
	s8 =	sld [smem:$0x3FA5]  }
0x2e: {  	s3 =	simm.s32 @!p0 $0x1082;
	s9 =	sld [smem:$0x3FA6]  }
0x2f: {  	lr =	sadd.s32 s0, s3;
	s0 =	sld [smem:$0x3F9D]  }
0x30: {  	s3 =	sld [smem:$0x3FA0]  }
0x31: {  	[smem:$0x3FA9] =	sst s10  }
0x32: {  	s10 =	sld [smem:$0x3FA7];
	_ =	sdelay $0x3  }
0x33: {  	p0 =	seq.s32 s10, $0x1;
	s10 =	sld [smem:$0x3FA9];
	_ =	sdelay $0x3  }
0x34: {  	[smem:$0x3FA9] =	sst s10  }
0x35: {  	s10 =	sld [smem:$0x3FA8];
	_ =	sdelay $0x3  }
0x36: {  	p1 =	seq.s32 s10, $0x1;
	s10 =	sld [smem:$0x3FA9];
	_ =	sdelay $0x3  }
0x37: {  	[smem:$0x3FA9] =	sst s10  }
0x38: {  	s10 =	sld [smem:$0x3FAA]  }
0x39: {  	_ = 	snop;
	(pc) =	sbr.ind lr, $3  }
0x3a: {  	_ = 	snop  }
0x3b: {  	_ = 	snop  }
0x3c: {  	p2 =	seq.s32 s10, $0x1;
	s10 =	sld [smem:$0x3FA9]  }
0x3d: {  	_ =	shalt  }
0x3e: {  	_ =	shalt  }
0x3f: {  	_ =	shalt  }
0x40: {  	_ =	shalt  }
0x41: {  	_ =	shalt  }
0x42: {  	_ =	shalt  }
0x43: {  	_ =	shalt  }
0x44: {  	_ =	shalt  }
0x45: {  	_ =	shalt  }
0x46: {  	_ =	shalt  }
0x47: {  	_ =	shalt  }
0x48: {  	_ =	shalt  }
0x49: {  	_ =	shalt  }
0x4a: {  	_ =	shalt  }
0x4b: {  	_ =	shalt  }
0x4c: {  	_ =	shalt  }
0x4d: {  	_ =	shalt  }
0x4e: {  	_ =	shalt  }
0x4f: {  	_ =	shalt  }
0x50: {  	_ =	shalt  }
0x51: {  	_ =	shalt  }
0x52: {  	_ =	shalt  }
0x53: {  	_ =	shalt  }
0x54: {  	_ =	shalt  }
0x55: {  	_ =	shalt  }
0x56: {  	_ =	shalt  }
0x57: {  	_ =	shalt  }
0x58: {  	_ =	shalt  }
0x59: {  	_ =	shalt  }
0x5a: {  	_ =	shalt  }
0x5b: {  	_ =	shalt  }
0x5c: {  	_ =	shalt  }
0x5d: {  	_ =	shalt  }
0x5e: {  	_ =	shalt  }
0x5f: {  	_ =	shalt  }
0x60: {  	_ =	shalt  }
0x61: {  	_ =	shalt  }
0x62: {  	_ =	shalt  }
0x63: {  	_ =	shalt  }
0x64: {  	_ =	shalt  }
0x65: {  	_ =	shalt  }
0x66: {  	_ =	shalt  }
0x67: {  	_ =	shalt  }
0x68: {  	_ =	shalt  }
0x69: {  	_ =	shalt  }
0x6a: {  	_ =	shalt  }
0x6b: {  	_ =	shalt  }
0x6c: {  	_ =	shalt  }
0x6d: {  	_ =	shalt  }
0x6e: {  	_ =	shalt  }
0x6f: {  	_ =	shalt  }
0x70: {  	_ =	shalt  }
0x71: {  	_ =	shalt  }
0x72: {  	_ =	shalt  }
0x73: {  	_ =	shalt  }
0x74: {  	_ =	shalt  }
0x75: {  	_ =	shalt  }
0x76: {  	_ =	shalt  }
0x77: {  	_ =	shalt  }
0x78: {  	_ =	shalt  }
0x79: {  	_ =	shalt  }
0x7a: {  	_ =	shalt  }
0x7b: {  	_ =	shalt  }
0x7c: {  	_ =	shalt  }
0x7d: {  	_ =	shalt  }
0x7e: {  	_ =	shalt  }
0x7f: {  	_ =	shalt  }
0x80: {  	_ =	shalt  }
0x81: {  	_ =	shalt  }
0x82: {  	_ =	shalt  }
0x83: {  	_ =	shalt  }
0x84: {  	_ =	shalt  }
0x85: {  	_ =	shalt  }
0x86: {  	_ =	shalt  }
0x87: {  	_ =	shalt  }
.Lfunc_end0:
.L_simem_size_0:
called_computation_lowered:
.L_overlay_start_0:
0x88: {  	s2 =	sld [smem:$0x3FD9]  }
0x89: {  	s3 =	sld [smem:$0x3FFE];
	_ =	sdelay $0x1  }
0x8a: {  	s1 =	srdreg.scid  }
0x8b: {  	s0 =	sand.u32 $0x1, s1  }
0x8c: {  	s17 =	sshll.u32 s0, $0xA;
	s2 =	sadd.s32 s3, s2  }
0x8d: {  	s2 =	sadd.s32 s2, s17  }
0x8e: {  	[smem:$0x3FB5] =	sst s2  }
0x8f: {  	_ = 	snop  }
0x90: {  	s2 =	sld [smem:$0x3FC8]  }
0x91: {  	s18 =	sld [smem:$0x3FC7];
	(tm) =	ssettm $0x1  }
0x92: {  	s4 =	sld [smem:$0x3FFB];
	_ =	sdelay $0x3  }
0x93: {  	_ =	strace s4  }
0x94: {  	s4 =	sld [smem:$0x3FFC];
	_ =	sdelay $0x3  }
0x95: {  	_ =	strace s4  }
0x96: {  	s4 =	sld [smem:$0x3FFD];
	_ =	sdelay $0x3  }
0x97: {  	_ =	strace s4  }
0x98: {  	_ =	strace $0x8FFFFFFF  }
0x99: {  	s19 =	sld [smem:$0x3FDB];
	_ =	sdelay $0x1  }
0x9a: {  	s5 =	simm.s32 $_scs_section_size  }
0x9b: {  	s6 =	simm.s32 $_size__tile_overlayer_lowered;
	s7 =	simm.s32 $_tile_overlayer_lowered  }
0x9c: {  	s22 =	simm.s32 $0x1BFF;
	s21 =	sshll.u32 s7, $0x1;
	s4 =	sadd.s32 s5, s19  }
0x9d: {  	s8 =	simm.s32 $0x0;
	s20 =	sshll.u32 s6, $0x1;
	s6 =	sadd.s32 s21, s4  }
0x9e: {  	[timem:s8], [sflag:s22] =	dma.local [hbm:s6], s20  }
0x9f: {  	_ =	swait.ge [sflag:s22], s20  }
0xa0: {  	s5 =	ssub.s32 $0x0, s20;
	[sflag:s22] =	ssyncset.done $0x0  }
0xa1: {  	[sflag:s22] =	ssyncadd.s32 s5;
	_ =	sdelay $0x1  }
0xa2: {  	s23 =	simm.s32 $0x1B8B  }
0xa3: {  	_ =	swait.ge [sflag:s23], $0x1  }
0xa4: {  	[sflag:s23] =	ssyncset.done $0x0  }
0xa5: {  	s25 =	simm.s32 $0x1B8E;
	s24 =	sld [smem:$0x3FFE];
	[sflag:s23] =	ssyncadd.s32 $0xFFFFFFFF  }
0xa6: {  	s26 =	simm.s32 $execute0_lowered;
	[smem:$0x3FD2] =	sst s25  }
0xa7: {  	s6 =	sshll.u32 s26, $0x1;
	_ =	strace $0x80000046;
	[dreg:$0x1] =	wrdreg $0xFFFFFFFF  }
0xa8: {  	s28 =	simm.s32 $_size_execute0_lowered;
	s4 =	sadd.s32 s4, s6;
	[dreg:$0x0] =	wrdreg $0x0  }
0xa9: {  	s6 =	sshll.u32 s28, $0x1;
	[dreg:$0x2] =	wrdreg s4  }
0xaa: {  	[dreg:$0x3] =	wrdreg s6  }
0xab: {  	[dreg:$0x4] =	wrdreg $0xC0  }
0xac: {  	_ =	task [dreg:s8], $0x5FFFF  }
0xad: {  	[dreg:$0x1] =	wrdreg $0xFFFFFFFF  }
0xae: {  	[dreg:$0x0] =	wrdreg $0x60  }
0xaf: {  	[dreg:$0x2] =	wrdreg s24  }
0xb0: {  	[dreg:$0x3] =	wrdreg s2  }
0xb1: {  	[dreg:$0x4] =	wrdreg s18  }
0xb2: {  	[dreg:$0x5] =	wrdreg $0x9  }
0xb3: {  	_ =	task.clear_ibuf [dreg:s8], $0x6FFFF;
	_ =	strace $0x90000046  }
0xb4: {  	s29 =	simm.s32 $0x9;
	_ =	strace $0x80000048  }
0xb5: {  	_ =	swait.ge [sflag:s29], $0x1  }
0xb6: {  	[sflag:s29] =	ssyncadd.s32 $0xFFFFFFFF  }
0xb7: {  	_ =	strace $0x90000048  }
0xb8: {  	_ =	sfence  }
0xb9: {  	s30 =	sld [smem:$0x0];
	_ =	sdelay $0x2  }
0xba: {  	s31 =	sshll.u32 s1, $0xD;
	s1 =	sshrl.u32 s1, $0x2  }
0xbb: {  	s3 =	sand.u32 $0x4000, s31;
	s1 =	sadd.s32 s1, s30  }
0xbc: {  	s0 =	sor.u32 s3, s0;
	s1 =	sshll.u32 s1, $0x11  }
0xbd: {  	s0 =	sor.u32 s1, s0  }
0xbe: {  	s0 =	sadd.s32 $0x8F2B, s0  }
0xbf: {  	[sflag:s0] =	ssyncadd.remote.s32 $0x1  }
0xc0: {  	_ =	sfence.sel $0xFFFF  }
0xc1: {  	[dreg:$0x0] =	wrdreg $0xFFFFFFFF;
	(pc) =	sbr.abs _section_cstart, $3  }
0xc2: {  	[dreg:$0x1] =	wrdreg $0xFFFFFFFF  }
0xc3: {  	_ =	task.clear_ibuf [dreg:s8], $0x2FFFF;
	_ =	strace $0x9FFFFFFF  }
0xc4: {  	(tm) =	ssettm $0x7FFFFFFF  }
0xc5: {  	_ =	shalt  }
tec
execute0_lowered:
.L_overlay_start_1:
0x0: {  	(tag) =	ssettag $0x1  }
0x1: {  	s0 =	rddreg [dreg:$0x0]  }
0x2: {  	s3 =	rddreg [dreg:$0x2];
	s2 =	srdreg.scid  }
0x3: {  	s4 =	simm.s32 $0x0;
	s1 =	stileid.u32;
	s11 =	simm.s32 $0x1A490  }
0x4: {  	s12 =	simm.s32 $0x3;
	s13 =	simm.s32 $0x100;
	s14 =	simm.s32 $0x80  }
0x5: {  	s16 =	simm.s32 $0x180;
	s18 =	simm.s32 $0x4300;
	s21 =	simm.s32 $0x4380  }
0x6: {  	s22 =	simm.s32 $0x1;
	s23 =	simm.s32 $0x2;
	s2 =	sand.u32 $0x1, s2  }
0x7: {  	s6 =	sshll.u32 s1, $0x9;
	s5 =	sshll.u32 s2, $0xD;
	s2 =	ssub.s32 $0x2, s2  }
0x8: {  	[smem:$0x7FF] =	sst s4;
	s5 =	sor.u32 s6, s5;
	s9 =	sshrl.u32 s2, $0x1  }
0x9: {  	s7 =	sadd.s32 $0x189E00, s0;
	s8 =	sshll.u32 s5, $0x4;
	s2 =	ssub.s32 s2, s9  }
0xa: {  	s6 =	sadd.s32 $0x3400, s0;
	s0 =	sadd.s32 s8, s0;
	s31 =	smax.u32 s2, $0x1  }
0xb: {  	_ =	strace $0x80000047;
	s0 =	sadd.s32 $0x196200, s0;
	[dreg:$0x5] =	wrdreg s31  }
0xc: {  	v0 =	vimm.f32 $0.0e+00;
	s1 =	simm.s32 $0x0;
	s8 =	sadd.s32 $0x200, s5;
	[dreg:$0x4] =	wrdreg s0  }
.LBB2_1:
0xd: {  	s10 =	simm.s32 $0x8000;
	p0 =	por $0x1, $0x1  }
0xe: {  	s10 =	simm.s32 @!p0 $0xFFFF  }
0xf: {  	s0 =	sand.u32 $0x1FFFFFFF, s10  }
0x10: {  	[dreg:$0x6] =	wrdreg s1;
	s0 =	sadd.s32 s3, s0  }
0x11: {  	[tilespmem:s11], [sflag:$0x3] =	stream.linear.gather [hbm4b:s0+s4], $0x8, $0x38;
	[tilespmem:$0x1A4A0] =	vst v63  }
0x12: {  	_ =	swait.ge [sflag:s12], $0x8  }
0x13: {  	[sflag:s12] =	ssyncset.done $0x0  }
0x14: {  	[sflag:s12] =	ssyncadd.s32 $0xFFFFFFF8  }
0x15: {  	v1 =	vld [tilespmem:$0x1A490];
	_ =	sdelay $0x4  }
0x16: {  	(v2sf) =	vpush v1, $0x0;
	_ =	sdelay $0xd  }
0x17: {  	s2 =	simm.s32 $0x10000;
	s19 =	simm.s32 $0x0  }
0x18: {  	s15 =	simm.s32 $0x10;
	p1 =	por $0x1, $0x1;
	s31 =	spop (v2sf)  }
0x19: {  	s17 =	simm.s32 $0x10000;
	s0 =	sadd.s32 $0x1, s10;
	p0 =	slt.s32 s31, s5  }
0x1a: {  	s19 =	smov.u32 @p0 s0;
	s10 =	smov.u32 @p0 s2;
	s0 =	simm.s32 $0x0  }
.LBB2_2:
0x1b: {  	p0 =	sne.s32 s15, $0x1;
	s0 =	smov.u32 @p1 s19;
	s17 =	smov.u32 @p1 s10  }
0x1c: {  	s15 =	sadd.s32 $0xFFFFFFFF, s15;
	s9 =	sadd.s32 s0, s17  }
0x1d: {  	s10 =	sshrl.u32 s9, $0x1F  }
0x1e: {  	s9 =	sadd.s32 s10, s9  }
0x1f: {  	s10 =	sshra.s32 s9, $0x1  }
0x20: {  	p1 =	slt.s32 s10, $0xFFFF  }
0x21: {  	s10 =	simm.s32 @!p1 $0xFFFF  }
0x22: {  	s9 =	sand.u32 $0x1FFFFFFF, s10  }
0x23: {  	s19 =	sadd.s32 s3, s9;
	s9 =	simm.s32 $0x0  }
0x24: {  	[tilespmem:s11], [sflag:$0x3] =	stream.linear.gather [hbm4b:s19+s9], $0x8, $0x38;
	[tilespmem:$0x1A4A0] =	vst v63  }
0x25: {  	_ =	swait.ge [sflag:s12], $0x8  }
0x26: {  	[sflag:s12] =	ssyncset.done $0x0  }
0x27: {  	[sflag:s12] =	ssyncadd.s32 $0xFFFFFFF8  }
0x28: {  	v1 =	vld [tilespmem:$0x1A490];
	_ =	sdelay $0x4  }
0x29: {  	(v2sf) =	vpush v1, $0x0;
	_ =	sdelay $0xc  }
.Ltmp0:
0x2a: {  	(pc) =	sbr.rel @p0 .LBB2_2-.Ltmp0, $4  }
0x2b: {  	_ = 	snop  }
0x2c: {  	s19 =	spop (v2sf)  }
0x2d: {  	s20 =	sadd.s32 $0x1, s10;
	p2 =	slt.s32 s19, s5;
	s19 =	smov.u32 s0  }
0x2e: {  	p1 =	slt.s32 s0, s17;
	s19 =	smov.u32 @p2 s20;
	s10 =	smov.u32 @p2 s17  }
0x2f: {  	s15 =	simm.s32 $0x8000;
	p0 =	por $0x1, $0x1  }
0x30: {  	s15 =	simm.s32 @!p0 $0xFFFF  }
0x31: {  	s10 =	sand.u32 $0x1FFFFFFF, s15  }
0x32: {  	s10 =	sadd.s32 s3, s10  }
0x33: {  	[tilespmem:s11], [sflag:$0x3] =	stream.linear.gather [hbm4b:s10+s9], $0x8, $0x38;
	[tilespmem:$0x1A4A0] =	vst v63  }
0x34: {  	_ =	swait.ge [sflag:s12], $0x8  }
0x35: {  	[sflag:s12] =	ssyncset.done $0x0  }
0x36: {  	[sflag:s12] =	ssyncadd.s32 $0xFFFFFFF8  }
0x37: {  	v1 =	vld [tilespmem:$0x1A490];
	_ =	sdelay $0x4  }
0x38: {  	(v2sf) =	vpush v1, $0x0;
	_ =	sdelay $0xd  }
0x39: {  	s0 =	smov.u32 @p1 s19  }
0x3a: {  	s17 =	simm.s32 $0x10;
	p1 =	por $0x1, $0x1;
	s31 =	spop (v2sf)  }
0x3b: {  	s19 =	simm.s32 $0x0;
	s10 =	sadd.s32 $0x1, s15;
	p0 =	slt.s32 s31, s8  }
0x3c: {  	s19 =	smov.u32 @p0 s10;
	s15 =	smov.u32 @p0 s2;
	s10 =	simm.s32 $0x0  }
.LBB2_4:
0x3d: {  	p0 =	sne.s32 s17, $0x1;
	s10 =	smov.u32 @p1 s19;
	s2 =	smov.u32 @p1 s15  }
0x3e: {  	s17 =	sadd.s32 $0xFFFFFFFF, s17;
	s15 =	sadd.s32 s10, s2  }
0x3f: {  	s19 =	sshrl.u32 s15, $0x1F  }
0x40: {  	s15 =	sadd.s32 s19, s15  }
0x41: {  	s15 =	sshra.s32 s15, $0x1  }
0x42: {  	p1 =	slt.s32 s15, $0xFFFF  }
0x43: {  	s15 =	simm.s32 @!p1 $0xFFFF  }
0x44: {  	s19 =	sand.u32 $0x1FFFFFFF, s15  }
0x45: {  	s19 =	sadd.s32 s3, s19  }
0x46: {  	[tilespmem:s11], [sflag:$0x3] =	stream.linear.gather [hbm4b:s19+s9], $0x8, $0x38;
	[tilespmem:$0x1A4A0] =	vst v63  }
0x47: {  	_ =	swait.ge [sflag:s12], $0x8  }
0x48: {  	[sflag:s12] =	ssyncset.done $0x0  }
0x49: {  	[sflag:s12] =	ssyncadd.s32 $0xFFFFFFF8  }
0x4a: {  	v1 =	vld [tilespmem:$0x1A490];
	_ =	sdelay $0x4  }
0x4b: {  	(v2sf) =	vpush v1, $0x0;
	_ =	sdelay $0xc  }
.Ltmp1:
0x4c: {  	(pc) =	sbr.rel @p0 .LBB2_4-.Ltmp1, $4  }
0x4d: {  	_ = 	snop  }
0x4e: {  	s19 =	spop (v2sf)  }
0x4f: {  	s20 =	sadd.s32 $0x1, s15;
	p2 =	slt.s32 s19, s8;
	s19 =	smov.u32 s10  }
0x50: {  	p1 =	slt.s32 s10, s2;
	s19 =	smov.u32 @p2 s20;
	s15 =	smov.u32 @p2 s2  }
0x51: {  	s2 =	simm.s32 $0x8440  }
0x52: {  	[tilespmem:s2+$0xFFFFFFD0] =	vst v0  }
0x53: {  	[tilespmem:s2+$0xFFFFFFE0] =	vst v0  }
0x54: {  	[tilespmem:s2+$0xFFFFFFF0] =	vst v0  }
0x55: {  	[tilespmem:s2+$0x0] =	vst v0  }
0x56: {  	[tilespmem:s2+$0x10] =	vst v0  }
0x57: {  	[tilespmem:s2+$0x20] =	vst v0  }
0x58: {  	[tilespmem:s2+$0x30] =	vst v0  }
0x59: {  	s10 =	smov.u32 @p1 s19;
	s15 =	simm.s32 $0x0;
	s9 =	simm.s32 $0x40;
	[tilespmem:s2+$0xFFFFFFC0] =	vst v0  }
.LBB2_6:
0x5a: {  	p0 =	sne.s32 s9, $0x8000;
	[tilespmem:s15+$0x18480] =	vst v0;
	s2 =	sadd.s32 $0x80, s2  }
0x5b: {  	[tilespmem:s2+$0xFFFFFFD0] =	vst v0  }
0x5c: {  	[tilespmem:s2+$0xFFFFFFE0] =	vst v0  }
0x5d: {  	[tilespmem:s2+$0xFFFFFFF0] =	vst v0  }
.Ltmp2:
0x5e: {  	[tilespmem:s2+$0x0] =	vst v0;
	(pc) =	sbr.rel @p0 .LBB2_6-.Ltmp2, $4  }
0x5f: {  	[tilespmem:s2+$0x10] =	vst v0  }
0x60: {  	[tilespmem:s2+$0x20] =	vst v0  }
0x61: {  	[tilespmem:s2+$0x30] =	vst v0  }
0x62: {  	s15 =	sshra.s32 s9, $0x2;
	s9 =	sadd.s32 $0x40, s9;
	[tilespmem:s2+$0xFFFFFFC0] =	vst v0  }
0x63: {  	p0 =	sgt.s32 s0, $0x1  }
0x64: {  	s0 =	simm.s32 @!p0 $0x1  }
0x65: {  	s0 =	sshll.u32 s0, $0x3  }
0x66: {  	s2 =	sadd.s32 $0xFFFFFFF8, s0  }
0x67: {  	s31 =	sshll.u32 s10, $0x3;
	s9 =	sand.u32 $0xFFFFFF80, s2  }
0x68: {  	s0 =	ssub.s32 s31, s9  }
0x69: {  	s0 =	sadd.s32 $0x7F, s0  }
0x6a: {  	p0 =	slt.s32 s0, $0x80  }
.Ltmp3:
0x6b: {  	_ = 	snop;
	(pc) =	sbr.rel @p0 .LBB2_21-.Ltmp3, $2  }
0x6c: {  	_ =	sdelay $0x2  }
0x6d: {  	[tilespmem:s15+$0x18480] =	vst v0  }
0x6e: {  	s26 =	sshrl.u32 s2, $0x7  }
0x6f: {  	s2 =	smin.u32 s26, $0xFFF  }
0x70: {  	s1 =	rddreg [dreg:$0x1];
	s2 =	sshll.u32 s2, $0x4  }
0x71: {  	s28 =	simm.s32 $0x0;
	s9 =	sadd.s32 s1, s2  }
0x72: {  	[tilespmem:s28], [sflag:$0x3] =	stream.linear.gather [hbm4b:s9+s28], $0x80, $0x38;
	[tilespmem:$0x1A4A0] =	vst v63  }
0x73: {  	_ =	swait.ge [sflag:s12], $0x80  }
0x74: {  	[sflag:s12] =	ssyncset.done $0x0  }
0x75: {  	s2 =	sadd.s32 s3, s2;
	[sflag:s12] =	ssyncadd.s32 $0xFFFFFF80  }
0x76: {  	[tilespmem:s13], [sflag:$0x3] =	stream.linear.gather [hbm4b:s2+s28], $0x80, $0x38;
	[tilespmem:$0x1A4A0] =	vst v63  }
0x77: {  	_ =	swait.ge [sflag:s12], $0x80  }
0x78: {  	[sflag:s12] =	ssyncset.done $0x0  }
0x79: {  	[sflag:s12] =	ssyncadd.s32 $0xFFFFFF80  }
0x7a: {  	v1 =	vld [tilespmem:$0x100]  }
0x7b: {  	v2 =	vld [tilespmem:$0x0]  }
0x7c: {  	v3 =	vld [tilespmem:$0x110]  }
0x7d: {  	v4 =	vld [tilespmem:$0x10]  }
0x7e: {  	v5 =	vld [tilespmem:$0x120]  }
0x7f: {  	v6 =	vld [tilespmem:$0x20]  }
0x80: {  	v7 =	vld [tilespmem:$0x130]  }
0x81: {  	v8 =	vld [tilespmem:$0x30]  }
0x82: {  	v9 =	vld [tilespmem:$0x140]  }
0x83: {  	v10 =	vld [tilespmem:$0x40]  }
0x84: {  	v11 =	vld [tilespmem:$0x150];
	v1 =	vand.u32 $0x3, v1  }
0x85: {  	v12 =	vld [tilespmem:$0x160];
	v3 =	vand.u32 $0x3, v3;
	v1 =	vmul.u32 $0x186A0, v1  }
0x86: {  	v13 =	vld [tilespmem:$0x170];
	v5 =	vand.u32 $0x3, v5;
	v3 =	vmul.u32 $0x186A0, v3  }
0x87: {  	v57 =	vld [tilespmem:$0x50];
	v56 =	vand.u32 $0x3, v7;
	v1 =	vadd.s32 v2, v1;
	v2 =	vmul.u32 $0x186A0, v5  }
0x88: {  	v59 =	vld [tilespmem:$0x60];
	v58 =	vand.u32 $0x3, v9;
	[tilespmem:$0x80] =	vst v1;
	v1 =	vadd.s32 v4, v3;
	v3 =	vmul.u32 $0x186A0, v56  }
0x89: {  	v61 =	vld [tilespmem:$0x70];
	v60 =	vand.u32 $0x3, v11;
	[tilespmem:$0x90] =	vst v1;
	v1 =	vadd.s32 v6, v2;
	v2 =	vmul.u32 $0x186A0, v58  }
0x8a: {  	v62 =	vand.u32 $0x3, v12;
	[tilespmem:$0xA0] =	vst v1;
	v1 =	vadd.s32 v8, v3;
	v3 =	vmul.u32 $0x186A0, v60  }
0x8b: {  	v63 =	vand.u32 $0x3, v13;
	[tilespmem:$0xB0] =	vst v1;
	v1 =	vadd.s32 v10, v2;
	v2 =	vmul.u32 $0x186A0, v62  }
0x8c: {  	[tilespmem:$0xC0] =	vst v1;
	v1 =	vadd.s32 v57, v3;
	v3 =	vmul.u32 $0x186A0, v63  }
0x8d: {  	s25 =	sshra.s32 s0, $0x1F;
	[tilespmem:$0xD0] =	vst v1;
	v1 =	vadd.s32 v59, v2  }
.Ltmp4:
0x8e: {  	s2 =	sshrl.u32 s25, $0x19;
	[tilespmem:$0xE0] =	vst v1;
	v1 =	vadd.s32 v61, v3;
	(pc) =	sbr.rel .LBB2_9-.Ltmp4, $4  }
0x8f: {  	s30 =	simm.s32 $0x200;
	s31 =	sadd.s32 s2, s0;
	[tilespmem:$0xF0] =	vst v1  }
0x90: {  	[tilespmem:s30], [sflag:$0x1] =	stream.indirect.gather [hbm4b:s6+s14], $0x80, s28, s14, $0xb8;
	[tilespmem:$0x1A4A0] =	vst v63  }
0x91: {  	s29 =	sshra.s32 s31, $0x7  }
0x92: {  	[tilespmem:s16], [sflag:$0x1] =	stream.indirect.gather [hbm4b:s7+s14], $0x1, s14, s14, $0xb8;
	[tilespmem:$0x1A4A0] =	vst v63  }
.LBB2_19:
0x93: {  	_ =	sdelay $0x1  }
0x94: {  	[tilespmem:s9+$0x8440] =	vst.add.f32.msk $0xffff, v13  }
0x95: {  	[tilespmem:s31+$0x8440] =	vst.add.f32.msk $0xffff, v14  }
0x96: {  	v48 =	vld.idx.msk [tilespmem:v7+s21+$0x0], $0xffff  }
0x97: {  	v15 =	vand.u32 $0xFFFFFFFE, v15;
	v51 =	vld.idx.msk [tilespmem:v8+s21+$0x0], $0xffff  }
0x98: {  	v11 =	vmul.f32 v11, v5;
	v40 =	vbroadcast v15, $0x0;
	v41 =	vld [tilespmem:s0+$0xFFFFFF50]  }
0x99: {  	v12 =	vmul.f32 v12, v4;
	v42 =	vld [tilespmem:s0+$0xD0]  }
0x9a: {  	[tilespmem:s20+$0x8460] =	vst.add.f32.msk $0xffff, v11  }
0x9b: {  	[tilespmem:s10+$0x8450] =	vst.add.f32.msk $0xffff, v12  }
0x9c: {  	v11 =	vld [tilespmem:s0+$0x70]  }
0x9d: {  	v16 =	vld [tilespmem:s0+$0xFFFFFFE0];
	v14 =	vmul.f32 v41, v3  }
0x9e: {  	v15 =	vmul.f32 v42, v2;
	v43 =	vld.idx.msk [tilespmem:v40+s18+$0x0], $0xffff  }
0x9f: {  	[tilespmem:s9+$0x8450] =	vst.add.f32.msk $0xffff, v14  }
0xa0: {  	[tilespmem:s31+$0x8450] =	vst.add.f32.msk $0xffff, v15  }
0xa1: {  	v14 =	vld [tilespmem:s0+$0xFFFFFF60]  }
0xa2: {  	v44 =	vmul.f32 v16, v4;
	v45 =	vld [tilespmem:s0+$0xE0]  }
0xa3: {  	v53 =	vld.idx.msk [tilespmem:v40+s21+$0x0], $0xffff;
	(v2sf) =	vpush v43, $0x0  }
0xa4: {  	v11 =	vmul.f32 v11, v5;
	[tilespmem:s10+$0x8460] =	vst.add.f32.msk $0xffff, v44  }
0xa5: {  	v47 =	vld [tilespmem:s0+$0xFFFFFFF0];
	(v2sf) =	vpush v10, $0x0  }
0xa6: {  	s1 =	sshll.u32 s19, $0x4;
	[tilespmem:s20+$0x8470] =	vst.add.f32.msk $0xffff, v11;
	v46 =	vmul.f32 v14, v3  }
0xa7: {  	[tilespmem:s1+$0x18480] =	vst.add.f32.msk $0xffff, v5;
	(v2sf) =	vpush v9, $0x0;
	v50 =	vmul.f32 v45, v2  }
0xa8: {  	[tilespmem:s9+$0x8460] =	vst.add.f32.msk $0xffff, v46  }
0xa9: {  	(v2sf) =	vpush v6, $0x0;
	[tilespmem:s31+$0x8460] =	vst.add.f32.msk $0xffff, v50  }
0xaa: {  	v52 =	vmul.f32 v47, v4;
	v49 =	vld [tilespmem:s0+$0xFFFFFF70]  }
0xab: {  	v9 =	vld [tilespmem:s0+$0xF0]  }
0xac: {  	s0 =	sadd.s32 $0x200, s0;
	[tilespmem:s10+$0x8470] =	vst.add.f32.msk $0xffff, v52  }
0xad: {  	v54 =	vld [tilespmem:s0+$0x0]  }
0xae: {  	v55 =	vld [tilespmem:s0+$0xFFFFFF00]  }
0xaf: {  	v56 =	vld [tilespmem:s0+$0xFFFFFF80]  }
0xb0: {  	s17 =	sshll.u32 s24, $0x4;
	v57 =	vld [tilespmem:s0+$0x80];
	v7 =	vmul.f32 v49, v3  }
0xb1: {  	[tilespmem:s17+$0x18480] =	vst.add.f32.msk $0xffff, v4;
	v9 =	vmul.f32 v9, v2  }
0xb2: {  	[tilespmem:s9+$0x8470] =	vst.add.f32.msk $0xffff, v7;
	s15 =	spop (v2sf)  }
0xb3: {  	s2 =	sshll.u32 s2, $0x4;
	[tilespmem:s31+$0x8470] =	vst.add.f32.msk $0xffff, v9;
	s1 =	ssub.s32 s15, s5  }
0xb4: {  	v58 =	vmul.f32 v54, v53;
	s31 =	sshll.u32 s30, $0x4;
	[tilespmem:s2+$0x18480] =	vst.add.f32.msk $0xffff, v3;
	s19 =	spop (v2sf);
	s10 =	smin.u32 s1, $0x200  }
0xb5: {  	[tilespmem:s31+$0x18480] =	vst.add.f32.msk $0xffff, v2;
	s1 =	ssub.s32 s19, s5;
	s15 =	sshll.u32 s10, $0x7  }
0xb6: {  	v3 =	vmul.f32 v56, v51;
	s20 =	spop (v2sf);
	s2 =	smin.u32 s1, $0x200;
	[tilespmem:s15+$0x8400] =	vst.add.f32.msk $0xffff, v58  }
0xb7: {  	s9 =	ssub.s32 s20, s5;
	s25 =	sshll.u32 s2, $0x7;
	v60 =	vld [tilespmem:s0+$0x10]  }
0xb8: {  	v59 =	vmul.f32 v55, v48;
	s24 =	spop (v2sf);
	s9 =	smin.u32 s9, $0x200;
	[tilespmem:s25+$0x8400] =	vst.add.f32.msk $0xffff, v3  }
0xb9: {  	s1 =	ssub.s32 s24, s5;
	s20 =	sshll.u32 s9, $0x7;
	v3 =	vld [tilespmem:s0+$0xFFFFFF90]  }
0xba: {  	v61 =	vmul.f32 v57, v1;
	s19 =	smin.u32 s1, $0x200;
	[tilespmem:s20+$0x8400] =	vst.add.f32.msk $0xffff, v59  }
0xbb: {  	s17 =	sshll.u32 s19, $0x7;
	v4 =	vld [tilespmem:s0+$0xFFFFFF10]  }
0xbc: {  	[tilespmem:s17+$0x8400] =	vst.add.f32.msk $0xffff, v61;
	v7 =	vmul.f32 v60, v53  }
0xbd: {  	v10 =	vld [tilespmem:s0+$0x90]  }
0xbe: {  	v3 =	vmul.f32 v3, v51;
	[tilespmem:s15+$0x8410] =	vst.add.f32.msk $0xffff, v7  }
0xbf: {  	v7 =	vld [tilespmem:s0+$0x20]  }
0xc0: {  	v2 =	vmul.f32 v4, v48;
	[tilespmem:s25+$0x8410] =	vst.add.f32.msk $0xffff, v3  }
0xc1: {  	v3 =	vld [tilespmem:s0+$0xFFFFFFA0]  }
0xc2: {  	v62 =	vmul.f32 v10, v1;
	[tilespmem:s20+$0x8410] =	vst.add.f32.msk $0xffff, v2  }
0xc3: {  	v2 =	vld [tilespmem:s0+$0xFFFFFF20]  }
0xc4: {  	[tilespmem:s17+$0x8410] =	vst.add.f32.msk $0xffff, v62;
	v7 =	vmul.f32 v7, v53  }
0xc5: {  	v4 =	vld [tilespmem:s0+$0xA0]  }
0xc6: {  	v3 =	vmul.f32 v3, v51;
	[tilespmem:s15+$0x8420] =	vst.add.f32.msk $0xffff, v7  }
0xc7: {  	v7 =	vld [tilespmem:s0+$0x30]  }
0xc8: {  	v2 =	vmul.f32 v2, v48;
	[tilespmem:s25+$0x8420] =	vst.add.f32.msk $0xffff, v3  }
0xc9: {  	v3 =	vld [tilespmem:s0+$0xFFFFFFB0]  }
0xca: {  	v4 =	vmul.f32 v4, v1;
	[tilespmem:s20+$0x8420] =	vst.add.f32.msk $0xffff, v2  }
0xcb: {  	v2 =	vld [tilespmem:s0+$0xFFFFFF30]  }
0xcc: {  	[tilespmem:s17+$0x8420] =	vst.add.f32.msk $0xffff, v4;
	v7 =	vmul.f32 v7, v53  }
0xcd: {  	v4 =	vld [tilespmem:s0+$0xB0]  }
0xce: {  	v3 =	vmul.f32 v3, v51;
	[tilespmem:s15+$0x8430] =	vst.add.f32.msk $0xffff, v7  }
0xcf: {  	v7 =	vld [tilespmem:s0+$0x40]  }
0xd0: {  	v2 =	vmul.f32 v2, v48;
	[tilespmem:s25+$0x8430] =	vst.add.f32.msk $0xffff, v3  }
0xd1: {  	v3 =	vld [tilespmem:s0+$0xFFFFFFC0]  }
0xd2: {  	v4 =	vmul.f32 v4, v1;
	[tilespmem:s20+$0x8430] =	vst.add.f32.msk $0xffff, v2  }
0xd3: {  	v2 =	vld [tilespmem:s0+$0xFFFFFF40]  }
0xd4: {  	[tilespmem:s17+$0x8430] =	vst.add.f32.msk $0xffff, v4;
	v7 =	vmul.f32 v7, v53  }
0xd5: {  	v4 =	vld [tilespmem:s0+$0xC0]  }
0xd6: {  	v3 =	vmul.f32 v3, v51;
	[tilespmem:s15+$0x8440] =	vst.add.f32.msk $0xffff, v7  }
0xd7: {  	v7 =	vld [tilespmem:s0+$0x50]  }
0xd8: {  	v2 =	vmul.f32 v2, v48;
	[tilespmem:s25+$0x8440] =	vst.add.f32.msk $0xffff, v3  }
0xd9: {  	v3 =	vld [tilespmem:s0+$0xFFFFFFD0]  }
0xda: {  	v4 =	vmul.f32 v4, v1;
	[tilespmem:s20+$0x8440] =	vst.add.f32.msk $0xffff, v2  }
0xdb: {  	v2 =	vld [tilespmem:s0+$0xFFFFFF50]  }
0xdc: {  	[tilespmem:s17+$0x8440] =	vst.add.f32.msk $0xffff, v4;
	v7 =	vmul.f32 v7, v53  }
0xdd: {  	v4 =	vld [tilespmem:s0+$0xD0]  }
0xde: {  	v3 =	vmul.f32 v3, v51;
	[tilespmem:s15+$0x8450] =	vst.add.f32.msk $0xffff, v7  }
0xdf: {  	v7 =	vld [tilespmem:s0+$0x60]  }
0xe0: {  	v2 =	vmul.f32 v2, v48;
	[tilespmem:s25+$0x8450] =	vst.add.f32.msk $0xffff, v3  }
0xe1: {  	v3 =	vld [tilespmem:s0+$0xFFFFFFE0]  }
0xe2: {  	v4 =	vmul.f32 v4, v1;
	[tilespmem:s20+$0x8450] =	vst.add.f32.msk $0xffff, v2  }
0xe3: {  	v2 =	vld [tilespmem:s0+$0xFFFFFF60]  }
0xe4: {  	[tilespmem:s17+$0x8450] =	vst.add.f32.msk $0xffff, v4;
	v7 =	vmul.f32 v7, v53  }
0xe5: {  	v4 =	vld [tilespmem:s0+$0xE0]  }
0xe6: {  	v3 =	vmul.f32 v3, v51;
	[tilespmem:s15+$0x8460] =	vst.add.f32.msk $0xffff, v7  }
0xe7: {  	v7 =	vld [tilespmem:s0+$0x70]  }
0xe8: {  	v2 =	vmul.f32 v2, v48;
	[tilespmem:s25+$0x8460] =	vst.add.f32.msk $0xffff, v3  }
0xe9: {  	v3 =	vld [tilespmem:s0+$0xFFFFFFF0]  }
0xea: {  	[tilespmem:s20+$0x8460] =	vst.add.f32.msk $0xffff, v2;
	v2 =	vmul.f32 v4, v1  }
0xeb: {  	v63 =	vld [tilespmem:s0+$0xFFFFFF70]  }
0xec: {  	[tilespmem:s17+$0x8460] =	vst.add.f32.msk $0xffff, v2;
	v7 =	vmul.f32 v7, v53  }
0xed: {  	v2 =	vld [tilespmem:s0+$0xF0]  }
0xee: {  	v3 =	vmul.f32 v3, v51;
	[tilespmem:s15+$0x8470] =	vst.add.f32.msk $0xffff, v7;
	s15 =	sshll.u32 s10, $0x4  }
0xef: {  	[tilespmem:s15+$0x18480] =	vst.add.f32.msk $0xffff, v53  }
0xf0: {  	[tilespmem:s25+$0x8470] =	vst.add.f32.msk $0xffff, v3;
	v3 =	vmul.f32 v63, v48;
	s25 =	sshll.u32 s2, $0x4  }
0xf1: {  	[tilespmem:s25+$0x18480] =	vst.add.f32.msk $0xffff, v51  }
0xf2: {  	s30 =	sshll.u32 s9, $0x4;
	v2 =	vmul.f32 v2, v1;
	[tilespmem:s20+$0x8470] =	vst.add.f32.msk $0xffff, v3  }
0xf3: {  	[tilespmem:s30+$0x18480] =	vst.add.f32.msk $0xffff, v48  }
0xf4: {  	s31 =	sshll.u32 s19, $0x4;
	[tilespmem:s17+$0x8470] =	vst.add.f32.msk $0xffff, v2  }
0xf5: {  	[tilespmem:s31+$0x18480] =	vst.add.f32.msk $0xffff, v1  }
.LBB2_20:
0xf6: {  	p0 =	sne.s32 s28, s29  }
.Ltmp5:
0xf7: {  	_ = 	snop;
	(pc) =	sbr.rel @!p0 .LBB2_21-.Ltmp5, $1  }
0xf8: {  	_ =	sdelay $0x3  }
.LBB2_9:
0xf9: {  	s0 =	sand.u32 $0x1, s28  }
0xfa: {  	p0 =	seq.s32 s0, $0x1  }
.Ltmp6:
0xfb: {  	_ = 	snop;
	(pc) =	sbr.rel @p0 .LBB2_15-.Ltmp6, $1  }
0xfc: {  	_ =	sdelay $0x3  }
0xfd: {  	s28 =	sor.u32 $0x1, s28  }
0xfe: {  	p0 =	sge.s32 s28, s29  }
.Ltmp7:
0xff: {  	_ = 	snop;
	(pc) =	sbr.rel @p0 .LBB2_12-.Ltmp7, $1  }
0x100: {  	_ =	sdelay $0x3  }
0x101: {  	s0 =	sadd.s32 s26, s28  }
0x102: {  	p0 =	slt.s32 s0, $0xFFF  }
0x103: {  	s0 =	simm.s32 @!p0 $0xFFF  }
0x104: {  	s0 =	sshll.u32 s0, $0x4  }
0x105: {  	s1 =	rddreg [dreg:$0x1];
	s0 =	sand.u32 $0x1FFFFFF0, s0  }
0x106: {  	s25 =	simm.s32 $0x4200;
	s2 =	sadd.s32 s1, s0  }
0x107: {  	[tilespmem:s25], [sflag:$0x3] =	stream.linear.gather [hbm4b:s2+s4], $0x80, $0x38;
	[tilespmem:$0x1A4A0] =	vst v63  }
0x108: {  	_ =	swait.ge [sflag:s12], $0x80  }
0x109: {  	[sflag:s12] =	ssyncset.done $0x0  }
0x10a: {  	s0 =	sadd.s32 s3, s0;
	[sflag:s12] =	ssyncadd.s32 $0xFFFFFF80  }
0x10b: {  	[tilespmem:s18], [sflag:$0x3] =	stream.linear.gather [hbm4b:s0+s4], $0x80, $0x38;
	[tilespmem:$0x1A4A0] =	vst v63  }
0x10c: {  	_ =	swait.ge [sflag:s12], $0x80  }
0x10d: {  	[sflag:s12] =	ssyncset.done $0x0  }
0x10e: {  	[sflag:s12] =	ssyncadd.s32 $0xFFFFFF80  }
0x10f: {  	v1 =	vld [tilespmem:$0x4300]  }
0x110: {  	v2 =	vld [tilespmem:$0x4200]  }
0x111: {  	v3 =	vld [tilespmem:$0x4310]  }
0x112: {  	v4 =	vld [tilespmem:$0x4210]  }
0x113: {  	v5 =	vld [tilespmem:$0x4320]  }
0x114: {  	v6 =	vld [tilespmem:$0x4220]  }
0x115: {  	v7 =	vld [tilespmem:$0x4330]  }
0x116: {  	v8 =	vld [tilespmem:$0x4230]  }
0x117: {  	v9 =	vld [tilespmem:$0x4340]  }
0x118: {  	v10 =	vld [tilespmem:$0x4240]  }
0x119: {  	v11 =	vld [tilespmem:$0x4350];
	v1 =	vand.u32 $0x3, v1  }
0x11a: {  	v12 =	vld [tilespmem:$0x4360];
	v3 =	vand.u32 $0x3, v3;
	v1 =	vmul.u32 $0x186A0, v1  }
0x11b: {  	v13 =	vld [tilespmem:$0x4370];
	v5 =	vand.u32 $0x3, v5;
	v3 =	vmul.u32 $0x186A0, v3  }
0x11c: {  	v57 =	vld [tilespmem:$0x4250];
	v56 =	vand.u32 $0x3, v7;
	v1 =	vadd.s32 v2, v1;
	v2 =	vmul.u32 $0x186A0, v5  }
0x11d: {  	v59 =	vld [tilespmem:$0x4260];
	v58 =	vand.u32 $0x3, v9;
	[tilespmem:$0x4280] =	vst v1;
	v1 =	vadd.s32 v4, v3;
	v3 =	vmul.u32 $0x186A0, v56  }
0x11e: {  	v61 =	vld [tilespmem:$0x4270];
	v60 =	vand.u32 $0x3, v11;
	[tilespmem:$0x4290] =	vst v1;
	v1 =	vadd.s32 v6, v2;
	v2 =	vmul.u32 $0x186A0, v58  }
0x11f: {  	v62 =	vand.u32 $0x3, v12;
	[tilespmem:$0x42A0] =	vst v1;
	v1 =	vadd.s32 v8, v3;
	v3 =	vmul.u32 $0x186A0, v60  }
0x120: {  	v63 =	vand.u32 $0x3, v13;
	[tilespmem:$0x42B0] =	vst v1;
	v1 =	vadd.s32 v10, v2;
	v2 =	vmul.u32 $0x186A0, v62  }
0x121: {  	[tilespmem:$0x42C0] =	vst v1;
	v1 =	vadd.s32 v57, v3;
	v3 =	vmul.u32 $0x186A0, v63  }
0x122: {  	[tilespmem:$0x42D0] =	vst v1;
	v1 =	vadd.s32 v59, v2  }
0x123: {  	[tilespmem:$0x42E0] =	vst v1;
	v1 =	vadd.s32 v61, v3  }
0x124: {  	s30 =	simm.s32 $0x4400;
	[tilespmem:$0x42F0] =	vst v1  }
0x125: {  	[tilespmem:s30], [sflag:$0x2] =	stream.indirect.gather [hbm4b:s6+s14], $0x80, s25, s14, $0xb8;
	[tilespmem:$0x1A4A0] =	vst v63  }
0x126: {  	s31 =	simm.s32 $0x4280  }
0x127: {  	[tilespmem:s21], [sflag:$0x2] =	stream.indirect.gather [hbm4b:s7+s14], $0x1, s31, s14, $0xb8;
	[tilespmem:$0x1A4A0] =	vst v63  }
.LBB2_12:
0x128: {  	_ =	swait.ge [sflag:s22], $0x4000  }
0x129: {  	[sflag:s22] =	ssyncset.done $0x0  }
0x12a: {  	[sflag:s22] =	ssyncadd.s32 $0xFFFFC000  }
0x12b: {  	_ =	swait.ge [sflag:s22], $0x80  }
0x12c: {  	[sflag:s22] =	ssyncset.done $0x0  }
0x12d: {  	[sflag:s22] =	ssyncadd.s32 $0xFFFFFF80  }
0x12e: {  	v1 =	vld [tilespmem:$0x180]  }
0x12f: {  	v2 =	vld [tilespmem:$0x190]  }
0x130: {  	v3 =	vld [tilespmem:$0x1A0]  }
0x131: {  	v4 =	vld [tilespmem:$0x1B0];
	_ =	sdelay $0x1  }
0x132: {  	v5 =	vld [tilespmem:$0x1C0];
	v1 =	vmul.f32 $1.442695020e+00, v1  }
0x133: {  	v6 =	vld [tilespmem:$0x1D0];
	v2 =	vmul.f32 $1.442695020e+00, v2  }
0x134: {  	v7 =	vld [tilespmem:$0x1E0];
	(erf) = vpow2.f32 v1;
	v1 =	vmul.f32 $1.442695020e+00, v3  }
0x135: {  	v3 =	vld [tilespmem:$0x1F0];
	(erf) = vpow2.f32 v2;
	v2 =	vmul.f32 $1.442695020e+00, v4  }
0x136: {  	(erf) = vpow2.f32 v1  }
0x137: {  	v1 =	vmul.f32 $1.442695020e+00, v5;
	(erf) = vpow2.f32 v2  }
0x138: {  	v2 =	vmul.f32 $1.442695020e+00, v6  }
0x139: {  	(erf) = vpow2.f32 v1;
	v1 =	vmul.f32 $1.442695020e+00, v7  }
0x13a: {  	(erf) = vpow2.f32 v2;
	v2 =	vmul.f32 $1.442695020e+00, v3  }
0x13b: {  	(erf) = vpow2.f32 v1  }
0x13c: {  	(erf) = vpow2.f32 v2  }
0x13d: {  	v1 =	vpop (erf)  }
0x13e: {  	s0 =	simm.s32 $0x2;
	v2 =	vpop (erf);
	[tilespmem:$0x180] =	vst v1  }
0x13f: {  	s17 =	simm.s32 $0x1;
	v1 =	vmov s0;
	v3 =	vpop (erf);
	[tilespmem:$0x190] =	vst v2  }
0x140: {  	s2 =	simm.s32 $0x0;
	v1 =	vand.u32 $0xFFFFFFFE, v1;
	v2 =	vpop (erf);
	[tilespmem:$0x1A0] =	vst v3;
	v3 =	vmov s17  }
0x141: {  	v1 =	vbroadcast v1, $0x0;
	[tilespmem:$0x1B0] =	vst v2;
	v2 =	vmov s2;
	v3 =	vand.u32 $0xFFFFFFFD, v3  }
0x142: {  	v4 =	vpop (erf);
	v2 =	vand.u32 $0xFFFFFFFC, v2  }
0x143: {  	v5 =	vpop (erf);
	[tilespmem:$0x1C0] =	vst v4;
	v4 =	vbroadcast v3, $0x0  }
0x144: {  	[tilespmem:$0x1D0] =	vst v5;
	v5 =	vbroadcast v2, $0x0;
	v3 =	vpop (erf)  }
0x145: {  	[tilespmem:$0x1E0] =	vst v3;
	v2 =	vpop (erf)  }
0x146: {  	[tilespmem:$0x1F0] =	vst v2  }
0x147: {  	s19 =	simm.s32 $0x3;
	v3 =	vld.idx.msk [tilespmem:v1+s13+$0x0], $0xffff  }
0x148: {  	v2 =	vmov s19  }
0x149: {  	v6 =	vld.idx.msk [tilespmem:v4+s13+$0x0], $0xffff  }
0x14a: {  	v7 =	vld.idx.msk [tilespmem:v5+s13+$0x0], $0xffff;
	_ =	sdelay $0x1  }
0x14b: {  	(v2sf) =	vpush v3, $0x0  }
0x14c: {  	v8 =	vld.idx.msk [tilespmem:v2+s13+$0x0], $0xffff  }
0x14d: {  	(v2sf) =	vpush v6, $0x0  }
0x14e: {  	(v2sf) =	vpush v7, $0x0;
	_ =	sdelay $0x2  }
0x14f: {  	(v2sf) =	vpush v8, $0x0;
	_ =	sdelay $0x3  }
0x150: {  	v3 =	vld.idx.msk [tilespmem:v5+s16+$0x0], $0xffff  }
0x151: {  	s0 =	simm.s32 $0x300;
	v5 =	vld.idx.msk [tilespmem:v1+s16+$0x0], $0xffff  }
0x152: {  	v1 =	vld [tilespmem:s0+$0x0]  }
0x153: {  	v4 =	vld.idx.msk [tilespmem:v4+s16+$0x0], $0xffff  }
0x154: {  	v6 =	vld [tilespmem:s0+$0xFFFFFF80]  }
0x155: {  	v7 =	vld [tilespmem:s0+$0xFFFFFF00];
	s20 =	spop (v2sf)  }
0x156: {  	s2 =	ssub.s32 s20, s5  }
0x157: {  	v2 =	vld.idx.msk [tilespmem:v2+s16+$0x0], $0xffff;
	v1 =	vmul.f32 v1, v5;
	s24 =	spop (v2sf);
	s19 =	smin.u32 s2, $0x200  }
0x158: {  	v8 =	vld [tilespmem:s0+$0x80];
	s2 =	ssub.s32 s24, s5;
	s9 =	spop (v2sf);
	s20 =	sshll.u32 s19, $0x7  }
0x159: {  	v6 =	vmul.f32 v6, v4;
	s9 =	ssub.s32 s9, s5;
	s24 =	smin.u32 s2, $0x200;
	[tilespmem:s20+$0x8400] =	vst.add.f32.msk $0xffff, v1  }
0x15a: {  	v1 =	vmul.f32 v7, v3;
	s2 =	smin.u32 s9, $0x200;
	s10 =	sshll.u32 s24, $0x7;
	v7 =	vld [tilespmem:s0+$0x10]  }
0x15b: {  	s15 =	spop (v2sf);
	s9 =	sshll.u32 s2, $0x7;
	[tilespmem:s10+$0x8400] =	vst.add.f32.msk $0xffff, v6  }
0x15c: {  	s15 =	ssub.s32 s15, s5;
	[tilespmem:s9+$0x8400] =	vst.add.f32.msk $0xffff, v1  }
0x15d: {  	v8 =	vmul.f32 v8, v2;
	s30 =	smin.u32 s15, $0x200;
	v1 =	vld [tilespmem:s0+$0xFFFFFF90]  }
0x15e: {  	s31 =	sshll.u32 s30, $0x7;
	v6 =	vld [tilespmem:s0+$0xFFFFFF10]  }
0x15f: {  	[tilespmem:s31+$0x8400] =	vst.add.f32.msk $0xffff, v8;
	v7 =	vmul.f32 v7, v5  }
0x160: {  	v8 =	vld [tilespmem:s0+$0x90]  }
0x161: {  	[tilespmem:s20+$0x8410] =	vst.add.f32.msk $0xffff, v7  }
0x162: {  	v7 =	vld [tilespmem:s0+$0x20]  }
0x163: {  	v1 =	vmul.f32 v1, v4;
	_ =	sdelay $0x1  }
0x164: {  	v6 =	vmul.f32 v6, v3;
	[tilespmem:s10+$0x8410] =	vst.add.f32.msk $0xffff, v1  }
0x165: {  	v1 =	vmul.f32 v8, v2;
	v8 =	vld [tilespmem:s0+$0xFFFFFFA0]  }
0x166: {  	[tilespmem:s9+$0x8410] =	vst.add.f32.msk $0xffff, v6;
	v6 =	vmul.f32 v7, v5  }
0x167: {  	s25 =	simm.s32 $0x7;
	v10 =	vld [tilespmem:s0+$0xFFFFFF20]  }
0x168: {  	v7 =	vmov s25;
	[tilespmem:s20+$0x8420] =	vst.add.f32.msk $0xffff, v6  }
0x169: {  	v9 =	vld [tilespmem:s0+$0x30]  }
0x16a: {  	[tilespmem:s31+$0x8410] =	vst.add.f32.msk $0xffff, v1;
	v8 =	vmul.f32 v8, v4  }
0x16b: {  	v11 =	vld [tilespmem:s0+$0xA0]  }
0x16c: {  	[tilespmem:s10+$0x8420] =	vst.add.f32.msk $0xffff, v8  }
0x16d: {  	v1 =	vld.idx.msk [tilespmem:v7+s16+$0x0], $0xffff  }
0x16e: {  	v6 =	vld.idx.msk [tilespmem:v7+s13+$0x0], $0xffff;
	v7 =	vmul.f32 v9, v5  }
0x16f: {  	v8 =	vld [tilespmem:s0+$0xFFFFFFB0]  }
0x170: {  	v9 =	vmul.f32 v10, v3;
	[tilespmem:s20+$0x8430] =	vst.add.f32.msk $0xffff, v7  }
0x171: {  	s1 =	simm.s32 $0x4;
	v7 =	vmul.f32 v11, v2;
	v10 =	vld [tilespmem:s0+$0x40]  }
0x172: {  	v11 =	vmov s1;
	[tilespmem:s9+$0x8420] =	vst.add.f32.msk $0xffff, v9  }
0x173: {  	v9 =	vand.u32 $0xFFFFFFFC, v11;
	[tilespmem:s31+$0x8420] =	vst.add.f32.msk $0xffff, v7  }
0x174: {  	v8 =	vmul.f32 v8, v4;
	v7 =	vbroadcast v9, $0x0;
	v9 =	vld [tilespmem:s0+$0xFFFFFF30]  }
0x175: {  	v11 =	vld [tilespmem:s0+$0xB0]  }
0x176: {  	[tilespmem:s10+$0x8430] =	vst.add.f32.msk $0xffff, v8;
	v8 =	vmul.f32 v10, v5  }
0x177: {  	v10 =	vld [tilespmem:s0+$0xFFFFFFC0]  }
0x178: {  	[tilespmem:s20+$0x8440] =	vst.add.f32.msk $0xffff, v8  }
0x179: {  	v8 =	vmul.f32 v9, v3;
	v12 =	vld [tilespmem:s0+$0x50]  }
0x17a: {  	s17 =	simm.s32 $0x5;
	v9 =	vld.idx.msk [tilespmem:v7+s13+$0x0], $0xffff;
	v11 =	vmul.f32 v11, v2  }
0x17b: {  	v13 =	vmov s17;
	[tilespmem:s9+$0x8430] =	vst.add.f32.msk $0xffff, v8  }
0x17c: {  	v8 =	vand.u32 $0xFFFFFFFD, v13;
	[tilespmem:s31+$0x8430] =	vst.add.f32.msk $0xffff, v11  }
0x17d: {  	v10 =	vmul.f32 v10, v4;
	v8 =	vbroadcast v8, $0x0;
	v13 =	vld [tilespmem:s0+$0xFFFFFF40]  }
0x17e: {  	v14 =	vld [tilespmem:s0+$0xC0];
	v11 =	vmul.f32 v12, v5  }
0x17f: {  	[tilespmem:s10+$0x8440] =	vst.add.f32.msk $0xffff, v10  }
0x180: {  	[tilespmem:s20+$0x8450] =	vst.add.f32.msk $0xffff, v11  }
0x181: {  	v11 =	vld [tilespmem:s0+$0x60]  }
0x182: {  	s25 =	simm.s32 $0x6;
	v12 =	vld [tilespmem:s0+$0xFFFFFFD0];
	v13 =	vmul.f32 v13, v3  }
0x183: {  	s15 =	simm.s32 $0x8;
	v15 =	vmov s25;
	v14 =	vmul.f32 v14, v2;
	v10 =	vld.idx.msk [tilespmem:v8+s13+$0x0], $0xffff  }
.LBB2_13:
0x184: {  	p0 =	slt.u32 s15, $0x7C;
	v15 =	vand.u32 $0xFFFFFFFE, v15;
	[tilespmem:s9+$0x8440] =	vst.add.f32.msk $0xffff, v13  }
0x185: {  	v13 =	vbroadcast v15, $0x0;
	[tilespmem:s31+$0x8440] =	vst.add.f32.msk $0xffff, v14  }
0x186: {  	v14 =	vld [tilespmem:s0+$0xFFFFFF50];
	v11 =	vmul.f32 v11, v5  }
0x187: {  	v12 =	vmul.f32 v12, v4;
	v15 =	vld [tilespmem:s0+$0xD0]  }
0x188: {  	[tilespmem:s20+$0x8460] =	vst.add.f32.msk $0xffff, v11  }
0x189: {  	v11 =	vld [tilespmem:s0+$0x70]  }
0x18a: {  	[tilespmem:s10+$0x8450] =	vst.add.f32.msk $0xffff, v12  }
0x18b: {  	v12 =	vld.idx.msk [tilespmem:v13+s13+$0x0], $0xffff;
	v14 =	vmul.f32 v14, v3  }
0x18c: {  	v16 =	vld [tilespmem:s0+$0xFFFFFFE0];
	v15 =	vmul.f32 v15, v2  }
0x18d: {  	[tilespmem:s9+$0x8450] =	vst.add.f32.msk $0xffff, v14  }
0x18e: {  	v11 =	vmul.f32 v11, v5;
	[tilespmem:s31+$0x8450] =	vst.add.f32.msk $0xffff, v15  }
0x18f: {  	v14 =	vld [tilespmem:s0+$0xFFFFFF60]  }
0x190: {  	s17 =	sshll.u32 s19, $0x4;
	[tilespmem:s20+$0x8470] =	vst.add.f32.msk $0xffff, v11  }
0x191: {  	(v2sf) =	vpush v12, $0x0;
	v11 =	vmul.f32 v16, v4;
	[tilespmem:s17+$0x18480] =	vst.add.f32.msk $0xffff, v5  }
0x192: {  	v5 =	vld [tilespmem:s0+$0xE0]  }
0x193: {  	(v2sf) =	vpush v10, $0x0;
	[tilespmem:s10+$0x8460] =	vst.add.f32.msk $0xffff, v11  }
0x194: {  	(v2sf) =	vpush v9, $0x0;
	v9 =	vmul.f32 v14, v3;
	v10 =	vld [tilespmem:s0+$0xFFFFFFF0]  }
0x195: {  	v7 =	vld.idx.msk [tilespmem:v7+s16+$0x0], $0xffff;
	(v2sf) =	vpush v6, $0x0  }
0x196: {  	[tilespmem:s9+$0x8460] =	vst.add.f32.msk $0xffff, v9  }
0x197: {  	v6 =	vld [tilespmem:s0+$0xFFFFFF70];
	v5 =	vmul.f32 v5, v2  }
0x198: {  	v8 =	vld.idx.msk [tilespmem:v8+s16+$0x0], $0xffff  }
0x199: {  	v9 =	vmul.f32 v10, v4;
	[tilespmem:s31+$0x8460] =	vst.add.f32.msk $0xffff, v5  }
0x19a: {  	v10 =	vld [tilespmem:s0+$0xF0]  }
0x19b: {  	[tilespmem:s10+$0x8470] =	vst.add.f32.msk $0xffff, v9  }
0x19c: {  	s0 =	sadd.s32 $0x200, s0;
	v5 =	vld.idx.msk [tilespmem:v13+s16+$0x0], $0xffff;
	v6 =	vmul.f32 v6, v3  }
0x19d: {  	v9 =	vld [tilespmem:s0+$0x0]  }
0x19e: {  	v11 =	vld [tilespmem:s0+$0xFFFFFF00]  }
0x19f: {  	v12 =	vld [tilespmem:s0+$0xFFFFFF80];
	v10 =	vmul.f32 v10, v2  }
0x1a0: {  	s17 =	sshll.u32 s24, $0x4;
	v13 =	vld [tilespmem:s0+$0x80];
	s10 =	spop (v2sf)  }
0x1a1: {  	s10 =	ssub.s32 s10, s5;
	[tilespmem:s17+$0x18480] =	vst.add.f32.msk $0xffff, v4;
	v4 =	vmov v8  }
0x1a2: {  	s2 =	sshll.u32 s2, $0x4;
	s19 =	smin.u32 s10, $0x200;
	v8 =	vmul.f32 v9, v5;
	s10 =	spop (v2sf);
	[tilespmem:s9+$0x8470] =	vst.add.f32.msk $0xffff, v6  }
0x1a3: {  	v6 =	vmul.f32 v11, v7;
	s9 =	ssub.s32 s10, s5;
	s20 =	sshll.u32 s19, $0x7;
	s10 =	spop (v2sf);
	[tilespmem:s2+$0x18480] =	vst.add.f32.msk $0xffff, v3;
	v3 =	vmov v7  }
0x1a4: {  	s2 =	ssub.s32 s10, s5;
	s24 =	smin.u32 s9, $0x200;
	v7 =	vmul.f32 v12, v4;
	[tilespmem:s20+$0x8400] =	vst.add.f32.msk $0xffff, v8;
	s9 =	spop (v2sf)  }
0x1a5: {  	s2 =	smin.u32 s2, $0x200;
	s10 =	sshll.u32 s24, $0x7;
	v8 =	vld [tilespmem:s0+$0x10];
	s17 =	ssub.s32 s9, s5;
	v9 =	vmul.f32 v13, v1  }
0x1a6: {  	s9 =	sshll.u32 s2, $0x7;
	[tilespmem:s10+$0x8400] =	vst.add.f32.msk $0xffff, v7;
	s17 =	smin.u32 s17, $0x200  }
0x1a7: {  	[tilespmem:s9+$0x8400] =	vst.add.f32.msk $0xffff, v6;
	s1 =	sshll.u32 s17, $0x7  }
0x1a8: {  	[tilespmem:s1+$0x8400] =	vst.add.f32.msk $0xffff, v9  }
0x1a9: {  	v6 =	vld [tilespmem:s0+$0xFFFFFF90]  }
0x1aa: {  	v7 =	vld [tilespmem:s0+$0xFFFFFF10];
	v8 =	vmul.f32 v8, v5  }
0x1ab: {  	v9 =	vld [tilespmem:s0+$0x90]  }
0x1ac: {  	[tilespmem:s20+$0x8410] =	vst.add.f32.msk $0xffff, v8  }
0x1ad: {  	v8 =	vld [tilespmem:s0+$0x20]  }
0x1ae: {  	s25 =	sshll.u32 s30, $0x4;
	s30 =	smov.u32 s17;
	v6 =	vmul.f32 v6, v4;
	[tilespmem:s31+$0x8470] =	vst.add.f32.msk $0xffff, v10;
	s31 =	smov.u32 s1  }
0x1af: {  	v7 =	vmul.f32 v7, v3;
	[tilespmem:s25+$0x18480] =	vst.add.f32.msk $0xffff, v2;
	v2 =	vmov v1  }
0x1b0: {  	[tilespmem:s10+$0x8410] =	vst.add.f32.msk $0xffff, v6;
	v1 =	vmul.f32 v9, v2  }
0x1b1: {  	[tilespmem:s9+$0x8410] =	vst.add.f32.msk $0xffff, v7  }
0x1b2: {  	s1 =	sadd.s32 $0x3, s15;
	v6 =	vmul.f32 v8, v5;
	[tilespmem:s31+$0x8410] =	vst.add.f32.msk $0xffff, v1  }
0x1b3: {  	v7 =	vmov s1;
	v8 =	vld [tilespmem:s0+$0xFFFFFFA0]  }
0x1b4: {  	[tilespmem:s20+$0x8420] =	vst.add.f32.msk $0xffff, v6  }
0x1b5: {  	v9 =	vld [tilespmem:s0+$0x30]  }
0x1b6: {  	v10 =	vld [tilespmem:s0+$0xFFFFFF20]  }
0x1b7: {  	v11 =	vld [tilespmem:s0+$0xA0]  }
0x1b8: {  	v1 =	vld.idx.msk [tilespmem:v7+s16+$0x0], $0xffff;
	v8 =	vmul.f32 v8, v4  }
0x1b9: {  	v6 =	vld.idx.msk [tilespmem:v7+s13+$0x0], $0xffff  }
0x1ba: {  	[tilespmem:s10+$0x8420] =	vst.add.f32.msk $0xffff, v8;
	v7 =	vmul.f32 v9, v5  }
0x1bb: {  	v8 =	vmul.f32 v10, v3;
	v9 =	vld [tilespmem:s0+$0xFFFFFFB0]  }
0x1bc: {  	[tilespmem:s20+$0x8430] =	vst.add.f32.msk $0xffff, v7;
	v7 =	vmul.f32 v11, v2  }
0x1bd: {  	v10 =	vld [tilespmem:s0+$0x40]  }
0x1be: {  	v11 =	vmov s15;
	[tilespmem:s9+$0x8420] =	vst.add.f32.msk $0xffff, v8  }
0x1bf: {  	v8 =	vand.u32 $0xFFFFFFFC, v11;
	[tilespmem:s31+$0x8420] =	vst.add.f32.msk $0xffff, v7  }
0x1c0: {  	v7 =	vbroadcast v8, $0x0;
	v8 =	vld [tilespmem:s0+$0xFFFFFF30];
	v9 =	vmul.f32 v9, v4  }
0x1c1: {  	v11 =	vld [tilespmem:s0+$0xB0]  }
0x1c2: {  	[tilespmem:s10+$0x8430] =	vst.add.f32.msk $0xffff, v9;
	v9 =	vmul.f32 v10, v5  }
0x1c3: {  	v10 =	vld [tilespmem:s0+$0xFFFFFFC0]  }
0x1c4: {  	[tilespmem:s20+$0x8440] =	vst.add.f32.msk $0xffff, v9  }
0x1c5: {  	v8 =	vmul.f32 v8, v3;
	v12 =	vld [tilespmem:s0+$0x50]  }
0x1c6: {  	s1 =	sadd.s32 $0x1, s15;
	v9 =	vld.idx.msk [tilespmem:v7+s13+$0x0], $0xffff;
	v11 =	vmul.f32 v11, v2  }
0x1c7: {  	v13 =	vmov s1;
	[tilespmem:s9+$0x8430] =	vst.add.f32.msk $0xffff, v8  }
0x1c8: {  	v8 =	vand.u32 $0xFFFFFFFD, v13;
	v10 =	vmul.f32 v10, v4;
	[tilespmem:s31+$0x8430] =	vst.add.f32.msk $0xffff, v11  }
0x1c9: {  	v8 =	vbroadcast v8, $0x0;
	v13 =	vld [tilespmem:s0+$0xFFFFFF40]  }
0x1ca: {  	v11 =	vmul.f32 v12, v5;
	v14 =	vld [tilespmem:s0+$0xC0]  }
.Ltmp8:
0x1cb: {  	[tilespmem:s10+$0x8440] =	vst.add.f32.msk $0xffff, v10;
	(pc) =	sbr.rel @p0 .LBB2_13-.Ltmp8, $4  }
0x1cc: {  	[tilespmem:s20+$0x8450] =	vst.add.f32.msk $0xffff, v11  }
0x1cd: {  	v11 =	vld [tilespmem:s0+$0x60]  }
0x1ce: {  	s1 =	sadd.s32 $0x2, s15;
	v13 =	vmul.f32 v13, v3;
	v12 =	vld [tilespmem:s0+$0xFFFFFFD0]  }
0x1cf: {  	v15 =	vmov s1;
	s15 =	sadd.s32 $0x4, s15;
	v10 =	vld.idx.msk [tilespmem:v8+s13+$0x0], $0xffff;
	v14 =	vmul.f32 v14, v2  }
0x1d0: {  	_ =	sdelay $0x2  }
0x1d1: {  	[tilespmem:s9+$0x8440] =	vst.add.f32.msk $0xffff, v13  }
0x1d2: {  	v48 =	vld.idx.msk [tilespmem:v7+s16+$0x0], $0xffff  }
0x1d3: {  	v51 =	vld.idx.msk [tilespmem:v8+s16+$0x0], $0xffff  }
0x1d4: {  	v15 =	vand.u32 $0xFFFFFFFE, v15;
	[tilespmem:s31+$0x8440] =	vst.add.f32.msk $0xffff, v14  }
0x1d5: {  	v40 =	vbroadcast v15, $0x0;
	v41 =	vld [tilespmem:s0+$0xFFFFFF50];
	v11 =	vmul.f32 v11, v5  }
0x1d6: {  	v42 =	vld [tilespmem:s0+$0xD0]  }
0x1d7: {  	v12 =	vmul.f32 v12, v4;
	[tilespmem:s20+$0x8460] =	vst.add.f32.msk $0xffff, v11  }
0x1d8: {  	v11 =	vld [tilespmem:s0+$0x70]  }
0x1d9: {  	[tilespmem:s10+$0x8450] =	vst.add.f32.msk $0xffff, v12  }
0x1da: {  	v16 =	vld [tilespmem:s0+$0xFFFFFFE0]  }
0x1db: {  	v14 =	vmul.f32 v41, v3;
	v43 =	vld.idx.msk [tilespmem:v40+s13+$0x0], $0xffff  }
0x1dc: {  	v53 =	vld.idx.msk [tilespmem:v40+s16+$0x0], $0xffff  }
0x1dd: {  	v15 =	vmul.f32 v42, v2;
	[tilespmem:s9+$0x8450] =	vst.add.f32.msk $0xffff, v14  }
0x1de: {  	v14 =	vld [tilespmem:s0+$0xFFFFFF60]  }
0x1df: {  	[tilespmem:s31+$0x8450] =	vst.add.f32.msk $0xffff, v15;
	v11 =	vmul.f32 v11, v5  }
0x1e0: {  	v45 =	vld [tilespmem:s0+$0xE0];
	(v2sf) =	vpush v43, $0x0  }
0x1e1: {  	s1 =	sshll.u32 s19, $0x4;
	v44 =	vmul.f32 v16, v4;
	[tilespmem:s20+$0x8470] =	vst.add.f32.msk $0xffff, v11  }
0x1e2: {  	[tilespmem:s1+$0x18480] =	vst.add.f32.msk $0xffff, v5;
	(v2sf) =	vpush v10, $0x0  }
0x1e3: {  	[tilespmem:s10+$0x8460] =	vst.add.f32.msk $0xffff, v44;
	v46 =	vmul.f32 v14, v3  }
0x1e4: {  	(v2sf) =	vpush v9, $0x0;
	v47 =	vld [tilespmem:s0+$0xFFFFFFF0]  }
0x1e5: {  	v50 =	vmul.f32 v45, v2;
	[tilespmem:s9+$0x8460] =	vst.add.f32.msk $0xffff, v46  }
0x1e6: {  	(v2sf) =	vpush v6, $0x0;
	v49 =	vld [tilespmem:s0+$0xFFFFFF70]  }
0x1e7: {  	[tilespmem:s31+$0x8460] =	vst.add.f32.msk $0xffff, v50  }
0x1e8: {  	v9 =	vld [tilespmem:s0+$0xF0];
	s0 =	sadd.s32 $0x200, s0  }
0x1e9: {  	v54 =	vld [tilespmem:s0+$0x0]  }
0x1ea: {  	v55 =	vld [tilespmem:s0+$0xFFFFFF00]  }
0x1eb: {  	v52 =	vmul.f32 v47, v4;
	v56 =	vld [tilespmem:s0+$0xFFFFFF80]  }
0x1ec: {  	v57 =	vld [tilespmem:s0+$0x80]  }
0x1ed: {  	s19 =	sshll.u32 s24, $0x4;
	[tilespmem:s10+$0x8470] =	vst.add.f32.msk $0xffff, v52;
	v7 =	vmul.f32 v49, v3  }
0x1ee: {  	[tilespmem:s19+$0x18480] =	vst.add.f32.msk $0xffff, v4  }
0x1ef: {  	s2 =	sshll.u32 s2, $0x4;
	v9 =	vmul.f32 v9, v2;
	[tilespmem:s9+$0x8470] =	vst.add.f32.msk $0xffff, v7;
	s17 =	spop (v2sf)  }
0x1f0: {  	[tilespmem:s2+$0x18480] =	vst.add.f32.msk $0xffff, v3;
	s1 =	ssub.s32 s17, s5  }
0x1f1: {  	v58 =	vmul.f32 v54, v53;
	[tilespmem:s31+$0x8470] =	vst.add.f32.msk $0xffff, v9;
	s31 =	sshll.u32 s30, $0x4;
	s20 =	spop (v2sf);
	s10 =	smin.u32 s1, $0x200  }
0x1f2: {  	[tilespmem:s31+$0x18480] =	vst.add.f32.msk $0xffff, v2;
	s1 =	ssub.s32 s20, s5;
	s15 =	sshll.u32 s10, $0x7  }
0x1f3: {  	v3 =	vmul.f32 v56, v51;
	s24 =	spop (v2sf);
	s2 =	smin.u32 s1, $0x200;
	[tilespmem:s15+$0x8400] =	vst.add.f32.msk $0xffff, v58  }
0x1f4: {  	s9 =	ssub.s32 s24, s5;
	s17 =	sshll.u32 s2, $0x7;
	v60 =	vld [tilespmem:s0+$0x10]  }
0x1f5: {  	v59 =	vmul.f32 v55, v48;
	s25 =	spop (v2sf);
	s9 =	smin.u32 s9, $0x200;
	[tilespmem:s17+$0x8400] =	vst.add.f32.msk $0xffff, v3  }
0x1f6: {  	s1 =	ssub.s32 s25, s5;
	s20 =	sshll.u32 s9, $0x7;
	v3 =	vld [tilespmem:s0+$0xFFFFFF90]  }
0x1f7: {  	v61 =	vmul.f32 v57, v1;
	s19 =	smin.u32 s1, $0x200;
	[tilespmem:s20+$0x8400] =	vst.add.f32.msk $0xffff, v59  }
0x1f8: {  	s24 =	sshll.u32 s19, $0x7;
	v4 =	vld [tilespmem:s0+$0xFFFFFF10]  }
0x1f9: {  	[tilespmem:s24+$0x8400] =	vst.add.f32.msk $0xffff, v61;
	v7 =	vmul.f32 v60, v53  }
0x1fa: {  	v10 =	vld [tilespmem:s0+$0x90]  }
0x1fb: {  	v3 =	vmul.f32 v3, v51;
	[tilespmem:s15+$0x8410] =	vst.add.f32.msk $0xffff, v7  }
0x1fc: {  	v7 =	vld [tilespmem:s0+$0x20]  }
0x1fd: {  	v2 =	vmul.f32 v4, v48;
	[tilespmem:s17+$0x8410] =	vst.add.f32.msk $0xffff, v3  }
0x1fe: {  	v3 =	vld [tilespmem:s0+$0xFFFFFFA0]  }
0x1ff: {  	v62 =	vmul.f32 v10, v1;
	[tilespmem:s20+$0x8410] =	vst.add.f32.msk $0xffff, v2  }
0x200: {  	v2 =	vld [tilespmem:s0+$0xFFFFFF20]  }
0x201: {  	[tilespmem:s24+$0x8410] =	vst.add.f32.msk $0xffff, v62;
	v7 =	vmul.f32 v7, v53  }
0x202: {  	v4 =	vld [tilespmem:s0+$0xA0]  }
0x203: {  	v3 =	vmul.f32 v3, v51;
	[tilespmem:s15+$0x8420] =	vst.add.f32.msk $0xffff, v7  }
0x204: {  	v7 =	vld [tilespmem:s0+$0x30]  }
0x205: {  	v2 =	vmul.f32 v2, v48;
	[tilespmem:s17+$0x8420] =	vst.add.f32.msk $0xffff, v3  }
0x206: {  	v3 =	vld [tilespmem:s0+$0xFFFFFFB0]  }
0x207: {  	v4 =	vmul.f32 v4, v1;
	[tilespmem:s20+$0x8420] =	vst.add.f32.msk $0xffff, v2  }
0x208: {  	v2 =	vld [tilespmem:s0+$0xFFFFFF30]  }
0x209: {  	[tilespmem:s24+$0x8420] =	vst.add.f32.msk $0xffff, v4;
	v7 =	vmul.f32 v7, v53  }
0x20a: {  	v4 =	vld [tilespmem:s0+$0xB0]  }
0x20b: {  	v3 =	vmul.f32 v3, v51;
	[tilespmem:s15+$0x8430] =	vst.add.f32.msk $0xffff, v7  }
0x20c: {  	v7 =	vld [tilespmem:s0+$0x40]  }
0x20d: {  	v2 =	vmul.f32 v2, v48;
	[tilespmem:s17+$0x8430] =	vst.add.f32.msk $0xffff, v3  }
0x20e: {  	v3 =	vld [tilespmem:s0+$0xFFFFFFC0]  }
0x20f: {  	v4 =	vmul.f32 v4, v1;
	[tilespmem:s20+$0x8430] =	vst.add.f32.msk $0xffff, v2  }
0x210: {  	v2 =	vld [tilespmem:s0+$0xFFFFFF40]  }
0x211: {  	[tilespmem:s24+$0x8430] =	vst.add.f32.msk $0xffff, v4;
	v7 =	vmul.f32 v7, v53  }
0x212: {  	v4 =	vld [tilespmem:s0+$0xC0]  }
0x213: {  	v3 =	vmul.f32 v3, v51;
	[tilespmem:s15+$0x8440] =	vst.add.f32.msk $0xffff, v7  }
0x214: {  	v7 =	vld [tilespmem:s0+$0x50]  }
0x215: {  	v2 =	vmul.f32 v2, v48;
	[tilespmem:s17+$0x8440] =	vst.add.f32.msk $0xffff, v3  }
0x216: {  	v3 =	vld [tilespmem:s0+$0xFFFFFFD0]  }
0x217: {  	v4 =	vmul.f32 v4, v1;
	[tilespmem:s20+$0x8440] =	vst.add.f32.msk $0xffff, v2  }
0x218: {  	v2 =	vld [tilespmem:s0+$0xFFFFFF50]  }
0x219: {  	[tilespmem:s24+$0x8440] =	vst.add.f32.msk $0xffff, v4;
	v7 =	vmul.f32 v7, v53  }
0x21a: {  	v4 =	vld [tilespmem:s0+$0xD0]  }
0x21b: {  	v3 =	vmul.f32 v3, v51;
	[tilespmem:s15+$0x8450] =	vst.add.f32.msk $0xffff, v7  }
0x21c: {  	v7 =	vld [tilespmem:s0+$0x60]  }
0x21d: {  	v2 =	vmul.f32 v2, v48;
	[tilespmem:s17+$0x8450] =	vst.add.f32.msk $0xffff, v3  }
0x21e: {  	v3 =	vld [tilespmem:s0+$0xFFFFFFE0]  }
0x21f: {  	v4 =	vmul.f32 v4, v1;
	[tilespmem:s20+$0x8450] =	vst.add.f32.msk $0xffff, v2  }
0x220: {  	v2 =	vld [tilespmem:s0+$0xFFFFFF60]  }
0x221: {  	[tilespmem:s24+$0x8450] =	vst.add.f32.msk $0xffff, v4;
	v7 =	vmul.f32 v7, v53  }
0x222: {  	v4 =	vld [tilespmem:s0+$0xE0]  }
0x223: {  	v3 =	vmul.f32 v3, v51;
	[tilespmem:s15+$0x8460] =	vst.add.f32.msk $0xffff, v7  }
0x224: {  	v7 =	vld [tilespmem:s0+$0x70]  }
0x225: {  	v2 =	vmul.f32 v2, v48;
	[tilespmem:s17+$0x8460] =	vst.add.f32.msk $0xffff, v3  }
0x226: {  	v3 =	vld [tilespmem:s0+$0xFFFFFFF0]  }
0x227: {  	[tilespmem:s20+$0x8460] =	vst.add.f32.msk $0xffff, v2;
	v2 =	vmul.f32 v4, v1  }
0x228: {  	v63 =	vld [tilespmem:s0+$0xFFFFFF70]  }
0x229: {  	[tilespmem:s24+$0x8460] =	vst.add.f32.msk $0xffff, v2;
	v7 =	vmul.f32 v7, v53  }
0x22a: {  	v2 =	vld [tilespmem:s0+$0xF0]  }
0x22b: {  	v3 =	vmul.f32 v3, v51;
	[tilespmem:s15+$0x8470] =	vst.add.f32.msk $0xffff, v7;
	s15 =	sshll.u32 s10, $0x4  }
0x22c: {  	[tilespmem:s15+$0x18480] =	vst.add.f32.msk $0xffff, v53  }
0x22d: {  	s25 =	sshll.u32 s2, $0x4;
	[tilespmem:s17+$0x8470] =	vst.add.f32.msk $0xffff, v3;
	v3 =	vmul.f32 v63, v48  }
.Ltmp9:
0x22e: {  	[tilespmem:s25+$0x18480] =	vst.add.f32.msk $0xffff, v51;
	(pc) =	sbr.rel .LBB2_20-.Ltmp9, $4  }
0x22f: {  	s30 =	sshll.u32 s9, $0x4;
	v2 =	vmul.f32 v2, v1;
	[tilespmem:s20+$0x8470] =	vst.add.f32.msk $0xffff, v3  }
0x230: {  	[tilespmem:s30+$0x18480] =	vst.add.f32.msk $0xffff, v48  }
0x231: {  	s31 =	sshll.u32 s19, $0x4;
	[tilespmem:s24+$0x8470] =	vst.add.f32.msk $0xffff, v2  }
0x232: {  	[tilespmem:s31+$0x18480] =	vst.add.f32.msk $0xffff, v1  }
.LBB2_15:
0x233: {  	s28 =	sadd.s32 $0x1, s28  }
0x234: {  	p0 =	sge.s32 s28, s29  }
.Ltmp10:
0x235: {  	_ = 	snop;
	(pc) =	sbr.rel @p0 .LBB2_17-.Ltmp10, $1  }
0x236: {  	_ =	sdelay $0x3  }
0x237: {  	s0 =	sadd.s32 s26, s28  }
0x238: {  	p0 =	slt.s32 s0, $0xFFF  }
0x239: {  	s0 =	simm.s32 @!p0 $0xFFF  }
0x23a: {  	s0 =	sshll.u32 s0, $0x4  }
0x23b: {  	s1 =	rddreg [dreg:$0x1];
	s0 =	sand.u32 $0x1FFFFFF0, s0  }
0x23c: {  	s1 =	sadd.s32 s1, s0  }
0x23d: {  	[tilespmem:s4], [sflag:$0x3] =	stream.linear.gather [hbm4b:s1+s4], $0x80, $0x38;
	[tilespmem:$0x1A4A0] =	vst v63  }
0x23e: {  	_ =	swait.ge [sflag:s12], $0x80  }
0x23f: {  	[sflag:s12] =	ssyncset.done $0x0  }
0x240: {  	s0 =	sadd.s32 s3, s0;
	[sflag:s12] =	ssyncadd.s32 $0xFFFFFF80  }
0x241: {  	[tilespmem:s13], [sflag:$0x3] =	stream.linear.gather [hbm4b:s0+s4], $0x80, $0x38;
	[tilespmem:$0x1A4A0] =	vst v63  }
0x242: {  	_ =	swait.ge [sflag:s12], $0x80  }
0x243: {  	[sflag:s12] =	ssyncset.done $0x0  }
0x244: {  	[sflag:s12] =	ssyncadd.s32 $0xFFFFFF80  }
0x245: {  	v1 =	vld [tilespmem:$0x100]  }
0x246: {  	v2 =	vld [tilespmem:$0x0]  }
0x247: {  	v3 =	vld [tilespmem:$0x110]  }
0x248: {  	v4 =	vld [tilespmem:$0x10]  }
0x249: {  	v5 =	vld [tilespmem:$0x120]  }
0x24a: {  	v6 =	vld [tilespmem:$0x20]  }
0x24b: {  	v7 =	vld [tilespmem:$0x130]  }
0x24c: {  	v8 =	vld [tilespmem:$0x30]  }
0x24d: {  	v9 =	vld [tilespmem:$0x140]  }
0x24e: {  	v10 =	vld [tilespmem:$0x40]  }
0x24f: {  	v11 =	vld [tilespmem:$0x150];
	v1 =	vand.u32 $0x3, v1  }
0x250: {  	v12 =	vld [tilespmem:$0x160];
	v3 =	vand.u32 $0x3, v3;
	v1 =	vmul.u32 $0x186A0, v1  }
0x251: {  	v13 =	vld [tilespmem:$0x170];
	v5 =	vand.u32 $0x3, v5;
	v3 =	vmul.u32 $0x186A0, v3  }
0x252: {  	v57 =	vld [tilespmem:$0x50];
	v56 =	vand.u32 $0x3, v7;
	v1 =	vadd.s32 v2, v1;
	v2 =	vmul.u32 $0x186A0, v5  }
0x253: {  	v59 =	vld [tilespmem:$0x60];
	v58 =	vand.u32 $0x3, v9;
	[tilespmem:$0x80] =	vst v1;
	v1 =	vadd.s32 v4, v3;
	v3 =	vmul.u32 $0x186A0, v56  }
0x254: {  	v61 =	vld [tilespmem:$0x70];
	v60 =	vand.u32 $0x3, v11;
	[tilespmem:$0x90] =	vst v1;
	v1 =	vadd.s32 v6, v2;
	v2 =	vmul.u32 $0x186A0, v58  }
0x255: {  	v62 =	vand.u32 $0x3, v12;
	[tilespmem:$0xA0] =	vst v1;
	v1 =	vadd.s32 v8, v3;
	v3 =	vmul.u32 $0x186A0, v60  }
0x256: {  	v63 =	vand.u32 $0x3, v13;
	[tilespmem:$0xB0] =	vst v1;
	v1 =	vadd.s32 v10, v2;
	v2 =	vmul.u32 $0x186A0, v62  }
0x257: {  	[tilespmem:$0xC0] =	vst v1;
	v1 =	vadd.s32 v57, v3;
	v3 =	vmul.u32 $0x186A0, v63  }
0x258: {  	[tilespmem:$0xD0] =	vst v1;
	v1 =	vadd.s32 v59, v2  }
0x259: {  	[tilespmem:$0xE0] =	vst v1;
	v1 =	vadd.s32 v61, v3  }
0x25a: {  	s31 =	simm.s32 $0x200;
	[tilespmem:$0xF0] =	vst v1  }
0x25b: {  	[tilespmem:s31], [sflag:$0x1] =	stream.indirect.gather [hbm4b:s6+s14], $0x80, s4, s14, $0xb8;
	[tilespmem:$0x1A4A0] =	vst v63  }
0x25c: {  	_ = 	snop  }
0x25d: {  	[tilespmem:s16], [sflag:$0x1] =	stream.indirect.gather [hbm4b:s7+s14], $0x1, s14, s14, $0xb8;
	[tilespmem:$0x1A4A0] =	vst v63  }
.LBB2_17:
0x25e: {  	_ =	swait.ge [sflag:s23], $0x4000  }
0x25f: {  	[sflag:s23] =	ssyncset.done $0x0  }
0x260: {  	[sflag:s23] =	ssyncadd.s32 $0xFFFFC000  }
0x261: {  	_ =	swait.ge [sflag:s23], $0x80  }
0x262: {  	[sflag:s23] =	ssyncset.done $0x0  }
0x263: {  	[sflag:s23] =	ssyncadd.s32 $0xFFFFFF80  }
0x264: {  	v1 =	vld [tilespmem:$0x4380]  }
0x265: {  	v2 =	vld [tilespmem:$0x4390]  }
0x266: {  	v3 =	vld [tilespmem:$0x43A0]  }
0x267: {  	v4 =	vld [tilespmem:$0x43B0];
	_ =	sdelay $0x1  }
0x268: {  	v5 =	vld [tilespmem:$0x43C0];
	v1 =	vmul.f32 $1.442695020e+00, v1  }
0x269: {  	v6 =	vld [tilespmem:$0x43D0];
	v2 =	vmul.f32 $1.442695020e+00, v2  }
0x26a: {  	v7 =	vld [tilespmem:$0x43E0];
	(erf) = vpow2.f32 v1;
	v1 =	vmul.f32 $1.442695020e+00, v3  }
0x26b: {  	v3 =	vld [tilespmem:$0x43F0];
	(erf) = vpow2.f32 v2;
	v2 =	vmul.f32 $1.442695020e+00, v4  }
0x26c: {  	(erf) = vpow2.f32 v1  }
0x26d: {  	v1 =	vmul.f32 $1.442695020e+00, v5;
	(erf) = vpow2.f32 v2  }
0x26e: {  	v2 =	vmul.f32 $1.442695020e+00, v6  }
0x26f: {  	(erf) = vpow2.f32 v1;
	v1 =	vmul.f32 $1.442695020e+00, v7  }
0x270: {  	(erf) = vpow2.f32 v2;
	v2 =	vmul.f32 $1.442695020e+00, v3  }
0x271: {  	(erf) = vpow2.f32 v1  }
0x272: {  	(erf) = vpow2.f32 v2  }
0x273: {  	v1 =	vpop (erf)  }
0x274: {  	s0 =	simm.s32 $0x2;
	v2 =	vpop (erf);
	[tilespmem:$0x4380] =	vst v1  }
0x275: {  	s2 =	simm.s32 $0x1;
	v1 =	vmov s0;
	v3 =	vpop (erf);
	[tilespmem:$0x4390] =	vst v2  }
0x276: {  	s1 =	simm.s32 $0x0;
	v1 =	vand.u32 $0xFFFFFFFE, v1;
	v2 =	vpop (erf);
	[tilespmem:$0x43A0] =	vst v3;
	v3 =	vmov s2  }
0x277: {  	v1 =	vbroadcast v1, $0x0;
	[tilespmem:$0x43B0] =	vst v2;
	v2 =	vmov s1;
	v3 =	vand.u32 $0xFFFFFFFD, v3  }
0x278: {  	v4 =	vpop (erf);
	v2 =	vand.u32 $0xFFFFFFFC, v2  }
0x279: {  	v5 =	vpop (erf);
	[tilespmem:$0x43C0] =	vst v4;
	v4 =	vbroadcast v3, $0x0  }
0x27a: {  	[tilespmem:$0x43D0] =	vst v5;
	v5 =	vbroadcast v2, $0x0;
	v3 =	vpop (erf)  }
0x27b: {  	[tilespmem:$0x43E0] =	vst v3;
	v2 =	vpop (erf)  }
0x27c: {  	[tilespmem:$0x43F0] =	vst v2  }
0x27d: {  	s9 =	simm.s32 $0x3;
	v3 =	vld.idx.msk [tilespmem:v1+s18+$0x0], $0xffff  }
0x27e: {  	v2 =	vmov s9  }
0x27f: {  	v6 =	vld.idx.msk [tilespmem:v4+s18+$0x0], $0xffff  }
0x280: {  	v7 =	vld.idx.msk [tilespmem:v5+s18+$0x0], $0xffff;
	_ =	sdelay $0x1  }
0x281: {  	(v2sf) =	vpush v3, $0x0  }
0x282: {  	v8 =	vld.idx.msk [tilespmem:v2+s18+$0x0], $0xffff  }
0x283: {  	(v2sf) =	vpush v6, $0x0  }
0x284: {  	(v2sf) =	vpush v7, $0x0;
	_ =	sdelay $0x2  }
0x285: {  	(v2sf) =	vpush v8, $0x0;
	_ =	sdelay $0x3  }
0x286: {  	v3 =	vld.idx.msk [tilespmem:v5+s21+$0x0], $0xffff  }
0x287: {  	s0 =	simm.s32 $0x4500;
	v5 =	vld.idx.msk [tilespmem:v1+s21+$0x0], $0xffff  }
0x288: {  	v1 =	vld [tilespmem:s0+$0x0]  }
0x289: {  	v4 =	vld.idx.msk [tilespmem:v4+s21+$0x0], $0xffff  }
0x28a: {  	v6 =	vld [tilespmem:s0+$0xFFFFFF80]  }
0x28b: {  	v7 =	vld [tilespmem:s0+$0xFFFFFF00];
	s10 =	spop (v2sf)  }
0x28c: {  	s1 =	ssub.s32 s10, s5  }
0x28d: {  	v2 =	vld.idx.msk [tilespmem:v2+s21+$0x0], $0xffff;
	v1 =	vmul.f32 v1, v5;
	s15 =	spop (v2sf);
	s19 =	smin.u32 s1, $0x200  }
0x28e: {  	v8 =	vld [tilespmem:s0+$0x80];
	s1 =	ssub.s32 s15, s5;
	s2 =	spop (v2sf);
	s20 =	sshll.u32 s19, $0x7  }
0x28f: {  	v6 =	vmul.f32 v6, v4;
	s2 =	ssub.s32 s2, s5;
	s24 =	smin.u32 s1, $0x200;
	[tilespmem:s20+$0x8400] =	vst.add.f32.msk $0xffff, v1  }
0x290: {  	v1 =	vmul.f32 v7, v3;
	s2 =	smin.u32 s2, $0x200;
	s10 =	sshll.u32 s24, $0x7;
	v7 =	vld [tilespmem:s0+$0x10]  }
0x291: {  	s17 =	spop (v2sf);
	s9 =	sshll.u32 s2, $0x7;
	[tilespmem:s10+$0x8400] =	vst.add.f32.msk $0xffff, v6  }
0x292: {  	s1 =	ssub.s32 s17, s5;
	[tilespmem:s9+$0x8400] =	vst.add.f32.msk $0xffff, v1  }
0x293: {  	v8 =	vmul.f32 v8, v2;
	s30 =	smin.u32 s1, $0x200;
	v1 =	vld [tilespmem:s0+$0xFFFFFF90]  }
0x294: {  	s31 =	sshll.u32 s30, $0x7;
	v6 =	vld [tilespmem:s0+$0xFFFFFF10]  }
0x295: {  	[tilespmem:s31+$0x8400] =	vst.add.f32.msk $0xffff, v8;
	v7 =	vmul.f32 v7, v5  }
0x296: {  	v8 =	vld [tilespmem:s0+$0x90]  }
0x297: {  	[tilespmem:s20+$0x8410] =	vst.add.f32.msk $0xffff, v7  }
0x298: {  	v7 =	vld [tilespmem:s0+$0x20]  }
0x299: {  	v1 =	vmul.f32 v1, v4;
	_ =	sdelay $0x1  }
0x29a: {  	v6 =	vmul.f32 v6, v3;
	[tilespmem:s10+$0x8410] =	vst.add.f32.msk $0xffff, v1  }
0x29b: {  	v1 =	vmul.f32 v8, v2;
	v8 =	vld [tilespmem:s0+$0xFFFFFFA0]  }
0x29c: {  	[tilespmem:s9+$0x8410] =	vst.add.f32.msk $0xffff, v6;
	v6 =	vmul.f32 v7, v5  }
0x29d: {  	s25 =	simm.s32 $0x7;
	v10 =	vld [tilespmem:s0+$0xFFFFFF20]  }
0x29e: {  	v7 =	vmov s25;
	[tilespmem:s20+$0x8420] =	vst.add.f32.msk $0xffff, v6  }
0x29f: {  	v9 =	vld [tilespmem:s0+$0x30]  }
0x2a0: {  	[tilespmem:s31+$0x8410] =	vst.add.f32.msk $0xffff, v1;
	v8 =	vmul.f32 v8, v4  }
0x2a1: {  	v11 =	vld [tilespmem:s0+$0xA0]  }
0x2a2: {  	[tilespmem:s10+$0x8420] =	vst.add.f32.msk $0xffff, v8  }
0x2a3: {  	v1 =	vld.idx.msk [tilespmem:v7+s21+$0x0], $0xffff  }
0x2a4: {  	v6 =	vld.idx.msk [tilespmem:v7+s18+$0x0], $0xffff;
	v7 =	vmul.f32 v9, v5  }
0x2a5: {  	v8 =	vld [tilespmem:s0+$0xFFFFFFB0]  }
0x2a6: {  	v9 =	vmul.f32 v10, v3;
	[tilespmem:s20+$0x8430] =	vst.add.f32.msk $0xffff, v7  }
0x2a7: {  	s15 =	simm.s32 $0x4;
	v7 =	vmul.f32 v11, v2;
	v10 =	vld [tilespmem:s0+$0x40]  }
0x2a8: {  	v11 =	vmov s15;
	[tilespmem:s9+$0x8420] =	vst.add.f32.msk $0xffff, v9  }
0x2a9: {  	v9 =	vand.u32 $0xFFFFFFFC, v11;
	[tilespmem:s31+$0x8420] =	vst.add.f32.msk $0xffff, v7  }
0x2aa: {  	v8 =	vmul.f32 v8, v4;
	v7 =	vbroadcast v9, $0x0;
	v9 =	vld [tilespmem:s0+$0xFFFFFF30]  }
0x2ab: {  	v11 =	vld [tilespmem:s0+$0xB0]  }
0x2ac: {  	[tilespmem:s10+$0x8430] =	vst.add.f32.msk $0xffff, v8;
	v8 =	vmul.f32 v10, v5  }
0x2ad: {  	v10 =	vld [tilespmem:s0+$0xFFFFFFC0]  }
0x2ae: {  	[tilespmem:s20+$0x8440] =	vst.add.f32.msk $0xffff, v8  }
0x2af: {  	v8 =	vmul.f32 v9, v3;
	v12 =	vld [tilespmem:s0+$0x50]  }
0x2b0: {  	s17 =	simm.s32 $0x5;
	v9 =	vld.idx.msk [tilespmem:v7+s18+$0x0], $0xffff;
	v11 =	vmul.f32 v11, v2  }
0x2b1: {  	v13 =	vmov s17;
	[tilespmem:s9+$0x8430] =	vst.add.f32.msk $0xffff, v8  }
0x2b2: {  	v8 =	vand.u32 $0xFFFFFFFD, v13;
	[tilespmem:s31+$0x8430] =	vst.add.f32.msk $0xffff, v11  }
0x2b3: {  	v10 =	vmul.f32 v10, v4;
	v8 =	vbroadcast v8, $0x0;
	v13 =	vld [tilespmem:s0+$0xFFFFFF40]  }
0x2b4: {  	v14 =	vld [tilespmem:s0+$0xC0];
	v11 =	vmul.f32 v12, v5  }
0x2b5: {  	[tilespmem:s10+$0x8440] =	vst.add.f32.msk $0xffff, v10  }
0x2b6: {  	[tilespmem:s20+$0x8450] =	vst.add.f32.msk $0xffff, v11  }
0x2b7: {  	v11 =	vld [tilespmem:s0+$0x60]  }
0x2b8: {  	s25 =	simm.s32 $0x6;
	v12 =	vld [tilespmem:s0+$0xFFFFFFD0];
	v13 =	vmul.f32 v13, v3  }
0x2b9: {  	v15 =	vmov s25;
	s15 =	simm.s32 $0x8;
	v14 =	vmul.f32 v14, v2;
	v10 =	vld.idx.msk [tilespmem:v8+s18+$0x0], $0xffff  }
.LBB2_18:
0x2ba: {  	p0 =	slt.u32 s15, $0x7C;
	v15 =	vand.u32 $0xFFFFFFFE, v15;
	[tilespmem:s9+$0x8440] =	vst.add.f32.msk $0xffff, v13  }
0x2bb: {  	v13 =	vbroadcast v15, $0x0;
	[tilespmem:s31+$0x8440] =	vst.add.f32.msk $0xffff, v14  }
0x2bc: {  	v11 =	vmul.f32 v11, v5;
	v14 =	vld [tilespmem:s0+$0xFFFFFF50]  }
0x2bd: {  	v12 =	vmul.f32 v12, v4;
	v15 =	vld [tilespmem:s0+$0xD0]  }
0x2be: {  	[tilespmem:s20+$0x8460] =	vst.add.f32.msk $0xffff, v11  }
0x2bf: {  	v11 =	vld [tilespmem:s0+$0x70]  }
0x2c0: {  	[tilespmem:s10+$0x8450] =	vst.add.f32.msk $0xffff, v12  }
0x2c1: {  	v12 =	vld.idx.msk [tilespmem:v13+s18+$0x0], $0xffff;
	v14 =	vmul.f32 v14, v3  }
0x2c2: {  	v16 =	vld [tilespmem:s0+$0xFFFFFFE0];
	v15 =	vmul.f32 v15, v2  }
0x2c3: {  	[tilespmem:s9+$0x8450] =	vst.add.f32.msk $0xffff, v14  }
0x2c4: {  	v11 =	vmul.f32 v11, v5;
	[tilespmem:s31+$0x8450] =	vst.add.f32.msk $0xffff, v15  }
0x2c5: {  	v14 =	vld [tilespmem:s0+$0xFFFFFF60]  }
0x2c6: {  	s1 =	sshll.u32 s19, $0x4;
	[tilespmem:s20+$0x8470] =	vst.add.f32.msk $0xffff, v11  }
0x2c7: {  	(v2sf) =	vpush v12, $0x0;
	v11 =	vmul.f32 v16, v4;
	[tilespmem:s1+$0x18480] =	vst.add.f32.msk $0xffff, v5  }
0x2c8: {  	v5 =	vld [tilespmem:s0+$0xE0]  }
0x2c9: {  	(v2sf) =	vpush v10, $0x0;
	[tilespmem:s10+$0x8460] =	vst.add.f32.msk $0xffff, v11  }
0x2ca: {  	(v2sf) =	vpush v9, $0x0;
	v9 =	vmul.f32 v14, v3;
	v10 =	vld [tilespmem:s0+$0xFFFFFFF0]  }
0x2cb: {  	v7 =	vld.idx.msk [tilespmem:v7+s21+$0x0], $0xffff;
	(v2sf) =	vpush v6, $0x0  }
0x2cc: {  	[tilespmem:s9+$0x8460] =	vst.add.f32.msk $0xffff, v9  }
0x2cd: {  	v6 =	vld [tilespmem:s0+$0xFFFFFF70];
	v5 =	vmul.f32 v5, v2  }
0x2ce: {  	v8 =	vld.idx.msk [tilespmem:v8+s21+$0x0], $0xffff  }
0x2cf: {  	v9 =	vmul.f32 v10, v4;
	[tilespmem:s31+$0x8460] =	vst.add.f32.msk $0xffff, v5  }
0x2d0: {  	v10 =	vld [tilespmem:s0+$0xF0]  }
0x2d1: {  	[tilespmem:s10+$0x8470] =	vst.add.f32.msk $0xffff, v9  }
0x2d2: {  	s0 =	sadd.s32 $0x200, s0;
	v5 =	vld.idx.msk [tilespmem:v13+s21+$0x0], $0xffff;
	v6 =	vmul.f32 v6, v3  }
0x2d3: {  	v9 =	vld [tilespmem:s0+$0x0]  }
0x2d4: {  	v11 =	vld [tilespmem:s0+$0xFFFFFF00]  }
0x2d5: {  	v12 =	vld [tilespmem:s0+$0xFFFFFF80];
	v10 =	vmul.f32 v10, v2  }
0x2d6: {  	s10 =	sshll.u32 s24, $0x4;
	v13 =	vld [tilespmem:s0+$0x80];
	s1 =	spop (v2sf)  }
0x2d7: {  	s1 =	ssub.s32 s1, s5;
	[tilespmem:s10+$0x18480] =	vst.add.f32.msk $0xffff, v4;
	v4 =	vmov v8  }
0x2d8: {  	s2 =	sshll.u32 s2, $0x4;
	s19 =	smin.u32 s1, $0x200;
	v8 =	vmul.f32 v9, v5;
	s1 =	spop (v2sf);
	[tilespmem:s9+$0x8470] =	vst.add.f32.msk $0xffff, v6  }
0x2d9: {  	v6 =	vmul.f32 v11, v7;
	s1 =	ssub.s32 s1, s5;
	s20 =	sshll.u32 s19, $0x7;
	s9 =	spop (v2sf);
	[tilespmem:s2+$0x18480] =	vst.add.f32.msk $0xffff, v3;
	v3 =	vmov v7  }
0x2da: {  	s2 =	ssub.s32 s9, s5;
	s24 =	smin.u32 s1, $0x200;
	v7 =	vmul.f32 v12, v4;
	[tilespmem:s20+$0x8400] =	vst.add.f32.msk $0xffff, v8;
	s1 =	spop (v2sf)  }
0x2db: {  	s2 =	smin.u32 s2, $0x200;
	s10 =	sshll.u32 s24, $0x7;
	v8 =	vld [tilespmem:s0+$0x10];
	s1 =	ssub.s32 s1, s5;
	v9 =	vmul.f32 v13, v1  }
0x2dc: {  	s9 =	sshll.u32 s2, $0x7;
	[tilespmem:s10+$0x8400] =	vst.add.f32.msk $0xffff, v7;
	s1 =	smin.u32 s1, $0x200  }
0x2dd: {  	[tilespmem:s9+$0x8400] =	vst.add.f32.msk $0xffff, v6;
	s17 =	sshll.u32 s1, $0x7  }
0x2de: {  	[tilespmem:s17+$0x8400] =	vst.add.f32.msk $0xffff, v9  }
0x2df: {  	v6 =	vld [tilespmem:s0+$0xFFFFFF90]  }
0x2e0: {  	v7 =	vld [tilespmem:s0+$0xFFFFFF10];
	v8 =	vmul.f32 v8, v5  }
0x2e1: {  	v9 =	vld [tilespmem:s0+$0x90]  }
0x2e2: {  	[tilespmem:s20+$0x8410] =	vst.add.f32.msk $0xffff, v8  }
0x2e3: {  	v8 =	vld [tilespmem:s0+$0x20]  }
0x2e4: {  	s25 =	sshll.u32 s30, $0x4;
	s30 =	smov.u32 s1;
	v6 =	vmul.f32 v6, v4;
	[tilespmem:s31+$0x8470] =	vst.add.f32.msk $0xffff, v10;
	s31 =	smov.u32 s17  }
0x2e5: {  	v7 =	vmul.f32 v7, v3;
	[tilespmem:s25+$0x18480] =	vst.add.f32.msk $0xffff, v2;
	v2 =	vmov v1  }
0x2e6: {  	[tilespmem:s10+$0x8410] =	vst.add.f32.msk $0xffff, v6;
	v1 =	vmul.f32 v9, v2  }
0x2e7: {  	[tilespmem:s9+$0x8410] =	vst.add.f32.msk $0xffff, v7  }
0x2e8: {  	s1 =	sadd.s32 $0x3, s15;
	v6 =	vmul.f32 v8, v5;
	[tilespmem:s31+$0x8410] =	vst.add.f32.msk $0xffff, v1  }
0x2e9: {  	v7 =	vmov s1;
	v8 =	vld [tilespmem:s0+$0xFFFFFFA0]  }
0x2ea: {  	[tilespmem:s20+$0x8420] =	vst.add.f32.msk $0xffff, v6  }
0x2eb: {  	v9 =	vld [tilespmem:s0+$0x30]  }
0x2ec: {  	v10 =	vld [tilespmem:s0+$0xFFFFFF20]  }
0x2ed: {  	v11 =	vld [tilespmem:s0+$0xA0]  }
0x2ee: {  	v1 =	vld.idx.msk [tilespmem:v7+s21+$0x0], $0xffff;
	v8 =	vmul.f32 v8, v4  }
0x2ef: {  	v6 =	vld.idx.msk [tilespmem:v7+s18+$0x0], $0xffff  }
0x2f0: {  	[tilespmem:s10+$0x8420] =	vst.add.f32.msk $0xffff, v8;
	v7 =	vmul.f32 v9, v5  }
0x2f1: {  	v8 =	vmul.f32 v10, v3;
	v9 =	vld [tilespmem:s0+$0xFFFFFFB0]  }
0x2f2: {  	[tilespmem:s20+$0x8430] =	vst.add.f32.msk $0xffff, v7;
	v7 =	vmul.f32 v11, v2  }
0x2f3: {  	v10 =	vld [tilespmem:s0+$0x40]  }
0x2f4: {  	v11 =	vmov s15;
	[tilespmem:s9+$0x8420] =	vst.add.f32.msk $0xffff, v8  }
0x2f5: {  	v8 =	vand.u32 $0xFFFFFFFC, v11;
	[tilespmem:s31+$0x8420] =	vst.add.f32.msk $0xffff, v7  }
0x2f6: {  	v7 =	vbroadcast v8, $0x0;
	v8 =	vld [tilespmem:s0+$0xFFFFFF30];
	v9 =	vmul.f32 v9, v4  }
0x2f7: {  	v11 =	vld [tilespmem:s0+$0xB0]  }
0x2f8: {  	[tilespmem:s10+$0x8430] =	vst.add.f32.msk $0xffff, v9;
	v9 =	vmul.f32 v10, v5  }
0x2f9: {  	v10 =	vld [tilespmem:s0+$0xFFFFFFC0]  }
0x2fa: {  	[tilespmem:s20+$0x8440] =	vst.add.f32.msk $0xffff, v9  }
0x2fb: {  	v8 =	vmul.f32 v8, v3;
	v12 =	vld [tilespmem:s0+$0x50]  }
0x2fc: {  	s1 =	sadd.s32 $0x1, s15;
	v9 =	vld.idx.msk [tilespmem:v7+s18+$0x0], $0xffff;
	v11 =	vmul.f32 v11, v2  }
0x2fd: {  	v13 =	vmov s1;
	[tilespmem:s9+$0x8430] =	vst.add.f32.msk $0xffff, v8  }
0x2fe: {  	v8 =	vand.u32 $0xFFFFFFFD, v13;
	v10 =	vmul.f32 v10, v4;
	[tilespmem:s31+$0x8430] =	vst.add.f32.msk $0xffff, v11  }
0x2ff: {  	v8 =	vbroadcast v8, $0x0;
	v13 =	vld [tilespmem:s0+$0xFFFFFF40]  }
0x300: {  	v11 =	vmul.f32 v12, v5;
	v14 =	vld [tilespmem:s0+$0xC0]  }
.Ltmp11:
0x301: {  	[tilespmem:s10+$0x8440] =	vst.add.f32.msk $0xffff, v10;
	(pc) =	sbr.rel @p0 .LBB2_18-.Ltmp11, $4  }
0x302: {  	[tilespmem:s20+$0x8450] =	vst.add.f32.msk $0xffff, v11  }
0x303: {  	v11 =	vld [tilespmem:s0+$0x60]  }
0x304: {  	s1 =	sadd.s32 $0x2, s15;
	v13 =	vmul.f32 v13, v3;
	v12 =	vld [tilespmem:s0+$0xFFFFFFD0]  }
0x305: {  	v15 =	vmov s1;
	s15 =	sadd.s32 $0x4, s15;
	v10 =	vld.idx.msk [tilespmem:v8+s18+$0x0], $0xffff;
	v14 =	vmul.f32 v14, v2  }
.Ltmp12:
0x306: {  	_ = 	snop;
	(pc) =	sbr.rel .LBB2_19-.Ltmp12, $1  }
0x307: {  	_ =	sdelay $0x3  }
.LBB2_21:
0x308: {  	s0 =	simm.s32 $0x0  }
0x309: {  	v1 =	vld [tilespmem:s0+$0x18480];
	_ =	sdelay $0x4  }
0x30a: {  	(erf) = vrcp.f32 v1;
	_ =	sdelay $0x4  }
0x30b: {  	s0 =	simm.s32 $0x8440  }
0x30c: {  	v2 =	vld [tilespmem:s0+$0xFFFFFFC0]  }
0x30d: {  	v3 =	vld [tilespmem:s0+$0xFFFFFFD0]  }
0x30e: {  	v4 =	vld [tilespmem:s0+$0xFFFFFFE0]  }
0x30f: {  	v7 =	vld [tilespmem:s0+$0x10];
	vm0 =	vgt.f32 v1, $0.0e+00;
	v1 =	vpop (erf)  }
0x310: {  	v5 =	vld [tilespmem:s0+$0xFFFFFFF0];
	v1 =	vnsel vm0, $0x0, v1  }
0x311: {  	v6 =	vld [tilespmem:s0+$0x0];
	v2 =	vmul.f32 v1, v2  }
0x312: {  	v8 =	vld [tilespmem:s0+$0x20];
	v3 =	vmul.f32 v3, v1  }
0x313: {  	v9 =	vld [tilespmem:s0+$0x30];
	v4 =	vmul.f32 v4, v1;
	[tilespmem:s0+$0xFFFFFFC0] =	vst v2  }
0x314: {  	v63 =	vmul.f32 v7, v1;
	[tilespmem:s0+$0xFFFFFFD0] =	vst v3  }
0x315: {  	v2 =	vmul.f32 v5, v1;
	[tilespmem:s0+$0xFFFFFFE0] =	vst v4  }
0x316: {  	v3 =	vmul.f32 v6, v1;
	[tilespmem:s0+$0x10] =	vst v63  }
0x317: {  	[tilespmem:s0+$0xFFFFFFF0] =	vst v2;
	v2 =	vmul.f32 v8, v1  }
0x318: {  	[tilespmem:s0+$0x0] =	vst v3;
	v1 =	vmul.f32 v9, v1  }
0x319: {  	[tilespmem:s0+$0x20] =	vst v2  }
0x31a: {  	s9 =	simm.s32 $0x10;
	s2 =	simm.s32 $0x80;
	[tilespmem:s0+$0x30] =	vst v1  }
.LBB2_22:
0x31b: {  	p0 =	sne.s32 s2, $0x7FC0;
	v1 =	vld [tilespmem:s9+$0x18480];
	_ =	sdelay $0x4  }
0x31c: {  	(erf) = vrcp.f32 v1  }
0x31d: {  	s0 =	sadd.s32 $0x80, s0  }
0x31e: {  	v2 =	vld [tilespmem:s0+$0xFFFFFFF0]  }
0x31f: {  	v3 =	vld [tilespmem:s0+$0x30]  }
0x320: {  	v4 =	vld [tilespmem:s0+$0x10]  }
0x321: {  	v5 =	vld [tilespmem:s0+$0xFFFFFFD0]  }
0x322: {  	v6 =	vld [tilespmem:s0+$0xFFFFFFC0]  }
0x323: {  	v7 =	vld [tilespmem:s0+$0xFFFFFFE0]  }
0x324: {  	v8 =	vld [tilespmem:s0+$0x0]  }
0x325: {  	vm0 =	vgt.f32 v1, $0.0e+00;
	v1 =	vld [tilespmem:s0+$0x20];
	v9 =	vpop (erf)  }
0x326: {  	v9 =	vnsel vm0, $0x0, v9  }
0x327: {  	v6 =	vmul.f32 v9, v6;
	v5 =	vmul.f32 v5, v9  }
0x328: {  	v2 =	vmul.f32 v2, v9;
	v7 =	vmul.f32 v7, v9  }
0x329: {  	v4 =	vmul.f32 v4, v9;
	[tilespmem:s0+$0xFFFFFFC0] =	vst v6;
	v6 =	vmul.f32 v8, v9  }
0x32a: {  	v3 =	vmul.f32 v3, v9;
	[tilespmem:s0+$0xFFFFFFD0] =	vst v5;
	v1 =	vmul.f32 v1, v9  }
0x32b: {  	[tilespmem:s0+$0xFFFFFFE0] =	vst v7  }
.Ltmp13:
0x32c: {  	[tilespmem:s0+$0xFFFFFFF0] =	vst v2;
	(pc) =	sbr.rel @p0 .LBB2_22-.Ltmp13, $4  }
0x32d: {  	[tilespmem:s0+$0x0] =	vst v6  }
0x32e: {  	[tilespmem:s0+$0x10] =	vst v4  }
0x32f: {  	[tilespmem:s0+$0x20] =	vst v1  }
0x330: {  	s9 =	sshra.s32 s2, $0x2;
	s2 =	sadd.s32 $0x40, s2;
	[tilespmem:s0+$0x30] =	vst v3  }
0x331: {  	v1 =	vld [tilespmem:s9+$0x18480];
	_ =	sdelay $0x4  }
0x332: {  	(erf) = vrcp.f32 v1;
	_ =	sdelay $0x4  }
0x333: {  	s0 =	sadd.s32 $0x80, s0  }
0x334: {  	v2 =	vld [tilespmem:s0+$0xFFFFFFC0]  }
0x335: {  	v3 =	vld [tilespmem:s0+$0xFFFFFFD0]  }
0x336: {  	v4 =	vld [tilespmem:s0+$0xFFFFFFE0]  }
0x337: {  	v7 =	vld [tilespmem:s0+$0x10];
	vm0 =	vgt.f32 v1, $0.0e+00;
	v1 =	vpop (erf)  }
0x338: {  	v5 =	vld [tilespmem:s0+$0xFFFFFFF0];
	v1 =	vnsel vm0, $0x0, v1  }
0x339: {  	v6 =	vld [tilespmem:s0+$0x0];
	v2 =	vmul.f32 v1, v2  }
0x33a: {  	v8 =	vld [tilespmem:s0+$0x20];
	v3 =	vmul.f32 v3, v1  }
0x33b: {  	v9 =	vld [tilespmem:s0+$0x30];
	v4 =	vmul.f32 v4, v1;
	[tilespmem:s0+$0xFFFFFFC0] =	vst v2  }
0x33c: {  	v63 =	vmul.f32 v7, v1;
	[tilespmem:s0+$0xFFFFFFD0] =	vst v3  }
0x33d: {  	v2 =	vmul.f32 v5, v1;
	[tilespmem:s0+$0xFFFFFFE0] =	vst v4  }
0x33e: {  	v3 =	vmul.f32 v6, v1;
	[tilespmem:s0+$0x10] =	vst v63  }
0x33f: {  	[tilespmem:s0+$0xFFFFFFF0] =	vst v2;
	v2 =	vmul.f32 v8, v1  }
0x340: {  	[tilespmem:s0+$0x0] =	vst v3;
	v1 =	vmul.f32 v9, v1  }
0x341: {  	[tilespmem:s0+$0x20] =	vst v2  }
0x342: {  	s29 =	rddreg [dreg:$0x4];
	s1 =	simm.s32 $0x8400;
	[tilespmem:s0+$0x30] =	vst v1  }
0x343: {  	[hbm4b:s29+s4] =	stream.linear.scatter [tilespmem:s1], [sflag:$0x3], $0x10000, $0x38;
	[tilespmem:$0x1A4A0] =	vst v63  }
0x344: {  	_ =	swait.ge [sflag:s12], $0x10000  }
0x345: {  	s30 =	rddreg [dreg:$0x6]  }
0x346: {  	s31 =	rddreg [dreg:$0x5];
	s1 =	sadd.s32 $0x1, s30  }
0x347: {  	p0 =	sne.s32 s1, s31  }
.Ltmp14:
0x348: {  	_ = 	snop;
	(pc) =	sbr.rel @p0 .LBB2_1-.Ltmp14, $3  }
0x349: {  	_ =	sdelay $0x1  }
0x34a: {  	[sflag:s12] =	ssyncset.done $0x0  }
0x34b: {  	[sflag:s12] =	ssyncadd.s32 $0xFFFF0000  }
0x34c: {  	_ =	sfence.sel $0x180000  }
0x34d: {  	[bflag:$0x0] =	sbarrier.arrive $0xFFFF  }
0x34e: {  	_ =	strace $0x90000047  }
0x34f: {  	s0 =	stileid.u32;
	[bflag:$0x2] =	sbarrier.arrive $0xFFFF  }
0x350: {  	p0 =	sne.s32 s0, $0x0;
	s0 =	rddreg [dreg:$0x3]  }
0x351: {  	s0 =	sadd.s32 @!p0 $0x100000, s0  }
0x352: {  	[sflag:s0] =	ssyncadd.tile.s32 @!p0 $0x1;
	_ =	shalt  }
.Lfunc_end2:
_tile_overlayer_lowered:
.L_overlay_start_2:
0x353: {  	(tag) =	ssettag $0x2  }
0x354: {  	s0 =	rddreg [dreg:$0x0];
	s2 =	stileid.u32  }
0x355: {  	s1 =	rddreg [dreg:$0x1];
	p0 =	sne.s32 s2, $0x0  }
0x356: {  	s3 =	rddreg [dreg:$0x2];
	[bflag:$0x3] =	sbarrier.arrive $0xFFFF;
	s2 =	simm.s32 @!p0 $0x1C03  }
0x357: {  	[timem:s3], [sflag:s2] =	dma.local @!p0 [hbm:s0], s1  }
0x358: {  	s0 =	simm.s32 @!p0 $0x3  }
0x359: {  	_ =	swait.ge @!p0 [sflag:s0], s1  }
0x35a: {  	s1 =	ssub.s32 @!p0 $0x0, s1;
	[sflag:s0] =	ssyncset.done @!p0 $0x0  }
0x35b: {  	[sflag:s0] =	ssyncadd.s32 @!p0 s1  }
0x35c: {  	[bflag:$0x3] =	sbarrier.arrive $0xFFFF  }
0x35d: {  	_ =	shalt  }

</sc_bundles>
